<compile_context>
chip_gen: v7x
topology: tpu7x:2x2x1
jax: 0.10.2.dev20260603
libtpu: 0.0.44.dev20260713+nightly
codegen_flags: <defaults>
</compile_context>

<pallas_src>
import functools

import jax
import jax.numpy as jnp
from jax import lax
from jax.experimental import pallas as pl
from jax.experimental.pallas import tpu as pltpu
from jax.experimental.pallas import tpu_sc as plsc

_BIN_SIZE = 4096
_CHUNK = 512
_NBUF = 8
_AHEAD = 4


def _ffd_bins(lengths, bin_size):
    order = sorted(range(len(lengths)), key=lambda i: lengths[i], reverse=True)
    bins = [[]]
    for idx in order:
        L = lengths[idx]
        placed = False
        for b in bins:
            if sum(lengths[j] for j in b) + L <= bin_size:
                b.append(idx)
                placed = True
                break
        if not placed:
            bins.append([idx])
    return bins


def _pack_payload(seqs, lengths, hidden, copies, pads, nbins, max_len):
    plan = []
    for (b, dst0, j) in copies:
        for rel in range(0, lengths[j], _CHUNK):
            cnt = min(_CHUNK, lengths[j] - rel)
            plan.append((j, b, dst0 + rel, rel, cnt))
    nchunks = len(plan)
    nzdma = sum((p + _CHUNK - 1) // _CHUNK for (_, _, p) in pads)

    def body(*refs):
        seq_refs = refs[:8]
        out_ref = refs[8]
        bufs = list(refs[9:9 + _NBUF])
        zbuf = refs[9 + _NBUF]
        rsems = refs[10 + _NBUF]
        wsems = refs[11 + _NBUF]
        zsems = refs[12 + _NBUF]

        rh = [None] * nchunks
        wh = [None] * nchunks

        def start_read(i):
            j, b, dst, src, cnt = plan[i]
            rh[i] = pltpu.make_async_copy(
                seq_refs[j].at[pl.ds(src, cnt), :],
                bufs[i % _NBUF].at[pl.ds(0, cnt)],
                rsems.at[i % _NBUF],
            )
            rh[i].start()

        def start_write(i):
            j, b, dst, src, cnt = plan[i]
            wh[i] = pltpu.make_async_copy(
                bufs[i % _NBUF].at[pl.ds(0, cnt)],
                out_ref.at[b, pl.ds(dst, cnt), :],
                wsems.at[i % _NBUF],
            )
            wh[i].start()

        for i in range(min(_AHEAD, nchunks)):
            start_read(i)

        zbuf[...] = jnp.zeros((_CHUNK, hidden), jnp.float32)
        aux = []
        zi = 0
        for (b, off, p) in pads:
            for z0 in range(0, p, _CHUNK):
                zc = min(_CHUNK, p - z0)
                h = pltpu.make_async_copy(
                    zbuf.at[pl.ds(0, zc)],
                    out_ref.at[b, pl.ds(off + z0, zc), :],
                    zsems.at[zi],
                )
                h.start()
                aux.append(h)
                zi += 1

        waited = set()
        for i in range(nchunks):
            if i + _AHEAD < nchunks:
                prev = i + _AHEAD - _NBUF
                if prev >= 0:
                    wh[prev].wait()
                    waited.add(prev)
                start_read(i + _AHEAD)
            rh[i].wait()
            start_write(i)

        for i in range(nchunks):
            if i not in waited:
                wh[i].wait()
        for h in aux:
            h.wait()

    return pl.pallas_call(
        body,
        in_specs=[pl.BlockSpec(memory_space=pltpu.MemorySpace.HBM)] * 8,
        out_specs=pl.BlockSpec(memory_space=pltpu.MemorySpace.HBM),
        out_shape=jax.ShapeDtypeStruct((nbins, max_len, hidden), jnp.float32),
        scratch_shapes=(
            [pltpu.VMEM((_CHUNK, hidden), jnp.float32)] * _NBUF
            + [
                pltpu.VMEM((_CHUNK, hidden), jnp.float32),
                pltpu.SemaphoreType.DMA((_NBUF,)),
                pltpu.SemaphoreType.DMA((_NBUF,)),
                pltpu.SemaphoreType.DMA((max(nzdma, 1),)),
            ]
        ),
    )(*seqs)


def _pack_mask(used, nbins, max_len):
    info = plsc.get_sparse_core_info()
    NC, NS = int(info.num_cores), int(info.num_subcores)
    W = NC * NS
    assert max_len % (W * 16) == 0
    km = max_len // W

    mesh = plsc.VectorSubcoreMesh(core_axis_name="c", subcore_axis_name="s")

    @functools.partial(
        pl.kernel,
        mesh=mesh,
        out_type=jax.ShapeDtypeStruct((nbins, max_len), jnp.float32),
        scratch_types=[
            pltpu.VMEM((nbins, km), jnp.float32),
            pltpu.SemaphoreType.DMA,
        ],
    )
    def _mask(mask_ref, mbuf, sem):
        wid = lax.axis_index("s") * NC + lax.axis_index("c")
        iot = lax.iota(jnp.int32, 16)
        col0 = wid * km
        handles = []
        for b in range(nbins):
            for jj in range(km // 16):
                col = col0 + jj * 16 + iot
                mbuf[b, pl.ds(jj * 16, 16)] = jnp.where(
                    col < used[b], jnp.float32(1.0), jnp.float32(0.0)
                )
            handles.append(
                pltpu.async_copy(
                    mbuf.at[pl.ds(b, 1)],
                    mask_ref.at[pl.ds(b, 1), pl.ds(col0, km)],
                    sem,
                )
            )
        for h in handles:
            h.wait()

    return _mask()


def kernel(seq0, seq1, seq2, seq3, seq4, seq5, seq6, seq7):
    seqs = [seq0, seq1, seq2, seq3, seq4, seq5, seq6, seq7]
    lengths = [int(s.shape[0]) for s in seqs]
    hidden = int(seqs[0].shape[1])
    bins = _ffd_bins(lengths, _BIN_SIZE)
    used = [sum(lengths[j] for j in b) for b in bins]
    max_len = max(used)
    nbins = len(bins)

    copies = []
    pads = []
    for b, members in enumerate(bins):
        off = 0
        for j in members:
            copies.append((b, off, j))
            off += lengths[j]
        if off < max_len:
            pads.append((b, off, max_len - off))

    packed = _pack_payload(seqs, lengths, hidden, copies, pads, nbins, max_len)
    mask = _pack_mask(used, nbins, max_len)
    return packed, mask

# --- scband reference (transcript-rebuilt; emitter-appended) ---
"""Pipeline reference for scband-sequence-packer-13932873908555 (READ-ONLY COPY).

The authoritative reference and input builder live on the scoring server;
editing this copy changes nothing except your own understanding.
"""

import jax, jax.numpy as jnp
import numpy as np

BIN_SIZE = 4096
HIDDEN = 1024
LENGTHS = [4096, 3584, 3072, 2560, 2048, 1536, 1024, 512]


def _greedy_bins(lengths, bin_size):
    # mirrors SequencePacker._greedy_pack bin assignment (first-fit decreasing)
    order = sorted(range(len(lengths)), key=lambda i: lengths[i], reverse=True)
    bins = [[]]
    for idx in order:
        L = lengths[idx]
        placed = False
        for b in bins:
            if sum(lengths[j] for j in b) + L <= bin_size:
                b.append(idx)
                placed = True
                break
        if not placed:
            bins.append([idx])
    return bins


def setup_inputs(seed: int = 0) -> dict:
    key = jax.random.key(seed)
    inp = {}
    for i, L in enumerate(LENGTHS):
        key, sub = jax.random.split(key)
        inp[f"seq{i}"] = jax.random.normal(sub, (L, HIDDEN), dtype=jnp.float32)
    return inp


def reference(seq0, seq1, seq2, seq3, seq4, seq5, seq6, seq7):
    sequences = [seq0, seq1, seq2, seq3, seq4, seq5, seq6, seq7]
    lengths = [int(s.shape[0]) for s in sequences]
    bins = _greedy_bins(lengths, BIN_SIZE)
    max_bin_len = max(sum(lengths[j] for j in b) for b in bins)
    hidden = sequences[0].shape[-1]
    packed_rows = []
    mask_rows = []
    for b in bins:
        if b:
            row = jnp.concatenate([sequences[j] for j in b], axis=0)
        else:
            row = jnp.zeros((0, hidden), dtype=sequences[0].dtype)
        used = row.shape[0]
        pad = max_bin_len - used
        row = jnp.pad(row, ((0, pad), (0, 0)))
        mask = jnp.concatenate([
            jnp.ones((used,), dtype=jnp.float32),
            jnp.zeros((pad,), dtype=jnp.float32),
        ])
        packed_rows.append(row)
        mask_rows.append(mask)
    packed_seq = jnp.stack(packed_rows, axis=0)
    packed_mask = jnp.stack(mask_rows, axis=0)
    return packed_seq, packed_mask

if __name__ == "__main__":
    import jax
    _d = setup_inputs()
    print(jax.jit(kernel)(*tuple(_d.values())))

</pallas_src>

<mosaic_0001>
#map = affine_map<(d0, d1) -> (0, 0)>
module attributes {stable_mosaic.version = 14 : i64} {
  func.func @_mask(%arg0: i32, %arg1: i32, %arg2: memref<5x4096xf32, #tpu.memory_space<hbm>>, %arg3: memref<5x128xf32, #tpu.memory_space<vmem>>, %arg4: memref<!tpu.dma_semaphore, #tpu.memory_space<semaphore_mem>>) attributes {dimension_semantics = [#tpu.dimension_semantics<core_parallel>, #tpu.dimension_semantics<subcore_parallel>], iteration_bounds = array<i64: 2, 16>, scalar_prefetch = 0 : i64, scratch_operands = 2 : i64, tpu.core_type = #tpu.core_type<sc_vector_subcore>, window_params = [{transform_indices = #map}]} {
    %mul3A = arith.constant 2 : i32
    %mul3A_0 = arith.muli %arg1, %mul3A : i32
    %add3A = arith.addi %mul3A_0, %arg0 : i32
    %iota3A = tpu.iota {dimensions = array<i32: 0>} : vector<16xi32>
    %mul3A_1 = arith.constant 128 : i32
    %mul3A_2 = arith.muli %add3A, %mul3A_1 : i32
    %add3A_3 = arith.constant 0 : i32
    %add3A_4 = arith.addi %mul3A_2, %add3A_3 : i32
    %add3A_5 = vector.broadcast %add3A_4 : i32 to vector<16xi32>
    %add3A_6 = arith.addi %add3A_5, %iota3A : vector<16xi32>
    %lt3A = arith.constant 4096 : i32
    %lt3A_7 = vector.broadcast %lt3A : i32 to vector<16xi32>
    %lt3A_8 = arith.cmpi slt, %add3A_6, %lt3A_7 : vector<16xi32>
    %jit3A = arith.constant 1.000000e+00 : f32
    %jit3A_9 = arith.constant 0.000000e+00 : f32
    %broadcast_in_dim3A = vector.broadcast %jit3A : f32 to vector<16xf32>
    %broadcast_in_dim3A_10 = vector.broadcast %jit3A_9 : f32 to vector<16xf32>
    %select_n3A = arith.select %lt3A_8, %broadcast_in_dim3A, %broadcast_in_dim3A_10 : vector<16xi1>, vector<16xf32>
    %swap3A = arith.constant 0 : i32
    %swap3A_11 = arith.index_cast %swap3A : i32 to index
    %swap3A_12 = arith.constant 0 : index
    %swap3A_13 = tpu.vector_load %arg3[%swap3A_11, %swap3A_12] {strides = array<i32>} : memref<5x128xf32, #tpu.memory_space<vmem>>, vector<1x16xf32>,
    %swap3A_14 = vector.shape_cast %swap3A_13 : vector<1x16xf32> to vector<16xf32>
    %swap3A_15 = vector.shape_cast %select_n3A : vector<16xf32> to vector<1x16xf32>
    tpu.vector_store %arg3[%swap3A_11, %swap3A_12], %swap3A_15 {strides = array<i32>} : memref<5x128xf32, #tpu.memory_space<vmem>>, vector<1x16xf32>,
    %add3A_16 = arith.constant 16 : i32
    %add3A_17 = arith.addi %mul3A_2, %add3A_16 : i32
    %add3A_18 = vector.broadcast %add3A_17 : i32 to vector<16xi32>
    %add3A_19 = arith.addi %add3A_18, %iota3A : vector<16xi32>
    %lt3A_20 = arith.constant 4096 : i32
    %lt3A_21 = vector.broadcast %lt3A_20 : i32 to vector<16xi32>
    %lt3A_22 = arith.cmpi slt, %add3A_19, %lt3A_21 : vector<16xi32>
    %jit3A_23 = arith.constant 1.000000e+00 : f32
    %jit3A_24 = arith.constant 0.000000e+00 : f32
    %broadcast_in_dim3A_25 = vector.broadcast %jit3A_23 : f32 to vector<16xf32>
    %broadcast_in_dim3A_26 = vector.broadcast %jit3A_24 : f32 to vector<16xf32>
    %select_n3A_27 = arith.select %lt3A_22, %broadcast_in_dim3A_25, %broadcast_in_dim3A_26 : vector<16xi1>, vector<16xf32>
    %swap3A_28 = arith.constant 0 : i32
    %swap3A_29 = arith.index_cast %swap3A_28 : i32 to index
    %swap3A_30 = arith.constant 16 : index
    %swap3A_31 = tpu.vector_load %arg3[%swap3A_29, %swap3A_30] {strides = array<i32>} : memref<5x128xf32, #tpu.memory_space<vmem>>, vector<1x16xf32>,
    %swap3A_32 = vector.shape_cast %swap3A_31 : vector<1x16xf32> to vector<16xf32>
    %swap3A_33 = vector.shape_cast %select_n3A_27 : vector<16xf32> to vector<1x16xf32>
    tpu.vector_store %arg3[%swap3A_29, %swap3A_30], %swap3A_33 {strides = array<i32>} : memref<5x128xf32, #tpu.memory_space<vmem>>, vector<1x16xf32>,
    %add3A_34 = arith.constant 32 : i32
    %add3A_35 = arith.addi %mul3A_2, %add3A_34 : i32
    %add3A_36 = vector.broadcast %add3A_35 : i32 to vector<16xi32>
    %add3A_37 = arith.addi %add3A_36, %iota3A : vector<16xi32>
    %lt3A_38 = arith.constant 4096 : i32
    %lt3A_39 = vector.broadcast %lt3A_38 : i32 to vector<16xi32>
    %lt3A_40 = arith.cmpi slt, %add3A_37, %lt3A_39 : vector<16xi32>
    %jit3A_41 = arith.constant 1.000000e+00 : f32
    %jit3A_42 = arith.constant 0.000000e+00 : f32
    %broadcast_in_dim3A_43 = vector.broadcast %jit3A_41 : f32 to vector<16xf32>
    %broadcast_in_dim3A_44 = vector.broadcast %jit3A_42 : f32 to vector<16xf32>
    %select_n3A_45 = arith.select %lt3A_40, %broadcast_in_dim3A_43, %broadcast_in_dim3A_44 : vector<16xi1>, vector<16xf32>
    %swap3A_46 = arith.constant 0 : i32
    %swap3A_47 = arith.index_cast %swap3A_46 : i32 to index
    %swap3A_48 = arith.constant 32 : index
    %swap3A_49 = tpu.vector_load %arg3[%swap3A_47, %swap3A_48] {strides = array<i32>} : memref<5x128xf32, #tpu.memory_space<vmem>>, vector<1x16xf32>,
    %swap3A_50 = vector.shape_cast %swap3A_49 : vector<1x16xf32> to vector<16xf32>
    %swap3A_51 = vector.shape_cast %select_n3A_45 : vector<16xf32> to vector<1x16xf32>
    tpu.vector_store %arg3[%swap3A_47, %swap3A_48], %swap3A_51 {strides = array<i32>} : memref<5x128xf32, #tpu.memory_space<vmem>>, vector<1x16xf32>,
    %add3A_52 = arith.constant 48 : i32
    %add3A_53 = arith.addi %mul3A_2, %add3A_52 : i32
    %add3A_54 = vector.broadcast %add3A_53 : i32 to vector<16xi32>
    %add3A_55 = arith.addi %add3A_54, %iota3A : vector<16xi32>
    %lt3A_56 = arith.constant 4096 : i32
    %lt3A_57 = vector.broadcast %lt3A_56 : i32 to vector<16xi32>
    %lt3A_58 = arith.cmpi slt, %add3A_55, %lt3A_57 : vector<16xi32>
    %jit3A_59 = arith.constant 1.000000e+00 : f32
    %jit3A_60 = arith.constant 0.000000e+00 : f32
    %broadcast_in_dim3A_61 = vector.broadcast %jit3A_59 : f32 to vector<16xf32>
    %broadcast_in_dim3A_62 = vector.broadcast %jit3A_60 : f32 to vector<16xf32>
    %select_n3A_63 = arith.select %lt3A_58, %broadcast_in_dim3A_61, %broadcast_in_dim3A_62 : vector<16xi1>, vector<16xf32>
    %swap3A_64 = arith.constant 0 : i32
    %swap3A_65 = arith.index_cast %swap3A_64 : i32 to index
    %swap3A_66 = arith.constant 48 : index
    %swap3A_67 = tpu.vector_load %arg3[%swap3A_65, %swap3A_66] {strides = array<i32>} : memref<5x128xf32, #tpu.memory_space<vmem>>, vector<1x16xf32>,
    %swap3A_68 = vector.shape_cast %swap3A_67 : vector<1x16xf32> to vector<16xf32>
    %swap3A_69 = vector.shape_cast %select_n3A_63 : vector<16xf32> to vector<1x16xf32>
    tpu.vector_store %arg3[%swap3A_65, %swap3A_66], %swap3A_69 {strides = array<i32>} : memref<5x128xf32, #tpu.memory_space<vmem>>, vector<1x16xf32>,
    %add3A_70 = arith.constant 64 : i32
    %add3A_71 = arith.addi %mul3A_2, %add3A_70 : i32
    %add3A_72 = vector.broadcast %add3A_71 : i32 to vector<16xi32>
    %add3A_73 = arith.addi %add3A_72, %iota3A : vector<16xi32>
    %lt3A_74 = arith.constant 4096 : i32
    %lt3A_75 = vector.broadcast %lt3A_74 : i32 to vector<16xi32>
    %lt3A_76 = arith.cmpi slt, %add3A_73, %lt3A_75 : vector<16xi32>
    %jit3A_77 = arith.constant 1.000000e+00 : f32
    %jit3A_78 = arith.constant 0.000000e+00 : f32
    %broadcast_in_dim3A_79 = vector.broadcast %jit3A_77 : f32 to vector<16xf32>
    %broadcast_in_dim3A_80 = vector.broadcast %jit3A_78 : f32 to vector<16xf32>
    %select_n3A_81 = arith.select %lt3A_76, %broadcast_in_dim3A_79, %broadcast_in_dim3A_80 : vector<16xi1>, vector<16xf32>
    %swap3A_82 = arith.constant 0 : i32
    %swap3A_83 = arith.index_cast %swap3A_82 : i32 to index
    %swap3A_84 = arith.constant 64 : index
    %swap3A_85 = tpu.vector_load %arg3[%swap3A_83, %swap3A_84] {strides = array<i32>} : memref<5x128xf32, #tpu.memory_space<vmem>>, vector<1x16xf32>,
    %swap3A_86 = vector.shape_cast %swap3A_85 : vector<1x16xf32> to vector<16xf32>
    %swap3A_87 = vector.shape_cast %select_n3A_81 : vector<16xf32> to vector<1x16xf32>
    tpu.vector_store %arg3[%swap3A_83, %swap3A_84], %swap3A_87 {strides = array<i32>} : memref<5x128xf32, #tpu.memory_space<vmem>>, vector<1x16xf32>,
    %add3A_88 = arith.constant 80 : i32
    %add3A_89 = arith.addi %mul3A_2, %add3A_88 : i32
    %add3A_90 = vector.broadcast %add3A_89 : i32 to vector<16xi32>
    %add3A_91 = arith.addi %add3A_90, %iota3A : vector<16xi32>
    %lt3A_92 = arith.constant 4096 : i32
    %lt3A_93 = vector.broadcast %lt3A_92 : i32 to vector<16xi32>
    %lt3A_94 = arith.cmpi slt, %add3A_91, %lt3A_93 : vector<16xi32>
    %jit3A_95 = arith.constant 1.000000e+00 : f32
    %jit3A_96 = arith.constant 0.000000e+00 : f32
    %broadcast_in_dim3A_97 = vector.broadcast %jit3A_95 : f32 to vector<16xf32>
    %broadcast_in_dim3A_98 = vector.broadcast %jit3A_96 : f32 to vector<16xf32>
    %select_n3A_99 = arith.select %lt3A_94, %broadcast_in_dim3A_97, %broadcast_in_dim3A_98 : vector<16xi1>, vector<16xf32>
    %swap3A_100 = arith.constant 0 : i32
    %swap3A_101 = arith.index_cast %swap3A_100 : i32 to index
    %swap3A_102 = arith.constant 80 : index
    %swap3A_103 = tpu.vector_load %arg3[%swap3A_101, %swap3A_102] {strides = array<i32>} : memref<5x128xf32, #tpu.memory_space<vmem>>, vector<1x16xf32>,
    %swap3A_104 = vector.shape_cast %swap3A_103 : vector<1x16xf32> to vector<16xf32>
    %swap3A_105 = vector.shape_cast %select_n3A_99 : vector<16xf32> to vector<1x16xf32>
    tpu.vector_store %arg3[%swap3A_101, %swap3A_102], %swap3A_105 {strides = array<i32>} : memref<5x128xf32, #tpu.memory_space<vmem>>, vector<1x16xf32>,
    %add3A_106 = arith.constant 96 : i32
    %add3A_107 = arith.addi %mul3A_2, %add3A_106 : i32
    %add3A_108 = vector.broadcast %add3A_107 : i32 to vector<16xi32>
    %add3A_109 = arith.addi %add3A_108, %iota3A : vector<16xi32>
    %lt3A_110 = arith.constant 4096 : i32
    %lt3A_111 = vector.broadcast %lt3A_110 : i32 to vector<16xi32>
    %lt3A_112 = arith.cmpi slt, %add3A_109, %lt3A_111 : vector<16xi32>
    %jit3A_113 = arith.constant 1.000000e+00 : f32
    %jit3A_114 = arith.constant 0.000000e+00 : f32
    %broadcast_in_dim3A_115 = vector.broadcast %jit3A_113 : f32 to vector<16xf32>
    %broadcast_in_dim3A_116 = vector.broadcast %jit3A_114 : f32 to vector<16xf32>
    %select_n3A_117 = arith.select %lt3A_112, %broadcast_in_dim3A_115, %broadcast_in_dim3A_116 : vector<16xi1>, vector<16xf32>
    %swap3A_118 = arith.constant 0 : i32
    %swap3A_119 = arith.index_cast %swap3A_118 : i32 to index
    %swap3A_120 = arith.constant 96 : index
    %swap3A_121 = tpu.vector_load %arg3[%swap3A_119, %swap3A_120] {strides = array<i32>} : memref<5x128xf32, #tpu.memory_space<vmem>>, vector<1x16xf32>,
    %swap3A_122 = vector.shape_cast %swap3A_121 : vector<1x16xf32> to vector<16xf32>
    %swap3A_123 = vector.shape_cast %select_n3A_117 : vector<16xf32> to vector<1x16xf32>
    tpu.vector_store %arg3[%swap3A_119, %swap3A_120], %swap3A_123 {strides = array<i32>} : memref<5x128xf32, #tpu.memory_space<vmem>>, vector<1x16xf32>,
    %add3A_124 = arith.constant 112 : i32
    %add3A_125 = arith.addi %mul3A_2, %add3A_124 : i32
    %add3A_126 = vector.broadcast %add3A_125 : i32 to vector<16xi32>
    %add3A_127 = arith.addi %add3A_126, %iota3A : vector<16xi32>
    %lt3A_128 = arith.constant 4096 : i32
    %lt3A_129 = vector.broadcast %lt3A_128 : i32 to vector<16xi32>
    %lt3A_130 = arith.cmpi slt, %add3A_127, %lt3A_129 : vector<16xi32>
    %jit3A_131 = arith.constant 1.000000e+00 : f32
    %jit3A_132 = arith.constant 0.000000e+00 : f32
    %broadcast_in_dim3A_133 = vector.broadcast %jit3A_131 : f32 to vector<16xf32>
    %broadcast_in_dim3A_134 = vector.broadcast %jit3A_132 : f32 to vector<16xf32>
    %select_n3A_135 = arith.select %lt3A_130, %broadcast_in_dim3A_133, %broadcast_in_dim3A_134 : vector<16xi1>, vector<16xf32>
    %swap3A_136 = arith.constant 0 : i32
    %swap3A_137 = arith.index_cast %swap3A_136 : i32 to index
    %swap3A_138 = arith.constant 112 : index
    %swap3A_139 = tpu.vector_load %arg3[%swap3A_137, %swap3A_138] {strides = array<i32>} : memref<5x128xf32, #tpu.memory_space<vmem>>, vector<1x16xf32>,
    %swap3A_140 = vector.shape_cast %swap3A_139 : vector<1x16xf32> to vector<16xf32>
    %swap3A_141 = vector.shape_cast %select_n3A_135 : vector<16xf32> to vector<1x16xf32>
    tpu.vector_store %arg3[%swap3A_137, %swap3A_138], %swap3A_141 {strides = array<i32>} : memref<5x128xf32, #tpu.memory_space<vmem>>, vector<1x16xf32>,
    %dma_start3A = arith.constant 0 : i32
    %dma_start3A_142 = arith.constant 0 : i32
    %dma_start3A_143 = tpu.memref_slice %arg3[%dma_start3A, %dma_start3A_142] : memref<5x128xf32, #tpu.memory_space<vmem>> -> memref<1x128xf32, #tpu.memory_space<vmem>>
    %dma_start3A_144 = arith.constant 0 : i32
    %dma_start3A_145 = tpu.memref_slice %arg2[%dma_start3A_144, %mul3A_2] : memref<5x4096xf32, #tpu.memory_space<hbm>> -> memref<1x128xf32, #tpu.memory_space<hbm>>
    %dma_start3A_146 = arith.constant 0 : i32
    %dma_start3A_147 = tpu.memref_slice %arg2[%dma_start3A_146, %mul3A_2] : memref<5x4096xf32, #tpu.memory_space<hbm>> -> memref<1x128xf32, #tpu.memory_space<hbm>>
    %dma_start3A_148 = arith.constant 0 : i32
    %dma_start3A_149 = arith.constant 0 : i32
    %dma_start3A_150 = tpu.memref_slice %arg3[%dma_start3A_148, %dma_start3A_149] : memref<5x128xf32, #tpu.memory_space<vmem>> -> memref<1x128xf32, #tpu.memory_space<vmem>>
    tpu.enqueue_dma source(%dma_start3A_150 : memref<1x128xf32, #tpu.memory_space<vmem>>) target(%dma_start3A_147 : memref<1x128xf32, #tpu.memory_space<hbm>>) target_semaphore(%arg4 : memref<!tpu.dma_semaphore, #tpu.memory_space<semaphore_mem>>)
    %add3A_151 = arith.constant 0 : i32
    %add3A_152 = arith.addi %mul3A_2, %add3A_151 : i32
    %add3A_153 = vector.broadcast %add3A_152 : i32 to vector<16xi32>
    %add3A_154 = arith.addi %add3A_153, %iota3A : vector<16xi32>
    %lt3A_155 = arith.constant 4096 : i32
    %lt3A_156 = vector.broadcast %lt3A_155 : i32 to vector<16xi32>
    %lt3A_157 = arith.cmpi slt, %add3A_154, %lt3A_156 : vector<16xi32>
    %jit3A_158 = arith.constant 1.000000e+00 : f32
    %jit3A_159 = arith.constant 0.000000e+00 : f32
    %broadcast_in_dim3A_160 = vector.broadcast %jit3A_158 : f32 to vector<16xf32>
    %broadcast_in_dim3A_161 = vector.broadcast %jit3A_159 : f32 to vector<16xf32>
    %select_n3A_162 = arith.select %lt3A_157, %broadcast_in_dim3A_160, %broadcast_in_dim3A_161 : vector<16xi1>, vector<16xf32>
    %swap3A_163 = arith.constant 1 : i32
    %swap3A_164 = arith.index_cast %swap3A_163 : i32 to index
    %swap3A_165 = arith.constant 0 : index
    %swap3A_166 = tpu.vector_load %arg3[%swap3A_164, %swap3A_165] {strides = array<i32>} : memref<5x128xf32, #tpu.memory_space<vmem>>, vector<1x16xf32>,
    %swap3A_167 = vector.shape_cast %swap3A_166 : vector<1x16xf32> to vector<16xf32>
    %swap3A_168 = vector.shape_cast %select_n3A_162 : vector<16xf32> to vector<1x16xf32>
    tpu.vector_store %arg3[%swap3A_164, %swap3A_165], %swap3A_168 {strides = array<i32>} : memref<5x128xf32, #tpu.memory_space<vmem>>, vector<1x16xf32>,
    %add3A_169 = arith.constant 16 : i32
    %add3A_170 = arith.addi %mul3A_2, %add3A_169 : i32
    %add3A_171 = vector.broadcast %add3A_170 : i32 to vector<16xi32>
    %add3A_172 = arith.addi %add3A_171, %iota3A : vector<16xi32>
    %lt3A_173 = arith.constant 4096 : i32
    %lt3A_174 = vector.broadcast %lt3A_173 : i32 to vector<16xi32>
    %lt3A_175 = arith.cmpi slt, %add3A_172, %lt3A_174 : vector<16xi32>
    %jit3A_176 = arith.constant 1.000000e+00 : f32
    %jit3A_177 = arith.constant 0.000000e+00 : f32
    %broadcast_in_dim3A_178 = vector.broadcast %jit3A_176 : f32 to vector<16xf32>
    %broadcast_in_dim3A_179 = vector.broadcast %jit3A_177 : f32 to vector<16xf32>
    %select_n3A_180 = arith.select %lt3A_175, %broadcast_in_dim3A_178, %broadcast_in_dim3A_179 : vector<16xi1>, vector<16xf32>
    %swap3A_181 = arith.constant 1 : i32
    %swap3A_182 = arith.index_cast %swap3A_181 : i32 to index
    %swap3A_183 = arith.constant 16 : index
    %swap3A_184 = tpu.vector_load %arg3[%swap3A_182, %swap3A_183] {strides = array<i32>} : memref<5x128xf32, #tpu.memory_space<vmem>>, vector<1x16xf32>,
    %swap3A_185 = vector.shape_cast %swap3A_184 : vector<1x16xf32> to vector<16xf32>
    %swap3A_186 = vector.shape_cast %select_n3A_180 : vector<16xf32> to vector<1x16xf32>
    tpu.vector_store %arg3[%swap3A_182, %swap3A_183], %swap3A_186 {strides = array<i32>} : memref<5x128xf32, #tpu.memory_space<vmem>>, vector<1x16xf32>,
    %add3A_187 = arith.constant 32 : i32
    %add3A_188 = arith.addi %mul3A_2, %add3A_187 : i32
    %add3A_189 = vector.broadcast %add3A_188 : i32 to vector<16xi32>
    %add3A_190 = arith.addi %add3A_189, %iota3A : vector<16xi32>
    %lt3A_191 = arith.constant 4096 : i32
    %lt3A_192 = vector.broadcast %lt3A_191 : i32 to vector<16xi32>
    %lt3A_193 = arith.cmpi slt, %add3A_190, %lt3A_192 : vector<16xi32>
    %jit3A_194 = arith.constant 1.000000e+00 : f32
    %jit3A_195 = arith.constant 0.000000e+00 : f32
    %broadcast_in_dim3A_196 = vector.broadcast %jit3A_194 : f32 to vector<16xf32>
    %broadcast_in_dim3A_197 = vector.broadcast %jit3A_195 : f32 to vector<16xf32>
    %select_n3A_198 = arith.select %lt3A_193, %broadcast_in_dim3A_196, %broadcast_in_dim3A_197 : vector<16xi1>, vector<16xf32>
    %swap3A_199 = arith.constant 1 : i32
    %swap3A_200 = arith.index_cast %swap3A_199 : i32 to index
    %swap3A_201 = arith.constant 32 : index
    %swap3A_202 = tpu.vector_load %arg3[%swap3A_200, %swap3A_201] {strides = array<i32>} : memref<5x128xf32, #tpu.memory_space<vmem>>, vector<1x16xf32>,
    %swap3A_203 = vector.shape_cast %swap3A_202 : vector<1x16xf32> to vector<16xf32>
    %swap3A_204 = vector.shape_cast %select_n3A_198 : vector<16xf32> to vector<1x16xf32>
    tpu.vector_store %arg3[%swap3A_200, %swap3A_201], %swap3A_204 {strides = array<i32>} : memref<5x128xf32, #tpu.memory_space<vmem>>, vector<1x16xf32>,
    %add3A_205 = arith.constant 48 : i32
    %add3A_206 = arith.addi %mul3A_2, %add3A_205 : i32
    %add3A_207 = vector.broadcast %add3A_206 : i32 to vector<16xi32>
    %add3A_208 = arith.addi %add3A_207, %iota3A : vector<16xi32>
    %lt3A_209 = arith.constant 4096 : i32
    %lt3A_210 = vector.broadcast %lt3A_209 : i32 to vector<16xi32>
    %lt3A_211 = arith.cmpi slt, %add3A_208, %lt3A_210 : vector<16xi32>
    %jit3A_212 = arith.constant 1.000000e+00 : f32
    %jit3A_213 = arith.constant 0.000000e+00 : f32
    %broadcast_in_dim3A_214 = vector.broadcast %jit3A_212 : f32 to vector<16xf32>
    %broadcast_in_dim3A_215 = vector.broadcast %jit3A_213 : f32 to vector<16xf32>
    %select_n3A_216 = arith.select %lt3A_211, %broadcast_in_dim3A_214, %broadcast_in_dim3A_215 : vector<16xi1>, vector<16xf32>
    %swap3A_217 = arith.constant 1 : i32
    %swap3A_218 = arith.index_cast %swap3A_217 : i32 to index
    %swap3A_219 = arith.constant 48 : index
    %swap3A_220 = tpu.vector_load %arg3[%swap3A_218, %swap3A_219] {strides = array<i32>} : memref<5x128xf32, #tpu.memory_space<vmem>>, vector<1x16xf32>,
    %swap3A_221 = vector.shape_cast %swap3A_220 : vector<1x16xf32> to vector<16xf32>
    %swap3A_222 = vector.shape_cast %select_n3A_216 : vector<16xf32> to vector<1x16xf32>
    tpu.vector_store %arg3[%swap3A_218, %swap3A_219], %swap3A_222 {strides = array<i32>} : memref<5x128xf32, #tpu.memory_space<vmem>>, vector<1x16xf32>,
    %add3A_223 = arith.constant 64 : i32
    %add3A_224 = arith.addi %mul3A_2, %add3A_223 : i32
    %add3A_225 = vector.broadcast %add3A_224 : i32 to vector<16xi32>
    %add3A_226 = arith.addi %add3A_225, %iota3A : vector<16xi32>
    %lt3A_227 = arith.constant 4096 : i32
    %lt3A_228 = vector.broadcast %lt3A_227 : i32 to vector<16xi32>
    %lt3A_229 = arith.cmpi slt, %add3A_226, %lt3A_228 : vector<16xi32>
    %jit3A_230 = arith.constant 1.000000e+00 : f32
    %jit3A_231 = arith.constant 0.000000e+00 : f32
    %broadcast_in_dim3A_232 = vector.broadcast %jit3A_230 : f32 to vector<16xf32>
    %broadcast_in_dim3A_233 = vector.broadcast %jit3A_231 : f32 to vector<16xf32>
    %select_n3A_234 = arith.select %lt3A_229, %broadcast_in_dim3A_232, %broadcast_in_dim3A_233 : vector<16xi1>, vector<16xf32>
    %swap3A_235 = arith.constant 1 : i32
    %swap3A_236 = arith.index_cast %swap3A_235 : i32 to index
    %swap3A_237 = arith.constant 64 : index
    %swap3A_238 = tpu.vector_load %arg3[%swap3A_236, %swap3A_237] {strides = array<i32>} : memref<5x128xf32, #tpu.memory_space<vmem>>, vector<1x16xf32>,
    %swap3A_239 = vector.shape_cast %swap3A_238 : vector<1x16xf32> to vector<16xf32>
    %swap3A_240 = vector.shape_cast %select_n3A_234 : vector<16xf32> to vector<1x16xf32>
    tpu.vector_store %arg3[%swap3A_236, %swap3A_237], %swap3A_240 {strides = array<i32>} : memref<5x128xf32, #tpu.memory_space<vmem>>, vector<1x16xf32>,
    %add3A_241 = arith.constant 80 : i32
    %add3A_242 = arith.addi %mul3A_2, %add3A_241 : i32
    %add3A_243 = vector.broadcast %add3A_242 : i32 to vector<16xi32>
    %add3A_244 = arith.addi %add3A_243, %iota3A : vector<16xi32>
    %lt3A_245 = arith.constant 4096 : i32
    %lt3A_246 = vector.broadcast %lt3A_245 : i32 to vector<16xi32>
    %lt3A_247 = arith.cmpi slt, %add3A_244, %lt3A_246 : vector<16xi32>
    %jit3A_248 = arith.constant 1.000000e+00 : f32
    %jit3A_249 = arith.constant 0.000000e+00 : f32
    %broadcast_in_dim3A_250 = vector.broadcast %jit3A_248 : f32 to vector<16xf32>
    %broadcast_in_dim3A_251 = vector.broadcast %jit3A_249 : f32 to vector<16xf32>
    %select_n3A_252 = arith.select %lt3A_247, %broadcast_in_dim3A_250, %broadcast_in_dim3A_251 : vector<16xi1>, vector<16xf32>
    %swap3A_253 = arith.constant 1 : i32
    %swap3A_254 = arith.index_cast %swap3A_253 : i32 to index
    %swap3A_255 = arith.constant 80 : index
    %swap3A_256 = tpu.vector_load %arg3[%swap3A_254, %swap3A_255] {strides = array<i32>} : memref<5x128xf32, #tpu.memory_space<vmem>>, vector<1x16xf32>,
    %swap3A_257 = vector.shape_cast %swap3A_256 : vector<1x16xf32> to vector<16xf32>
    %swap3A_258 = vector.shape_cast %select_n3A_252 : vector<16xf32> to vector<1x16xf32>
    tpu.vector_store %arg3[%swap3A_254, %swap3A_255], %swap3A_258 {strides = array<i32>} : memref<5x128xf32, #tpu.memory_space<vmem>>, vector<1x16xf32>,
    %add3A_259 = arith.constant 96 : i32
    %add3A_260 = arith.addi %mul3A_2, %add3A_259 : i32
    %add3A_261 = vector.broadcast %add3A_260 : i32 to vector<16xi32>
    %add3A_262 = arith.addi %add3A_261, %iota3A : vector<16xi32>
    %lt3A_263 = arith.constant 4096 : i32
    %lt3A_264 = vector.broadcast %lt3A_263 : i32 to vector<16xi32>
    %lt3A_265 = arith.cmpi slt, %add3A_262, %lt3A_264 : vector<16xi32>
    %jit3A_266 = arith.constant 1.000000e+00 : f32
    %jit3A_267 = arith.constant 0.000000e+00 : f32
    %broadcast_in_dim3A_268 = vector.broadcast %jit3A_266 : f32 to vector<16xf32>
    %broadcast_in_dim3A_269 = vector.broadcast %jit3A_267 : f32 to vector<16xf32>
    %select_n3A_270 = arith.select %lt3A_265, %broadcast_in_dim3A_268, %broadcast_in_dim3A_269 : vector<16xi1>, vector<16xf32>
    %swap3A_271 = arith.constant 1 : i32
    %swap3A_272 = arith.index_cast %swap3A_271 : i32 to index
    %swap3A_273 = arith.constant 96 : index
    %swap3A_274 = tpu.vector_load %arg3[%swap3A_272, %swap3A_273] {strides = array<i32>} : memref<5x128xf32, #tpu.memory_space<vmem>>, vector<1x16xf32>,
    %swap3A_275 = vector.shape_cast %swap3A_274 : vector<1x16xf32> to vector<16xf32>
    %swap3A_276 = vector.shape_cast %select_n3A_270 : vector<16xf32> to vector<1x16xf32>
    tpu.vector_store %arg3[%swap3A_272, %swap3A_273], %swap3A_276 {strides = array<i32>} : memref<5x128xf32, #tpu.memory_space<vmem>>, vector<1x16xf32>,
    %add3A_277 = arith.constant 112 : i32
    %add3A_278 = arith.addi %mul3A_2, %add3A_277 : i32
    %add3A_279 = vector.broadcast %add3A_278 : i32 to vector<16xi32>
    %add3A_280 = arith.addi %add3A_279, %iota3A : vector<16xi32>
    %lt3A_281 = arith.constant 4096 : i32
    %lt3A_282 = vector.broadcast %lt3A_281 : i32 to vector<16xi32>
    %lt3A_283 = arith.cmpi slt, %add3A_280, %lt3A_282 : vector<16xi32>
    %jit3A_284 = arith.constant 1.000000e+00 : f32
    %jit3A_285 = arith.constant 0.000000e+00 : f32
    %broadcast_in_dim3A_286 = vector.broadcast %jit3A_284 : f32 to vector<16xf32>
    %broadcast_in_dim3A_287 = vector.broadcast %jit3A_285 : f32 to vector<16xf32>
    %select_n3A_288 = arith.select %lt3A_283, %broadcast_in_dim3A_286, %broadcast_in_dim3A_287 : vector<16xi1>, vector<16xf32>
    %swap3A_289 = arith.constant 1 : i32
    %swap3A_290 = arith.index_cast %swap3A_289 : i32 to index
    %swap3A_291 = arith.constant 112 : index
    %swap3A_292 = tpu.vector_load %arg3[%swap3A_290, %swap3A_291] {strides = array<i32>} : memref<5x128xf32, #tpu.memory_space<vmem>>, vector<1x16xf32>,
    %swap3A_293 = vector.shape_cast %swap3A_292 : vector<1x16xf32> to vector<16xf32>
    %swap3A_294 = vector.shape_cast %select_n3A_288 : vector<16xf32> to vector<1x16xf32>
    tpu.vector_store %arg3[%swap3A_290, %swap3A_291], %swap3A_294 {strides = array<i32>} : memref<5x128xf32, #tpu.memory_space<vmem>>, vector<1x16xf32>,
    %dma_start3A_295 = arith.constant 1 : i32
    %dma_start3A_296 = arith.constant 0 : i32
    %dma_start3A_297 = tpu.memref_slice %arg3[%dma_start3A_295, %dma_start3A_296] : memref<5x128xf32, #tpu.memory_space<vmem>> -> memref<1x128xf32, #tpu.memory_space<vmem>>
    %dma_start3A_298 = arith.constant 1 : i32
    %dma_start3A_299 = tpu.memref_slice %arg2[%dma_start3A_298, %mul3A_2] : memref<5x4096xf32, #tpu.memory_space<hbm>> -> memref<1x128xf32, #tpu.memory_space<hbm>>
    %dma_start3A_300 = arith.constant 1 : i32
    %dma_start3A_301 = tpu.memref_slice %arg2[%dma_start3A_300, %mul3A_2] : memref<5x4096xf32, #tpu.memory_space<hbm>> -> memref<1x128xf32, #tpu.memory_space<hbm>>
    %dma_start3A_302 = arith.constant 1 : i32
    %dma_start3A_303 = arith.constant 0 : i32
    %dma_start3A_304 = tpu.memref_slice %arg3[%dma_start3A_302, %dma_start3A_303] : memref<5x128xf32, #tpu.memory_space<vmem>> -> memref<1x128xf32, #tpu.memory_space<vmem>>
    tpu.enqueue_dma source(%dma_start3A_304 : memref<1x128xf32, #tpu.memory_space<vmem>>) target(%dma_start3A_301 : memref<1x128xf32, #tpu.memory_space<hbm>>) target_semaphore(%arg4 : memref<!tpu.dma_semaphore, #tpu.memory_space<semaphore_mem>>)
    %add3A_305 = arith.constant 0 : i32
    %add3A_306 = arith.addi %mul3A_2, %add3A_305 : i32
    %add3A_307 = vector.broadcast %add3A_306 : i32 to vector<16xi32>
    %add3A_308 = arith.addi %add3A_307, %iota3A : vector<16xi32>
    %lt3A_309 = arith.constant 4096 : i32
    %lt3A_310 = vector.broadcast %lt3A_309 : i32 to vector<16xi32>
    %lt3A_311 = arith.cmpi slt, %add3A_308, %lt3A_310 : vector<16xi32>
    %jit3A_312 = arith.constant 1.000000e+00 : f32
    %jit3A_313 = arith.constant 0.000000e+00 : f32
    %broadcast_in_dim3A_314 = vector.broadcast %jit3A_312 : f32 to vector<16xf32>
    %broadcast_in_dim3A_315 = vector.broadcast %jit3A_313 : f32 to vector<16xf32>
    %select_n3A_316 = arith.select %lt3A_311, %broadcast_in_dim3A_314, %broadcast_in_dim3A_315 : vector<16xi1>, vector<16xf32>
    %swap3A_317 = arith.constant 2 : i32
    %swap3A_318 = arith.index_cast %swap3A_317 : i32 to index
    %swap3A_319 = arith.constant 0 : index
    %swap3A_320 = tpu.vector_load %arg3[%swap3A_318, %swap3A_319] {strides = array<i32>} : memref<5x128xf32, #tpu.memory_space<vmem>>, vector<1x16xf32>,
    %swap3A_321 = vector.shape_cast %swap3A_320 : vector<1x16xf32> to vector<16xf32>
    %swap3A_322 = vector.shape_cast %select_n3A_316 : vector<16xf32> to vector<1x16xf32>
    tpu.vector_store %arg3[%swap3A_318, %swap3A_319], %swap3A_322 {strides = array<i32>} : memref<5x128xf32, #tpu.memory_space<vmem>>, vector<1x16xf32>,
    %add3A_323 = arith.constant 16 : i32
    %add3A_324 = arith.addi %mul3A_2, %add3A_323 : i32
    %add3A_325 = vector.broadcast %add3A_324 : i32 to vector<16xi32>
    %add3A_326 = arith.addi %add3A_325, %iota3A : vector<16xi32>
    %lt3A_327 = arith.constant 4096 : i32
    %lt3A_328 = vector.broadcast %lt3A_327 : i32 to vector<16xi32>
    %lt3A_329 = arith.cmpi slt, %add3A_326, %lt3A_328 : vector<16xi32>
    %jit3A_330 = arith.constant 1.000000e+00 : f32
    %jit3A_331 = arith.constant 0.000000e+00 : f32
    %broadcast_in_dim3A_332 = vector.broadcast %jit3A_330 : f32 to vector<16xf32>
    %broadcast_in_dim3A_333 = vector.broadcast %jit3A_331 : f32 to vector<16xf32>
    %select_n3A_334 = arith.select %lt3A_329, %broadcast_in_dim3A_332, %broadcast_in_dim3A_333 : vector<16xi1>, vector<16xf32>
    %swap3A_335 = arith.constant 2 : i32
    %swap3A_336 = arith.index_cast %swap3A_335 : i32 to index
    %swap3A_337 = arith.constant 16 : index
    %swap3A_338 = tpu.vector_load %arg3[%swap3A_336, %swap3A_337] {strides = array<i32>} : memref<5x128xf32, #tpu.memory_space<vmem>>, vector<1x16xf32>,
    %swap3A_339 = vector.shape_cast %swap3A_338 : vector<1x16xf32> to vector<16xf32>
    %swap3A_340 = vector.shape_cast %select_n3A_334 : vector<16xf32> to vector<1x16xf32>
    tpu.vector_store %arg3[%swap3A_336, %swap3A_337], %swap3A_340 {strides = array<i32>} : memref<5x128xf32, #tpu.memory_space<vmem>>, vector<1x16xf32>,
    %add3A_341 = arith.constant 32 : i32
    %add3A_342 = arith.addi %mul3A_2, %add3A_341 : i32
    %add3A_343 = vector.broadcast %add3A_342 : i32 to vector<16xi32>
    %add3A_344 = arith.addi %add3A_343, %iota3A : vector<16xi32>
    %lt3A_345 = arith.constant 4096 : i32
    %lt3A_346 = vector.broadcast %lt3A_345 : i32 to vector<16xi32>
    %lt3A_347 = arith.cmpi slt, %add3A_344, %lt3A_346 : vector<16xi32>
    %jit3A_348 = arith.constant 1.000000e+00 : f32
    %jit3A_349 = arith.constant 0.000000e+00 : f32
    %broadcast_in_dim3A_350 = vector.broadcast %jit3A_348 : f32 to vector<16xf32>
    %broadcast_in_dim3A_351 = vector.broadcast %jit3A_349 : f32 to vector<16xf32>
    %select_n3A_352 = arith.select %lt3A_347, %broadcast_in_dim3A_350, %broadcast_in_dim3A_351 : vector<16xi1>, vector<16xf32>
    %swap3A_353 = arith.constant 2 : i32
    %swap3A_354 = arith.index_cast %swap3A_353 : i32 to index
    %swap3A_355 = arith.constant 32 : index
    %swap3A_356 = tpu.vector_load %arg3[%swap3A_354, %swap3A_355] {strides = array<i32>} : memref<5x128xf32, #tpu.memory_space<vmem>>, vector<1x16xf32>,
    %swap3A_357 = vector.shape_cast %swap3A_356 : vector<1x16xf32> to vector<16xf32>
    %swap3A_358 = vector.shape_cast %select_n3A_352 : vector<16xf32> to vector<1x16xf32>
    tpu.vector_store %arg3[%swap3A_354, %swap3A_355], %swap3A_358 {strides = array<i32>} : memref<5x128xf32, #tpu.memory_space<vmem>>, vector<1x16xf32>,
    %add3A_359 = arith.constant 48 : i32
    %add3A_360 = arith.addi %mul3A_2, %add3A_359 : i32
    %add3A_361 = vector.broadcast %add3A_360 : i32 to vector<16xi32>
    %add3A_362 = arith.addi %add3A_361, %iota3A : vector<16xi32>
    %lt3A_363 = arith.constant 4096 : i32
    %lt3A_364 = vector.broadcast %lt3A_363 : i32 to vector<16xi32>
    %lt3A_365 = arith.cmpi slt, %add3A_362, %lt3A_364 : vector<16xi32>
    %jit3A_366 = arith.constant 1.000000e+00 : f32
    %jit3A_367 = arith.constant 0.000000e+00 : f32
    %broadcast_in_dim3A_368 = vector.broadcast %jit3A_366 : f32 to vector<16xf32>
    %broadcast_in_dim3A_369 = vector.broadcast %jit3A_367 : f32 to vector<16xf32>
    %select_n3A_370 = arith.select %lt3A_365, %broadcast_in_dim3A_368, %broadcast_in_dim3A_369 : vector<16xi1>, vector<16xf32>
    %swap3A_371 = arith.constant 2 : i32
    %swap3A_372 = arith.index_cast %swap3A_371 : i32 to index
    %swap3A_373 = arith.constant 48 : index
    %swap3A_374 = tpu.vector_load %arg3[%swap3A_372, %swap3A_373] {strides = array<i32>} : memref<5x128xf32, #tpu.memory_space<vmem>>, vector<1x16xf32>,
    %swap3A_375 = vector.shape_cast %swap3A_374 : vector<1x16xf32> to vector<16xf32>
    %swap3A_376 = vector.shape_cast %select_n3A_370 : vector<16xf32> to vector<1x16xf32>
    tpu.vector_store %arg3[%swap3A_372, %swap3A_373], %swap3A_376 {strides = array<i32>} : memref<5x128xf32, #tpu.memory_space<vmem>>, vector<1x16xf32>,
    %add3A_377 = arith.constant 64 : i32
    %add3A_378 = arith.addi %mul3A_2, %add3A_377 : i32
    %add3A_379 = vector.broadcast %add3A_378 : i32 to vector<16xi32>
    %add3A_380 = arith.addi %add3A_379, %iota3A : vector<16xi32>
    %lt3A_381 = arith.constant 4096 : i32
    %lt3A_382 = vector.broadcast %lt3A_381 : i32 to vector<16xi32>
    %lt3A_383 = arith.cmpi slt, %add3A_380, %lt3A_382 : vector<16xi32>
    %jit3A_384 = arith.constant 1.000000e+00 : f32
    %jit3A_385 = arith.constant 0.000000e+00 : f32
    %broadcast_in_dim3A_386 = vector.broadcast %jit3A_384 : f32 to vector<16xf32>
    %broadcast_in_dim3A_387 = vector.broadcast %jit3A_385 : f32 to vector<16xf32>
    %select_n3A_388 = arith.select %lt3A_383, %broadcast_in_dim3A_386, %broadcast_in_dim3A_387 : vector<16xi1>, vector<16xf32>
    %swap3A_389 = arith.constant 2 : i32
    %swap3A_390 = arith.index_cast %swap3A_389 : i32 to index
    %swap3A_391 = arith.constant 64 : index
    %swap3A_392 = tpu.vector_load %arg3[%swap3A_390, %swap3A_391] {strides = array<i32>} : memref<5x128xf32, #tpu.memory_space<vmem>>, vector<1x16xf32>,
    %swap3A_393 = vector.shape_cast %swap3A_392 : vector<1x16xf32> to vector<16xf32>
    %swap3A_394 = vector.shape_cast %select_n3A_388 : vector<16xf32> to vector<1x16xf32>
    tpu.vector_store %arg3[%swap3A_390, %swap3A_391], %swap3A_394 {strides = array<i32>} : memref<5x128xf32, #tpu.memory_space<vmem>>, vector<1x16xf32>,
    %add3A_395 = arith.constant 80 : i32
    %add3A_396 = arith.addi %mul3A_2, %add3A_395 : i32
    %add3A_397 = vector.broadcast %add3A_396 : i32 to vector<16xi32>
    %add3A_398 = arith.addi %add3A_397, %iota3A : vector<16xi32>
    %lt3A_399 = arith.constant 4096 : i32
    %lt3A_400 = vector.broadcast %lt3A_399 : i32 to vector<16xi32>
    %lt3A_401 = arith.cmpi slt, %add3A_398, %lt3A_400 : vector<16xi32>
    %jit3A_402 = arith.constant 1.000000e+00 : f32
    %jit3A_403 = arith.constant 0.000000e+00 : f32
    %broadcast_in_dim3A_404 = vector.broadcast %jit3A_402 : f32 to vector<16xf32>
    %broadcast_in_dim3A_405 = vector.broadcast %jit3A_403 : f32 to vector<16xf32>
    %select_n3A_406 = arith.select %lt3A_401, %broadcast_in_dim3A_404, %broadcast_in_dim3A_405 : vector<16xi1>, vector<16xf32>
    %swap3A_407 = arith.constant 2 : i32
    %swap3A_408 = arith.index_cast %swap3A_407 : i32 to index
    %swap3A_409 = arith.constant 80 : index
    %swap3A_410 = tpu.vector_load %arg3[%swap3A_408, %swap3A_409] {strides = array<i32>} : memref<5x128xf32, #tpu.memory_space<vmem>>, vector<1x16xf32>,
    %swap3A_411 = vector.shape_cast %swap3A_410 : vector<1x16xf32> to vector<16xf32>
    %swap3A_412 = vector.shape_cast %select_n3A_406 : vector<16xf32> to vector<1x16xf32>
    tpu.vector_store %arg3[%swap3A_408, %swap3A_409], %swap3A_412 {strides = array<i32>} : memref<5x128xf32, #tpu.memory_space<vmem>>, vector<1x16xf32>,
    %add3A_413 = arith.constant 96 : i32
    %add3A_414 = arith.addi %mul3A_2, %add3A_413 : i32
    %add3A_415 = vector.broadcast %add3A_414 : i32 to vector<16xi32>
    %add3A_416 = arith.addi %add3A_415, %iota3A : vector<16xi32>
    %lt3A_417 = arith.constant 4096 : i32
    %lt3A_418 = vector.broadcast %lt3A_417 : i32 to vector<16xi32>
    %lt3A_419 = arith.cmpi slt, %add3A_416, %lt3A_418 : vector<16xi32>
    %jit3A_420 = arith.constant 1.000000e+00 : f32
    %jit3A_421 = arith.constant 0.000000e+00 : f32
    %broadcast_in_dim3A_422 = vector.broadcast %jit3A_420 : f32 to vector<16xf32>
    %broadcast_in_dim3A_423 = vector.broadcast %jit3A_421 : f32 to vector<16xf32>
    %select_n3A_424 = arith.select %lt3A_419, %broadcast_in_dim3A_422, %broadcast_in_dim3A_423 : vector<16xi1>, vector<16xf32>
    %swap3A_425 = arith.constant 2 : i32
    %swap3A_426 = arith.index_cast %swap3A_425 : i32 to index
    %swap3A_427 = arith.constant 96 : index
    %swap3A_428 = tpu.vector_load %arg3[%swap3A_426, %swap3A_427] {strides = array<i32>} : memref<5x128xf32, #tpu.memory_space<vmem>>, vector<1x16xf32>,
    %swap3A_429 = vector.shape_cast %swap3A_428 : vector<1x16xf32> to vector<16xf32>
    %swap3A_430 = vector.shape_cast %select_n3A_424 : vector<16xf32> to vector<1x16xf32>
    tpu.vector_store %arg3[%swap3A_426, %swap3A_427], %swap3A_430 {strides = array<i32>} : memref<5x128xf32, #tpu.memory_space<vmem>>, vector<1x16xf32>,
    %add3A_431 = arith.constant 112 : i32
    %add3A_432 = arith.addi %mul3A_2, %add3A_431 : i32
    %add3A_433 = vector.broadcast %add3A_432 : i32 to vector<16xi32>
    %add3A_434 = arith.addi %add3A_433, %iota3A : vector<16xi32>
    %lt3A_435 = arith.constant 4096 : i32
    %lt3A_436 = vector.broadcast %lt3A_435 : i32 to vector<16xi32>
    %lt3A_437 = arith.cmpi slt, %add3A_434, %lt3A_436 : vector<16xi32>
    %jit3A_438 = arith.constant 1.000000e+00 : f32
    %jit3A_439 = arith.constant 0.000000e+00 : f32
    %broadcast_in_dim3A_440 = vector.broadcast %jit3A_438 : f32 to vector<16xf32>
    %broadcast_in_dim3A_441 = vector.broadcast %jit3A_439 : f32 to vector<16xf32>
    %select_n3A_442 = arith.select %lt3A_437, %broadcast_in_dim3A_440, %broadcast_in_dim3A_441 : vector<16xi1>, vector<16xf32>
    %swap3A_443 = arith.constant 2 : i32
    %swap3A_444 = arith.index_cast %swap3A_443 : i32 to index
    %swap3A_445 = arith.constant 112 : index
    %swap3A_446 = tpu.vector_load %arg3[%swap3A_444, %swap3A_445] {strides = array<i32>} : memref<5x128xf32, #tpu.memory_space<vmem>>, vector<1x16xf32>,
    %swap3A_447 = vector.shape_cast %swap3A_446 : vector<1x16xf32> to vector<16xf32>
    %swap3A_448 = vector.shape_cast %select_n3A_442 : vector<16xf32> to vector<1x16xf32>
    tpu.vector_store %arg3[%swap3A_444, %swap3A_445], %swap3A_448 {strides = array<i32>} : memref<5x128xf32, #tpu.memory_space<vmem>>, vector<1x16xf32>,
    %dma_start3A_449 = arith.constant 2 : i32
    %dma_start3A_450 = arith.constant 0 : i32
    %dma_start3A_451 = tpu.memref_slice %arg3[%dma_start3A_449, %dma_start3A_450] : memref<5x128xf32, #tpu.memory_space<vmem>> -> memref<1x128xf32, #tpu.memory_space<vmem>>
    %dma_start3A_452 = arith.constant 2 : i32
    %dma_start3A_453 = tpu.memref_slice %arg2[%dma_start3A_452, %mul3A_2] : memref<5x4096xf32, #tpu.memory_space<hbm>> -> memref<1x128xf32, #tpu.memory_space<hbm>>
    %dma_start3A_454 = arith.constant 2 : i32
    %dma_start3A_455 = tpu.memref_slice %arg2[%dma_start3A_454, %mul3A_2] : memref<5x4096xf32, #tpu.memory_space<hbm>> -> memref<1x128xf32, #tpu.memory_space<hbm>>
    %dma_start3A_456 = arith.constant 2 : i32
    %dma_start3A_457 = arith.constant 0 : i32
    %dma_start3A_458 = tpu.memref_slice %arg3[%dma_start3A_456, %dma_start3A_457] : memref<5x128xf32, #tpu.memory_space<vmem>> -> memref<1x128xf32, #tpu.memory_space<vmem>>
    tpu.enqueue_dma source(%dma_start3A_458 : memref<1x128xf32, #tpu.memory_space<vmem>>) target(%dma_start3A_455 : memref<1x128xf32, #tpu.memory_space<hbm>>) target_semaphore(%arg4 : memref<!tpu.dma_semaphore, #tpu.memory_space<semaphore_mem>>)
    %add3A_459 = arith.constant 0 : i32
    %add3A_460 = arith.addi %mul3A_2, %add3A_459 : i32
    %add3A_461 = vector.broadcast %add3A_460 : i32 to vector<16xi32>
    %add3A_462 = arith.addi %add3A_461, %iota3A : vector<16xi32>
    %lt3A_463 = arith.constant 4096 : i32
    %lt3A_464 = vector.broadcast %lt3A_463 : i32 to vector<16xi32>
    %lt3A_465 = arith.cmpi slt, %add3A_462, %lt3A_464 : vector<16xi32>
    %jit3A_466 = arith.constant 1.000000e+00 : f32
    %jit3A_467 = arith.constant 0.000000e+00 : f32
    %broadcast_in_dim3A_468 = vector.broadcast %jit3A_466 : f32 to vector<16xf32>
    %broadcast_in_dim3A_469 = vector.broadcast %jit3A_467 : f32 to vector<16xf32>
    %select_n3A_470 = arith.select %lt3A_465, %broadcast_in_dim3A_468, %broadcast_in_dim3A_469 : vector<16xi1>, vector<16xf32>
    %swap3A_471 = arith.constant 3 : i32
    %swap3A_472 = arith.index_cast %swap3A_471 : i32 to index
    %swap3A_473 = arith.constant 0 : index
    %swap3A_474 = tpu.vector_load %arg3[%swap3A_472, %swap3A_473] {strides = array<i32>} : memref<5x128xf32, #tpu.memory_space<vmem>>, vector<1x16xf32>,
    %swap3A_475 = vector.shape_cast %swap3A_474 : vector<1x16xf32> to vector<16xf32>
    %swap3A_476 = vector.shape_cast %select_n3A_470 : vector<16xf32> to vector<1x16xf32>
    tpu.vector_store %arg3[%swap3A_472, %swap3A_473], %swap3A_476 {strides = array<i32>} : memref<5x128xf32, #tpu.memory_space<vmem>>, vector<1x16xf32>,
    %add3A_477 = arith.constant 16 : i32
    %add3A_478 = arith.addi %mul3A_2, %add3A_477 : i32
    %add3A_479 = vector.broadcast %add3A_478 : i32 to vector<16xi32>
    %add3A_480 = arith.addi %add3A_479, %iota3A : vector<16xi32>
    %lt3A_481 = arith.constant 4096 : i32
    %lt3A_482 = vector.broadcast %lt3A_481 : i32 to vector<16xi32>
    %lt3A_483 = arith.cmpi slt, %add3A_480, %lt3A_482 : vector<16xi32>
    %jit3A_484 = arith.constant 1.000000e+00 : f32
    %jit3A_485 = arith.constant 0.000000e+00 : f32
    %broadcast_in_dim3A_486 = vector.broadcast %jit3A_484 : f32 to vector<16xf32>
    %broadcast_in_dim3A_487 = vector.broadcast %jit3A_485 : f32 to vector<16xf32>
    %select_n3A_488 = arith.select %lt3A_483, %broadcast_in_dim3A_486, %broadcast_in_dim3A_487 : vector<16xi1>, vector<16xf32>
    %swap3A_489 = arith.constant 3 : i32
    %swap3A_490 = arith.index_cast %swap3A_489 : i32 to index
    %swap3A_491 = arith.constant 16 : index
    %swap3A_492 = tpu.vector_load %arg3[%swap3A_490, %swap3A_491] {strides = array<i32>} : memref<5x128xf32, #tpu.memory_space<vmem>>, vector<1x16xf32>,
    %swap3A_493 = vector.shape_cast %swap3A_492 : vector<1x16xf32> to vector<16xf32>
    %swap3A_494 = vector.shape_cast %select_n3A_488 : vector<16xf32> to vector<1x16xf32>
    tpu.vector_store %arg3[%swap3A_490, %swap3A_491], %swap3A_494 {strides = array<i32>} : memref<5x128xf32, #tpu.memory_space<vmem>>, vector<1x16xf32>,
    %add3A_495 = arith.constant 32 : i32
    %add3A_496 = arith.addi %mul3A_2, %add3A_495 : i32
    %add3A_497 = vector.broadcast %add3A_496 : i32 to vector<16xi32>
    %add3A_498 = arith.addi %add3A_497, %iota3A : vector<16xi32>
    %lt3A_499 = arith.constant 4096 : i32
    %lt3A_500 = vector.broadcast %lt3A_499 : i32 to vector<16xi32>
    %lt3A_501 = arith.cmpi slt, %add3A_498, %lt3A_500 : vector<16xi32>
    %jit3A_502 = arith.constant 1.000000e+00 : f32
    %jit3A_503 = arith.constant 0.000000e+00 : f32
    %broadcast_in_dim3A_504 = vector.broadcast %jit3A_502 : f32 to vector<16xf32>
    %broadcast_in_dim3A_505 = vector.broadcast %jit3A_503 : f32 to vector<16xf32>
    %select_n3A_506 = arith.select %lt3A_501, %broadcast_in_dim3A_504, %broadcast_in_dim3A_505 : vector<16xi1>, vector<16xf32>
    %swap3A_507 = arith.constant 3 : i32
    %swap3A_508 = arith.index_cast %swap3A_507 : i32 to index
    %swap3A_509 = arith.constant 32 : index
    %swap3A_510 = tpu.vector_load %arg3[%swap3A_508, %swap3A_509] {strides = array<i32>} : memref<5x128xf32, #tpu.memory_space<vmem>>, vector<1x16xf32>,
    %swap3A_511 = vector.shape_cast %swap3A_510 : vector<1x16xf32> to vector<16xf32>
    %swap3A_512 = vector.shape_cast %select_n3A_506 : vector<16xf32> to vector<1x16xf32>
    tpu.vector_store %arg3[%swap3A_508, %swap3A_509], %swap3A_512 {strides = array<i32>} : memref<5x128xf32, #tpu.memory_space<vmem>>, vector<1x16xf32>,
    %add3A_513 = arith.constant 48 : i32
    %add3A_514 = arith.addi %mul3A_2, %add3A_513 : i32
    %add3A_515 = vector.broadcast %add3A_514 : i32 to vector<16xi32>
    %add3A_516 = arith.addi %add3A_515, %iota3A : vector<16xi32>
    %lt3A_517 = arith.constant 4096 : i32
    %lt3A_518 = vector.broadcast %lt3A_517 : i32 to vector<16xi32>
    %lt3A_519 = arith.cmpi slt, %add3A_516, %lt3A_518 : vector<16xi32>
    %jit3A_520 = arith.constant 1.000000e+00 : f32
    %jit3A_521 = arith.constant 0.000000e+00 : f32
    %broadcast_in_dim3A_522 = vector.broadcast %jit3A_520 : f32 to vector<16xf32>
    %broadcast_in_dim3A_523 = vector.broadcast %jit3A_521 : f32 to vector<16xf32>
    %select_n3A_524 = arith.select %lt3A_519, %broadcast_in_dim3A_522, %broadcast_in_dim3A_523 : vector<16xi1>, vector<16xf32>
    %swap3A_525 = arith.constant 3 : i32
    %swap3A_526 = arith.index_cast %swap3A_525 : i32 to index
    %swap3A_527 = arith.constant 48 : index
    %swap3A_528 = tpu.vector_load %arg3[%swap3A_526, %swap3A_527] {strides = array<i32>} : memref<5x128xf32, #tpu.memory_space<vmem>>, vector<1x16xf32>,
    %swap3A_529 = vector.shape_cast %swap3A_528 : vector<1x16xf32> to vector<16xf32>
    %swap3A_530 = vector.shape_cast %select_n3A_524 : vector<16xf32> to vector<1x16xf32>
    tpu.vector_store %arg3[%swap3A_526, %swap3A_527], %swap3A_530 {strides = array<i32>} : memref<5x128xf32, #tpu.memory_space<vmem>>, vector<1x16xf32>,
    %add3A_531 = arith.constant 64 : i32
    %add3A_532 = arith.addi %mul3A_2, %add3A_531 : i32
    %add3A_533 = vector.broadcast %add3A_532 : i32 to vector<16xi32>
    %add3A_534 = arith.addi %add3A_533, %iota3A : vector<16xi32>
    %lt3A_535 = arith.constant 4096 : i32
    %lt3A_536 = vector.broadcast %lt3A_535 : i32 to vector<16xi32>
    %lt3A_537 = arith.cmpi slt, %add3A_534, %lt3A_536 : vector<16xi32>
    %jit3A_538 = arith.constant 1.000000e+00 : f32
    %jit3A_539 = arith.constant 0.000000e+00 : f32
    %broadcast_in_dim3A_540 = vector.broadcast %jit3A_538 : f32 to vector<16xf32>
    %broadcast_in_dim3A_541 = vector.broadcast %jit3A_539 : f32 to vector<16xf32>
    %select_n3A_542 = arith.select %lt3A_537, %broadcast_in_dim3A_540, %broadcast_in_dim3A_541 : vector<16xi1>, vector<16xf32>
    %swap3A_543 = arith.constant 3 : i32
    %swap3A_544 = arith.index_cast %swap3A_543 : i32 to index
    %swap3A_545 = arith.constant 64 : index
    %swap3A_546 = tpu.vector_load %arg3[%swap3A_544, %swap3A_545] {strides = array<i32>} : memref<5x128xf32, #tpu.memory_space<vmem>>, vector<1x16xf32>,
    %swap3A_547 = vector.shape_cast %swap3A_546 : vector<1x16xf32> to vector<16xf32>
    %swap3A_548 = vector.shape_cast %select_n3A_542 : vector<16xf32> to vector<1x16xf32>
    tpu.vector_store %arg3[%swap3A_544, %swap3A_545], %swap3A_548 {strides = array<i32>} : memref<5x128xf32, #tpu.memory_space<vmem>>, vector<1x16xf32>,
    %add3A_549 = arith.constant 80 : i32
    %add3A_550 = arith.addi %mul3A_2, %add3A_549 : i32
    %add3A_551 = vector.broadcast %add3A_550 : i32 to vector<16xi32>
    %add3A_552 = arith.addi %add3A_551, %iota3A : vector<16xi32>
    %lt3A_553 = arith.constant 4096 : i32
    %lt3A_554 = vector.broadcast %lt3A_553 : i32 to vector<16xi32>
    %lt3A_555 = arith.cmpi slt, %add3A_552, %lt3A_554 : vector<16xi32>
    %jit3A_556 = arith.constant 1.000000e+00 : f32
    %jit3A_557 = arith.constant 0.000000e+00 : f32
    %broadcast_in_dim3A_558 = vector.broadcast %jit3A_556 : f32 to vector<16xf32>
    %broadcast_in_dim3A_559 = vector.broadcast %jit3A_557 : f32 to vector<16xf32>
    %select_n3A_560 = arith.select %lt3A_555, %broadcast_in_dim3A_558, %broadcast_in_dim3A_559 : vector<16xi1>, vector<16xf32>
    %swap3A_561 = arith.constant 3 : i32
    %swap3A_562 = arith.index_cast %swap3A_561 : i32 to index
    %swap3A_563 = arith.constant 80 : index
    %swap3A_564 = tpu.vector_load %arg3[%swap3A_562, %swap3A_563] {strides = array<i32>} : memref<5x128xf32, #tpu.memory_space<vmem>>, vector<1x16xf32>,
    %swap3A_565 = vector.shape_cast %swap3A_564 : vector<1x16xf32> to vector<16xf32>
    %swap3A_566 = vector.shape_cast %select_n3A_560 : vector<16xf32> to vector<1x16xf32>
    tpu.vector_store %arg3[%swap3A_562, %swap3A_563], %swap3A_566 {strides = array<i32>} : memref<5x128xf32, #tpu.memory_space<vmem>>, vector<1x16xf32>,
    %add3A_567 = arith.constant 96 : i32
    %add3A_568 = arith.addi %mul3A_2, %add3A_567 : i32
    %add3A_569 = vector.broadcast %add3A_568 : i32 to vector<16xi32>
    %add3A_570 = arith.addi %add3A_569, %iota3A : vector<16xi32>
    %lt3A_571 = arith.constant 4096 : i32
    %lt3A_572 = vector.broadcast %lt3A_571 : i32 to vector<16xi32>
    %lt3A_573 = arith.cmpi slt, %add3A_570, %lt3A_572 : vector<16xi32>
    %jit3A_574 = arith.constant 1.000000e+00 : f32
    %jit3A_575 = arith.constant 0.000000e+00 : f32
    %broadcast_in_dim3A_576 = vector.broadcast %jit3A_574 : f32 to vector<16xf32>
    %broadcast_in_dim3A_577 = vector.broadcast %jit3A_575 : f32 to vector<16xf32>
    %select_n3A_578 = arith.select %lt3A_573, %broadcast_in_dim3A_576, %broadcast_in_dim3A_577 : vector<16xi1>, vector<16xf32>
    %swap3A_579 = arith.constant 3 : i32
    %swap3A_580 = arith.index_cast %swap3A_579 : i32 to index
    %swap3A_581 = arith.constant 96 : index
    %swap3A_582 = tpu.vector_load %arg3[%swap3A_580, %swap3A_581] {strides = array<i32>} : memref<5x128xf32, #tpu.memory_space<vmem>>, vector<1x16xf32>,
    %swap3A_583 = vector.shape_cast %swap3A_582 : vector<1x16xf32> to vector<16xf32>
    %swap3A_584 = vector.shape_cast %select_n3A_578 : vector<16xf32> to vector<1x16xf32>
    tpu.vector_store %arg3[%swap3A_580, %swap3A_581], %swap3A_584 {strides = array<i32>} : memref<5x128xf32, #tpu.memory_space<vmem>>, vector<1x16xf32>,
    %add3A_585 = arith.constant 112 : i32
    %add3A_586 = arith.addi %mul3A_2, %add3A_585 : i32
    %add3A_587 = vector.broadcast %add3A_586 : i32 to vector<16xi32>
    %add3A_588 = arith.addi %add3A_587, %iota3A : vector<16xi32>
    %lt3A_589 = arith.constant 4096 : i32
    %lt3A_590 = vector.broadcast %lt3A_589 : i32 to vector<16xi32>
    %lt3A_591 = arith.cmpi slt, %add3A_588, %lt3A_590 : vector<16xi32>
    %jit3A_592 = arith.constant 1.000000e+00 : f32
    %jit3A_593 = arith.constant 0.000000e+00 : f32
    %broadcast_in_dim3A_594 = vector.broadcast %jit3A_592 : f32 to vector<16xf32>
    %broadcast_in_dim3A_595 = vector.broadcast %jit3A_593 : f32 to vector<16xf32>
    %select_n3A_596 = arith.select %lt3A_591, %broadcast_in_dim3A_594, %broadcast_in_dim3A_595 : vector<16xi1>, vector<16xf32>
    %swap3A_597 = arith.constant 3 : i32
    %swap3A_598 = arith.index_cast %swap3A_597 : i32 to index
    %swap3A_599 = arith.constant 112 : index
    %swap3A_600 = tpu.vector_load %arg3[%swap3A_598, %swap3A_599] {strides = array<i32>} : memref<5x128xf32, #tpu.memory_space<vmem>>, vector<1x16xf32>,
    %swap3A_601 = vector.shape_cast %swap3A_600 : vector<1x16xf32> to vector<16xf32>
    %swap3A_602 = vector.shape_cast %select_n3A_596 : vector<16xf32> to vector<1x16xf32>
    tpu.vector_store %arg3[%swap3A_598, %swap3A_599], %swap3A_602 {strides = array<i32>} : memref<5x128xf32, #tpu.memory_space<vmem>>, vector<1x16xf32>,
    %dma_start3A_603 = arith.constant 3 : i32
    %dma_start3A_604 = arith.constant 0 : i32
    %dma_start3A_605 = tpu.memref_slice %arg3[%dma_start3A_603, %dma_start3A_604] : memref<5x128xf32, #tpu.memory_space<vmem>> -> memref<1x128xf32, #tpu.memory_space<vmem>>
    %dma_start3A_606 = arith.constant 3 : i32
    %dma_start3A_607 = tpu.memref_slice %arg2[%dma_start3A_606, %mul3A_2] : memref<5x4096xf32, #tpu.memory_space<hbm>> -> memref<1x128xf32, #tpu.memory_space<hbm>>
    %dma_start3A_608 = arith.constant 3 : i32
    %dma_start3A_609 = tpu.memref_slice %arg2[%dma_start3A_608, %mul3A_2] : memref<5x4096xf32, #tpu.memory_space<hbm>> -> memref<1x128xf32, #tpu.memory_space<hbm>>
    %dma_start3A_610 = arith.constant 3 : i32
    %dma_start3A_611 = arith.constant 0 : i32
    %dma_start3A_612 = tpu.memref_slice %arg3[%dma_start3A_610, %dma_start3A_611] : memref<5x128xf32, #tpu.memory_space<vmem>> -> memref<1x128xf32, #tpu.memory_space<vmem>>
    tpu.enqueue_dma source(%dma_start3A_612 : memref<1x128xf32, #tpu.memory_space<vmem>>) target(%dma_start3A_609 : memref<1x128xf32, #tpu.memory_space<hbm>>) target_semaphore(%arg4 : memref<!tpu.dma_semaphore, #tpu.memory_space<semaphore_mem>>)
    %add3A_613 = arith.constant 0 : i32
    %add3A_614 = arith.addi %mul3A_2, %add3A_613 : i32
    %add3A_615 = vector.broadcast %add3A_614 : i32 to vector<16xi32>
    %add3A_616 = arith.addi %add3A_615, %iota3A : vector<16xi32>
    %lt3A_617 = arith.constant 2048 : i32
    %lt3A_618 = vector.broadcast %lt3A_617 : i32 to vector<16xi32>
    %lt3A_619 = arith.cmpi slt, %add3A_616, %lt3A_618 : vector<16xi32>
    %jit3A_620 = arith.constant 1.000000e+00 : f32
    %jit3A_621 = arith.constant 0.000000e+00 : f32
    %broadcast_in_dim3A_622 = vector.broadcast %jit3A_620 : f32 to vector<16xf32>
    %broadcast_in_dim3A_623 = vector.broadcast %jit3A_621 : f32 to vector<16xf32>
    %select_n3A_624 = arith.select %lt3A_619, %broadcast_in_dim3A_622, %broadcast_in_dim3A_623 : vector<16xi1>, vector<16xf32>
    %swap3A_625 = arith.constant 4 : i32
    %swap3A_626 = arith.index_cast %swap3A_625 : i32 to index
    %swap3A_627 = arith.constant 0 : index
    %swap3A_628 = tpu.vector_load %arg3[%swap3A_626, %swap3A_627] {strides = array<i32>} : memref<5x128xf32, #tpu.memory_space<vmem>>, vector<1x16xf32>,
    %swap3A_629 = vector.shape_cast %swap3A_628 : vector<1x16xf32> to vector<16xf32>
    %swap3A_630 = vector.shape_cast %select_n3A_624 : vector<16xf32> to vector<1x16xf32>
    tpu.vector_store %arg3[%swap3A_626, %swap3A_627], %swap3A_630 {strides = array<i32>} : memref<5x128xf32, #tpu.memory_space<vmem>>, vector<1x16xf32>,
    %add3A_631 = arith.constant 16 : i32
    %add3A_632 = arith.addi %mul3A_2, %add3A_631 : i32
    %add3A_633 = vector.broadcast %add3A_632 : i32 to vector<16xi32>
    %add3A_634 = arith.addi %add3A_633, %iota3A : vector<16xi32>
    %lt3A_635 = arith.constant 2048 : i32
    %lt3A_636 = vector.broadcast %lt3A_635 : i32 to vector<16xi32>
    %lt3A_637 = arith.cmpi slt, %add3A_634, %lt3A_636 : vector<16xi32>
    %jit3A_638 = arith.constant 1.000000e+00 : f32
    %jit3A_639 = arith.constant 0.000000e+00 : f32
    %broadcast_in_dim3A_640 = vector.broadcast %jit3A_638 : f32 to vector<16xf32>
    %broadcast_in_dim3A_641 = vector.broadcast %jit3A_639 : f32 to vector<16xf32>
    %select_n3A_642 = arith.select %lt3A_637, %broadcast_in_dim3A_640, %broadcast_in_dim3A_641 : vector<16xi1>, vector<16xf32>
    %swap3A_643 = arith.constant 4 : i32
    %swap3A_644 = arith.index_cast %swap3A_643 : i32 to index
    %swap3A_645 = arith.constant 16 : index
    %swap3A_646 = tpu.vector_load %arg3[%swap3A_644, %swap3A_645] {strides = array<i32>} : memref<5x128xf32, #tpu.memory_space<vmem>>, vector<1x16xf32>,
    %swap3A_647 = vector.shape_cast %swap3A_646 : vector<1x16xf32> to vector<16xf32>
    %swap3A_648 = vector.shape_cast %select_n3A_642 : vector<16xf32> to vector<1x16xf32>
    tpu.vector_store %arg3[%swap3A_644, %swap3A_645], %swap3A_648 {strides = array<i32>} : memref<5x128xf32, #tpu.memory_space<vmem>>, vector<1x16xf32>,
    %add3A_649 = arith.constant 32 : i32
    %add3A_650 = arith.addi %mul3A_2, %add3A_649 : i32
    %add3A_651 = vector.broadcast %add3A_650 : i32 to vector<16xi32>
    %add3A_652 = arith.addi %add3A_651, %iota3A : vector<16xi32>
    %lt3A_653 = arith.constant 2048 : i32
    %lt3A_654 = vector.broadcast %lt3A_653 : i32 to vector<16xi32>
    %lt3A_655 = arith.cmpi slt, %add3A_652, %lt3A_654 : vector<16xi32>
    %jit3A_656 = arith.constant 1.000000e+00 : f32
    %jit3A_657 = arith.constant 0.000000e+00 : f32
    %broadcast_in_dim3A_658 = vector.broadcast %jit3A_656 : f32 to vector<16xf32>
    %broadcast_in_dim3A_659 = vector.broadcast %jit3A_657 : f32 to vector<16xf32>
    %select_n3A_660 = arith.select %lt3A_655, %broadcast_in_dim3A_658, %broadcast_in_dim3A_659 : vector<16xi1>, vector<16xf32>
    %swap3A_661 = arith.constant 4 : i32
    %swap3A_662 = arith.index_cast %swap3A_661 : i32 to index
    %swap3A_663 = arith.constant 32 : index
    %swap3A_664 = tpu.vector_load %arg3[%swap3A_662, %swap3A_663] {strides = array<i32>} : memref<5x128xf32, #tpu.memory_space<vmem>>, vector<1x16xf32>,
    %swap3A_665 = vector.shape_cast %swap3A_664 : vector<1x16xf32> to vector<16xf32>
    %swap3A_666 = vector.shape_cast %select_n3A_660 : vector<16xf32> to vector<1x16xf32>
    tpu.vector_store %arg3[%swap3A_662, %swap3A_663], %swap3A_666 {strides = array<i32>} : memref<5x128xf32, #tpu.memory_space<vmem>>, vector<1x16xf32>,
    %add3A_667 = arith.constant 48 : i32
    %add3A_668 = arith.addi %mul3A_2, %add3A_667 : i32
    %add3A_669 = vector.broadcast %add3A_668 : i32 to vector<16xi32>
    %add3A_670 = arith.addi %add3A_669, %iota3A : vector<16xi32>
    %lt3A_671 = arith.constant 2048 : i32
    %lt3A_672 = vector.broadcast %lt3A_671 : i32 to vector<16xi32>
    %lt3A_673 = arith.cmpi slt, %add3A_670, %lt3A_672 : vector<16xi32>
    %jit3A_674 = arith.constant 1.000000e+00 : f32
    %jit3A_675 = arith.constant 0.000000e+00 : f32
    %broadcast_in_dim3A_676 = vector.broadcast %jit3A_674 : f32 to vector<16xf32>
    %broadcast_in_dim3A_677 = vector.broadcast %jit3A_675 : f32 to vector<16xf32>
    %select_n3A_678 = arith.select %lt3A_673, %broadcast_in_dim3A_676, %broadcast_in_dim3A_677 : vector<16xi1>, vector<16xf32>
    %swap3A_679 = arith.constant 4 : i32
    %swap3A_680 = arith.index_cast %swap3A_679 : i32 to index
    %swap3A_681 = arith.constant 48 : index
    %swap3A_682 = tpu.vector_load %arg3[%swap3A_680, %swap3A_681] {strides = array<i32>} : memref<5x128xf32, #tpu.memory_space<vmem>>, vector<1x16xf32>,
    %swap3A_683 = vector.shape_cast %swap3A_682 : vector<1x16xf32> to vector<16xf32>
    %swap3A_684 = vector.shape_cast %select_n3A_678 : vector<16xf32> to vector<1x16xf32>
    tpu.vector_store %arg3[%swap3A_680, %swap3A_681], %swap3A_684 {strides = array<i32>} : memref<5x128xf32, #tpu.memory_space<vmem>>, vector<1x16xf32>,
    %add3A_685 = arith.constant 64 : i32
    %add3A_686 = arith.addi %mul3A_2, %add3A_685 : i32
    %add3A_687 = vector.broadcast %add3A_686 : i32 to vector<16xi32>
    %add3A_688 = arith.addi %add3A_687, %iota3A : vector<16xi32>
    %lt3A_689 = arith.constant 2048 : i32
    %lt3A_690 = vector.broadcast %lt3A_689 : i32 to vector<16xi32>
    %lt3A_691 = arith.cmpi slt, %add3A_688, %lt3A_690 : vector<16xi32>
    %jit3A_692 = arith.constant 1.000000e+00 : f32
    %jit3A_693 = arith.constant 0.000000e+00 : f32
    %broadcast_in_dim3A_694 = vector.broadcast %jit3A_692 : f32 to vector<16xf32>
    %broadcast_in_dim3A_695 = vector.broadcast %jit3A_693 : f32 to vector<16xf32>
    %select_n3A_696 = arith.select %lt3A_691, %broadcast_in_dim3A_694, %broadcast_in_dim3A_695 : vector<16xi1>, vector<16xf32>
    %swap3A_697 = arith.constant 4 : i32
    %swap3A_698 = arith.index_cast %swap3A_697 : i32 to index
    %swap3A_699 = arith.constant 64 : index
    %swap3A_700 = tpu.vector_load %arg3[%swap3A_698, %swap3A_699] {strides = array<i32>} : memref<5x128xf32, #tpu.memory_space<vmem>>, vector<1x16xf32>,
    %swap3A_701 = vector.shape_cast %swap3A_700 : vector<1x16xf32> to vector<16xf32>
    %swap3A_702 = vector.shape_cast %select_n3A_696 : vector<16xf32> to vector<1x16xf32>
    tpu.vector_store %arg3[%swap3A_698, %swap3A_699], %swap3A_702 {strides = array<i32>} : memref<5x128xf32, #tpu.memory_space<vmem>>, vector<1x16xf32>,
    %add3A_703 = arith.constant 80 : i32
    %add3A_704 = arith.addi %mul3A_2, %add3A_703 : i32
    %add3A_705 = vector.broadcast %add3A_704 : i32 to vector<16xi32>
    %add3A_706 = arith.addi %add3A_705, %iota3A : vector<16xi32>
    %lt3A_707 = arith.constant 2048 : i32
    %lt3A_708 = vector.broadcast %lt3A_707 : i32 to vector<16xi32>
    %lt3A_709 = arith.cmpi slt, %add3A_706, %lt3A_708 : vector<16xi32>
    %jit3A_710 = arith.constant 1.000000e+00 : f32
    %jit3A_711 = arith.constant 0.000000e+00 : f32
    %broadcast_in_dim3A_712 = vector.broadcast %jit3A_710 : f32 to vector<16xf32>
    %broadcast_in_dim3A_713 = vector.broadcast %jit3A_711 : f32 to vector<16xf32>
    %select_n3A_714 = arith.select %lt3A_709, %broadcast_in_dim3A_712, %broadcast_in_dim3A_713 : vector<16xi1>, vector<16xf32>
    %swap3A_715 = arith.constant 4 : i32
    %swap3A_716 = arith.index_cast %swap3A_715 : i32 to index
    %swap3A_717 = arith.constant 80 : index
    %swap3A_718 = tpu.vector_load %arg3[%swap3A_716, %swap3A_717] {strides = array<i32>} : memref<5x128xf32, #tpu.memory_space<vmem>>, vector<1x16xf32>,
    %swap3A_719 = vector.shape_cast %swap3A_718 : vector<1x16xf32> to vector<16xf32>
    %swap3A_720 = vector.shape_cast %select_n3A_714 : vector<16xf32> to vector<1x16xf32>
    tpu.vector_store %arg3[%swap3A_716, %swap3A_717], %swap3A_720 {strides = array<i32>} : memref<5x128xf32, #tpu.memory_space<vmem>>, vector<1x16xf32>,
    %add3A_721 = arith.constant 96 : i32
    %add3A_722 = arith.addi %mul3A_2, %add3A_721 : i32
    %add3A_723 = vector.broadcast %add3A_722 : i32 to vector<16xi32>
    %add3A_724 = arith.addi %add3A_723, %iota3A : vector<16xi32>
    %lt3A_725 = arith.constant 2048 : i32
    %lt3A_726 = vector.broadcast %lt3A_725 : i32 to vector<16xi32>
    %lt3A_727 = arith.cmpi slt, %add3A_724, %lt3A_726 : vector<16xi32>
    %jit3A_728 = arith.constant 1.000000e+00 : f32
    %jit3A_729 = arith.constant 0.000000e+00 : f32
    %broadcast_in_dim3A_730 = vector.broadcast %jit3A_728 : f32 to vector<16xf32>
    %broadcast_in_dim3A_731 = vector.broadcast %jit3A_729 : f32 to vector<16xf32>
    %select_n3A_732 = arith.select %lt3A_727, %broadcast_in_dim3A_730, %broadcast_in_dim3A_731 : vector<16xi1>, vector<16xf32>
    %swap3A_733 = arith.constant 4 : i32
    %swap3A_734 = arith.index_cast %swap3A_733 : i32 to index
    %swap3A_735 = arith.constant 96 : index
    %swap3A_736 = tpu.vector_load %arg3[%swap3A_734, %swap3A_735] {strides = array<i32>} : memref<5x128xf32, #tpu.memory_space<vmem>>, vector<1x16xf32>,
    %swap3A_737 = vector.shape_cast %swap3A_736 : vector<1x16xf32> to vector<16xf32>
    %swap3A_738 = vector.shape_cast %select_n3A_732 : vector<16xf32> to vector<1x16xf32>
    tpu.vector_store %arg3[%swap3A_734, %swap3A_735], %swap3A_738 {strides = array<i32>} : memref<5x128xf32, #tpu.memory_space<vmem>>, vector<1x16xf32>,
    %add3A_739 = arith.constant 112 : i32
    %add3A_740 = arith.addi %mul3A_2, %add3A_739 : i32
    %add3A_741 = vector.broadcast %add3A_740 : i32 to vector<16xi32>
    %add3A_742 = arith.addi %add3A_741, %iota3A : vector<16xi32>
    %lt3A_743 = arith.constant 2048 : i32
    %lt3A_744 = vector.broadcast %lt3A_743 : i32 to vector<16xi32>
    %lt3A_745 = arith.cmpi slt, %add3A_742, %lt3A_744 : vector<16xi32>
    %jit3A_746 = arith.constant 1.000000e+00 : f32
    %jit3A_747 = arith.constant 0.000000e+00 : f32
    %broadcast_in_dim3A_748 = vector.broadcast %jit3A_746 : f32 to vector<16xf32>
    %broadcast_in_dim3A_749 = vector.broadcast %jit3A_747 : f32 to vector<16xf32>
    %select_n3A_750 = arith.select %lt3A_745, %broadcast_in_dim3A_748, %broadcast_in_dim3A_749 : vector<16xi1>, vector<16xf32>
    %swap3A_751 = arith.constant 4 : i32
    %swap3A_752 = arith.index_cast %swap3A_751 : i32 to index
    %swap3A_753 = arith.constant 112 : index
    %swap3A_754 = tpu.vector_load %arg3[%swap3A_752, %swap3A_753] {strides = array<i32>} : memref<5x128xf32, #tpu.memory_space<vmem>>, vector<1x16xf32>,
    %swap3A_755 = vector.shape_cast %swap3A_754 : vector<1x16xf32> to vector<16xf32>
    %swap3A_756 = vector.shape_cast %select_n3A_750 : vector<16xf32> to vector<1x16xf32>
    tpu.vector_store %arg3[%swap3A_752, %swap3A_753], %swap3A_756 {strides = array<i32>} : memref<5x128xf32, #tpu.memory_space<vmem>>, vector<1x16xf32>,
    %dma_start3A_757 = arith.constant 4 : i32
    %dma_start3A_758 = arith.constant 0 : i32
    %dma_start3A_759 = tpu.memref_slice %arg3[%dma_start3A_757, %dma_start3A_758] : memref<5x128xf32, #tpu.memory_space<vmem>> -> memref<1x128xf32, #tpu.memory_space<vmem>>
    %dma_start3A_760 = arith.constant 4 : i32
    %dma_start3A_761 = tpu.memref_slice %arg2[%dma_start3A_760, %mul3A_2] : memref<5x4096xf32, #tpu.memory_space<hbm>> -> memref<1x128xf32, #tpu.memory_space<hbm>>
    %dma_start3A_762 = arith.constant 4 : i32
    %dma_start3A_763 = tpu.memref_slice %arg2[%dma_start3A_762, %mul3A_2] : memref<5x4096xf32, #tpu.memory_space<hbm>> -> memref<1x128xf32, #tpu.memory_space<hbm>>
    %dma_start3A_764 = arith.constant 4 : i32
    %dma_start3A_765 = arith.constant 0 : i32
    %dma_start3A_766 = tpu.memref_slice %arg3[%dma_start3A_764, %dma_start3A_765] : memref<5x128xf32, #tpu.memory_space<vmem>> -> memref<1x128xf32, #tpu.memory_space<vmem>>
    tpu.enqueue_dma source(%dma_start3A_766 : memref<1x128xf32, #tpu.memory_space<vmem>>) target(%dma_start3A_763 : memref<1x128xf32, #tpu.memory_space<hbm>>) target_semaphore(%arg4 : memref<!tpu.dma_semaphore, #tpu.memory_space<semaphore_mem>>)
    %dma_wait3A = arith.constant 0 : i32
    %dma_wait3A_767 = arith.constant 0 : i32
    %dma_wait3A_768 = tpu.memref_slice %arg3[%dma_wait3A, %dma_wait3A_767] : memref<5x128xf32, #tpu.memory_space<vmem>> -> memref<1x128xf32, #tpu.memory_space<vmem>>
    %dma_wait3A_769 = arith.constant 0 : i32
    %dma_wait3A_770 = tpu.memref_slice %arg2[%dma_wait3A_769, %mul3A_2] : memref<5x4096xf32, #tpu.memory_space<hbm>> -> memref<1x128xf32, #tpu.memory_space<hbm>>
    %dma_wait3A_771 = arith.constant 0 : i32
    %dma_wait3A_772 = tpu.memref_slice %arg2[%dma_wait3A_771, %mul3A_2] : memref<5x4096xf32, #tpu.memory_space<hbm>> -> memref<1x128xf32, #tpu.memory_space<hbm>>
    %dma_wait3A_773 = arith.constant 0 : i32
    %dma_wait3A_774 = arith.constant 0 : i32
    %dma_wait3A_775 = tpu.memref_slice %arg3[%dma_wait3A_773, %dma_wait3A_774] : memref<5x128xf32, #tpu.memory_space<vmem>> -> memref<1x128xf32, #tpu.memory_space<vmem>>
    tpu.wait_dma2 semaphore(%arg4 : memref<!tpu.dma_semaphore, #tpu.memory_space<semaphore_mem>>) src(%dma_wait3A_775 : memref<1x128xf32, #tpu.memory_space<vmem>>) dst(%dma_wait3A_772 : memref<1x128xf32, #tpu.memory_space<hbm>>)
    %dma_wait3A_776 = arith.constant 1 : i32
    %dma_wait3A_777 = arith.constant 0 : i32
    %dma_wait3A_778 = tpu.memref_slice %arg3[%dma_wait3A_776, %dma_wait3A_777] : memref<5x128xf32, #tpu.memory_space<vmem>> -> memref<1x128xf32, #tpu.memory_space<vmem>>
    %dma_wait3A_779 = arith.constant 1 : i32
    %dma_wait3A_780 = tpu.memref_slice %arg2[%dma_wait3A_779, %mul3A_2] : memref<5x4096xf32, #tpu.memory_space<hbm>> -> memref<1x128xf32, #tpu.memory_space<hbm>>
    %dma_wait3A_781 = arith.constant 1 : i32
    %dma_wait3A_782 = tpu.memref_slice %arg2[%dma_wait3A_781, %mul3A_2] : memref<5x4096xf32, #tpu.memory_space<hbm>> -> memref<1x128xf32, #tpu.memory_space<hbm>>
    %dma_wait3A_783 = arith.constant 1 : i32
    %dma_wait3A_784 = arith.constant 0 : i32
    %dma_wait3A_785 = tpu.memref_slice %arg3[%dma_wait3A_783, %dma_wait3A_784] : memref<5x128xf32, #tpu.memory_space<vmem>> -> memref<1x128xf32, #tpu.memory_space<vmem>>
    tpu.wait_dma2 semaphore(%arg4 : memref<!tpu.dma_semaphore, #tpu.memory_space<semaphore_mem>>) src(%dma_wait3A_785 : memref<1x128xf32, #tpu.memory_space<vmem>>) dst(%dma_wait3A_782 : memref<1x128xf32, #tpu.memory_space<hbm>>)
    %dma_wait3A_786 = arith.constant 2 : i32
    %dma_wait3A_787 = arith.constant 0 : i32
    %dma_wait3A_788 = tpu.memref_slice %arg3[%dma_wait3A_786, %dma_wait3A_787] : memref<5x128xf32, #tpu.memory_space<vmem>> -> memref<1x128xf32, #tpu.memory_space<vmem>>
    %dma_wait3A_789 = arith.constant 2 : i32
    %dma_wait3A_790 = tpu.memref_slice %arg2[%dma_wait3A_789, %mul3A_2] : memref<5x4096xf32, #tpu.memory_space<hbm>> -> memref<1x128xf32, #tpu.memory_space<hbm>>
    %dma_wait3A_791 = arith.constant 2 : i32
    %dma_wait3A_792 = tpu.memref_slice %arg2[%dma_wait3A_791, %mul3A_2] : memref<5x4096xf32, #tpu.memory_space<hbm>> -> memref<1x128xf32, #tpu.memory_space<hbm>>
    %dma_wait3A_793 = arith.constant 2 : i32
    %dma_wait3A_794 = arith.constant 0 : i32
    %dma_wait3A_795 = tpu.memref_slice %arg3[%dma_wait3A_793, %dma_wait3A_794] : memref<5x128xf32, #tpu.memory_space<vmem>> -> memref<1x128xf32, #tpu.memory_space<vmem>>
    tpu.wait_dma2 semaphore(%arg4 : memref<!tpu.dma_semaphore, #tpu.memory_space<semaphore_mem>>) src(%dma_wait3A_795 : memref<1x128xf32, #tpu.memory_space<vmem>>) dst(%dma_wait3A_792 : memref<1x128xf32, #tpu.memory_space<hbm>>)
    %dma_wait3A_796 = arith.constant 3 : i32
    %dma_wait3A_797 = arith.constant 0 : i32
    %dma_wait3A_798 = tpu.memref_slice %arg3[%dma_wait3A_796, %dma_wait3A_797] : memref<5x128xf32, #tpu.memory_space<vmem>> -> memref<1x128xf32, #tpu.memory_space<vmem>>
    %dma_wait3A_799 = arith.constant 3 : i32
    %dma_wait3A_800 = tpu.memref_slice %arg2[%dma_wait3A_799, %mul3A_2] : memref<5x4096xf32, #tpu.memory_space<hbm>> -> memref<1x128xf32, #tpu.memory_space<hbm>>
    %dma_wait3A_801 = arith.constant 3 : i32
    %dma_wait3A_802 = tpu.memref_slice %arg2[%dma_wait3A_801, %mul3A_2] : memref<5x4096xf32, #tpu.memory_space<hbm>> -> memref<1x128xf32, #tpu.memory_space<hbm>>
    %dma_wait3A_803 = arith.constant 3 : i32
    %dma_wait3A_804 = arith.constant 0 : i32
    %dma_wait3A_805 = tpu.memref_slice %arg3[%dma_wait3A_803, %dma_wait3A_804] : memref<5x128xf32, #tpu.memory_space<vmem>> -> memref<1x128xf32, #tpu.memory_space<vmem>>
    tpu.wait_dma2 semaphore(%arg4 : memref<!tpu.dma_semaphore, #tpu.memory_space<semaphore_mem>>) src(%dma_wait3A_805 : memref<1x128xf32, #tpu.memory_space<vmem>>) dst(%dma_wait3A_802 : memref<1x128xf32, #tpu.memory_space<hbm>>)
    %dma_wait3A_806 = arith.constant 4 : i32
    %dma_wait3A_807 = arith.constant 0 : i32
    %dma_wait3A_808 = tpu.memref_slice %arg3[%dma_wait3A_806, %dma_wait3A_807] : memref<5x128xf32, #tpu.memory_space<vmem>> -> memref<1x128xf32, #tpu.memory_space<vmem>>
    %dma_wait3A_809 = arith.constant 4 : i32
    %dma_wait3A_810 = tpu.memref_slice %arg2[%dma_wait3A_809, %mul3A_2] : memref<5x4096xf32, #tpu.memory_space<hbm>> -> memref<1x128xf32, #tpu.memory_space<hbm>>
    %dma_wait3A_811 = arith.constant 4 : i32
    %dma_wait3A_812 = tpu.memref_slice %arg2[%dma_wait3A_811, %mul3A_2] : memref<5x4096xf32, #tpu.memory_space<hbm>> -> memref<1x128xf32, #tpu.memory_space<hbm>>
    %dma_wait3A_813 = arith.constant 4 : i32
    %dma_wait3A_814 = arith.constant 0 : i32
    %dma_wait3A_815 = tpu.memref_slice %arg3[%dma_wait3A_813, %dma_wait3A_814] : memref<5x128xf32, #tpu.memory_space<vmem>> -> memref<1x128xf32, #tpu.memory_space<vmem>>
    tpu.wait_dma2 semaphore(%arg4 : memref<!tpu.dma_semaphore, #tpu.memory_space<semaphore_mem>>) src(%dma_wait3A_815 : memref<1x128xf32, #tpu.memory_space<vmem>>) dst(%dma_wait3A_812 : memref<1x128xf32, #tpu.memory_space<hbm>>)
    return
  }
}

module attributes {stable_mosaic.version = 14 : i64} {
  func.func @body(%arg0: memref<4096x1024xf32, #tpu.memory_space<hbm>>, %arg1: memref<3584x1024xf32, #tpu.memory_space<hbm>>, %arg2: memref<3072x1024xf32, #tpu.memory_space<hbm>>, %arg3: memref<2560x1024xf32, #tpu.memory_space<hbm>>, %arg4: memref<2048x1024xf32, #tpu.memory_space<hbm>>, %arg5: memref<1536x1024xf32, #tpu.memory_space<hbm>>, %arg6: memref<1024x1024xf32, #tpu.memory_space<hbm>>, %arg7: memref<512x1024xf32, #tpu.memory_space<hbm>>, %arg8: memref<5x4096x1024xf32, #tpu.memory_space<hbm>>, %arg9: memref<512x1024xf32, #tpu.memory_space<vmem>>, %arg10: memref<512x1024xf32, #tpu.memory_space<vmem>>, %arg11: memref<512x1024xf32, #tpu.memory_space<vmem>>, %arg12: memref<512x1024xf32, #tpu.memory_space<vmem>>, %arg13: memref<512x1024xf32, #tpu.memory_space<vmem>>, %arg14: memref<512x1024xf32, #tpu.memory_space<vmem>>, %arg15: memref<512x1024xf32, #tpu.memory_space<vmem>>, %arg16: memref<512x1024xf32, #tpu.memory_space<vmem>>, %arg17: memref<512x1024xf32, #tpu.memory_space<vmem>>, %arg18: memref<8x!tpu.dma_semaphore, #tpu.memory_space<semaphore_mem>>, %arg19: memref<8x!tpu.dma_semaphore, #tpu.memory_space<semaphore_mem>>, %arg20: memref<4x!tpu.dma_semaphore, #tpu.memory_space<semaphore_mem>>) attributes {dimension_semantics = [], scalar_prefetch = 0 : i64, scratch_operands = 12 : i64, tpu.core_type = #tpu.core_type<tc>} {
    %dma_start3A = arith.constant 0 : i32
    %dma_start3A_0 = tpu.memref_slice %arg18[%dma_start3A] : memref<8x!tpu.dma_semaphore, #tpu.memory_space<semaphore_mem>> -> memref<1x!tpu.dma_semaphore, #tpu.memory_space<semaphore_mem>>
    %dma_start3A_1 = tpu.memref_squeeze %dma_start3A_0 : memref<1x!tpu.dma_semaphore, #tpu.memory_space<semaphore_mem>> -> memref<!tpu.dma_semaphore, #tpu.memory_space<semaphore_mem>>
    %dma_start3A_2 = arith.constant 0 : i32
    %dma_start3A_3 = arith.constant 0 : i32
    %dma_start3A_4 = tpu.memref_slice %arg9[%dma_start3A_2, %dma_start3A_3] : memref<512x1024xf32, #tpu.memory_space<vmem>> -> memref<512x1024xf32, #tpu.memory_space<vmem>>
    %dma_start3A_5 = arith.constant 0 : i32
    %dma_start3A_6 = arith.constant 0 : i32
    %dma_start3A_7 = tpu.memref_slice %arg0[%dma_start3A_5, %dma_start3A_6] : memref<4096x1024xf32, #tpu.memory_space<hbm>> -> memref<512x1024xf32, #tpu.memory_space<hbm>>
    tpu.enqueue_dma source(%dma_start3A_7 : memref<512x1024xf32, #tpu.memory_space<hbm>>) target(%dma_start3A_4 : memref<512x1024xf32, #tpu.memory_space<vmem>>) target_semaphore(%dma_start3A_1 : memref<!tpu.dma_semaphore, #tpu.memory_space<semaphore_mem>>)
    %dma_start3A_8 = arith.constant 1 : i32
    %dma_start3A_9 = tpu.memref_slice %arg18[%dma_start3A_8] : memref<8x!tpu.dma_semaphore, #tpu.memory_space<semaphore_mem>> -> memref<1x!tpu.dma_semaphore, #tpu.memory_space<semaphore_mem>>
    %dma_start3A_10 = tpu.memref_squeeze %dma_start3A_9 : memref<1x!tpu.dma_semaphore, #tpu.memory_space<semaphore_mem>> -> memref<!tpu.dma_semaphore, #tpu.memory_space<semaphore_mem>>
    %dma_start3A_11 = arith.constant 0 : i32
    %dma_start3A_12 = arith.constant 0 : i32
    %dma_start3A_13 = tpu.memref_slice %arg10[%dma_start3A_11, %dma_start3A_12] : memref<512x1024xf32, #tpu.memory_space<vmem>> -> memref<512x1024xf32, #tpu.memory_space<vmem>>
    %dma_start3A_14 = arith.constant 512 : i32
    %dma_start3A_15 = arith.constant 0 : i32
    %dma_start3A_16 = tpu.memref_slice %arg0[%dma_start3A_14, %dma_start3A_15] : memref<4096x1024xf32, #tpu.memory_space<hbm>> -> memref<512x1024xf32, #tpu.memory_space<hbm>>
    tpu.enqueue_dma source(%dma_start3A_16 : memref<512x1024xf32, #tpu.memory_space<hbm>>) target(%dma_start3A_13 : memref<512x1024xf32, #tpu.memory_space<vmem>>) target_semaphore(%dma_start3A_10 : memref<!tpu.dma_semaphore, #tpu.memory_space<semaphore_mem>>)
    %dma_start3A_17 = arith.constant 2 : i32
    %dma_start3A_18 = tpu.memref_slice %arg18[%dma_start3A_17] : memref<8x!tpu.dma_semaphore, #tpu.memory_space<semaphore_mem>> -> memref<1x!tpu.dma_semaphore, #tpu.memory_space<semaphore_mem>>
    %dma_start3A_19 = tpu.memref_squeeze %dma_start3A_18 : memref<1x!tpu.dma_semaphore, #tpu.memory_space<semaphore_mem>> -> memref<!tpu.dma_semaphore, #tpu.memory_space<semaphore_mem>>
    %dma_start3A_20 = arith.constant 0 : i32
    %dma_start3A_21 = arith.constant 0 : i32
    %dma_start3A_22 = tpu.memref_slice %arg11[%dma_start3A_20, %dma_start3A_21] : memref<512x1024xf32, #tpu.memory_space<vmem>> -> memref<512x1024xf32, #tpu.memory_space<vmem>>
    %dma_start3A_23 = arith.constant 1024 : i32
    %dma_start3A_24 = arith.constant 0 : i32
    %dma_start3A_25 = tpu.memref_slice %arg0[%dma_start3A_23, %dma_start3A_24] : memref<4096x1024xf32, #tpu.memory_space<hbm>> -> memref<512x1024xf32, #tpu.memory_space<hbm>>
    tpu.enqueue_dma source(%dma_start3A_25 : memref<512x1024xf32, #tpu.memory_space<hbm>>) target(%dma_start3A_22 : memref<512x1024xf32, #tpu.memory_space<vmem>>) target_semaphore(%dma_start3A_19 : memref<!tpu.dma_semaphore, #tpu.memory_space<semaphore_mem>>)
    %dma_start3A_26 = arith.constant 3 : i32
    %dma_start3A_27 = tpu.memref_slice %arg18[%dma_start3A_26] : memref<8x!tpu.dma_semaphore, #tpu.memory_space<semaphore_mem>> -> memref<1x!tpu.dma_semaphore, #tpu.memory_space<semaphore_mem>>
    %dma_start3A_28 = tpu.memref_squeeze %dma_start3A_27 : memref<1x!tpu.dma_semaphore, #tpu.memory_space<semaphore_mem>> -> memref<!tpu.dma_semaphore, #tpu.memory_space<semaphore_mem>>
    %dma_start3A_29 = arith.constant 0 : i32
    %dma_start3A_30 = arith.constant 0 : i32
    %dma_start3A_31 = tpu.memref_slice %arg12[%dma_start3A_29, %dma_start3A_30] : memref<512x1024xf32, #tpu.memory_space<vmem>> -> memref<512x1024xf32, #tpu.memory_space<vmem>>
    %dma_start3A_32 = arith.constant 1536 : i32
    %dma_start3A_33 = arith.constant 0 : i32
    %dma_start3A_34 = tpu.memref_slice %arg0[%dma_start3A_32, %dma_start3A_33] : memref<4096x1024xf32, #tpu.memory_space<hbm>> -> memref<512x1024xf32, #tpu.memory_space<hbm>>
    tpu.enqueue_dma source(%dma_start3A_34 : memref<512x1024xf32, #tpu.memory_space<hbm>>) target(%dma_start3A_31 : memref<512x1024xf32, #tpu.memory_space<vmem>>) target_semaphore(%dma_start3A_28 : memref<!tpu.dma_semaphore, #tpu.memory_space<semaphore_mem>>)
    %broadcast_in_dim3A = arith.constant 0.000000e+00 : f32
    %broadcast_in_dim3A_35 = vector.broadcast %broadcast_in_dim3A : f32 to vector<512x1024xf32>
    %swap3A = arith.constant 0 : index
    %swap3A_36 = arith.constant 0 : index
    %swap3A_37 = vector.load %arg17[%swap3A, %swap3A_36] : memref<512x1024xf32, #tpu.memory_space<vmem>>, vector<512x1024xf32>
    tpu.vector_store %arg17[%swap3A, %swap3A_36], %broadcast_in_dim3A_35 {strides = array<i32>} : memref<512x1024xf32, #tpu.memory_space<vmem>>, vector<512x1024xf32>,
    %dma_start3A_38 = arith.constant 4 : i32
    %dma_start3A_39 = arith.constant 0 : i32
    %dma_start3A_40 = tpu.memref_slice %arg20[%dma_start3A_39] : memref<4x!tpu.dma_semaphore, #tpu.memory_space<semaphore_mem>> -> memref<1x!tpu.dma_semaphore, #tpu.memory_space<semaphore_mem>>
    %dma_start3A_41 = tpu.memref_squeeze %dma_start3A_40 : memref<1x!tpu.dma_semaphore, #tpu.memory_space<semaphore_mem>> -> memref<!tpu.dma_semaphore, #tpu.memory_space<semaphore_mem>>
    %dma_start3A_42 = arith.constant 2048 : i32
    %dma_start3A_43 = arith.constant 0 : i32
    %dma_start3A_44 = tpu.memref_slice %arg8[%dma_start3A_38, %dma_start3A_42, %dma_start3A_43] : memref<5x4096x1024xf32, #tpu.memory_space<hbm>> -> memref<1x512x1024xf32, #tpu.memory_space<hbm>>
    %dma_start3A_45 = tpu.memref_squeeze %dma_start3A_44 : memref<1x512x1024xf32, #tpu.memory_space<hbm>> -> memref<512x1024xf32, #tpu.memory_space<hbm>>
    %dma_start3A_46 = arith.constant 0 : i32
    %dma_start3A_47 = arith.constant 0 : i32
    %dma_start3A_48 = tpu.memref_slice %arg17[%dma_start3A_46, %dma_start3A_47] : memref<512x1024xf32, #tpu.memory_space<vmem>> -> memref<512x1024xf32, #tpu.memory_space<vmem>>
    tpu.enqueue_dma source(%dma_start3A_48 : memref<512x1024xf32, #tpu.memory_space<vmem>>) target(%dma_start3A_45 : memref<512x1024xf32, #tpu.memory_space<hbm>>) target_semaphore(%dma_start3A_41 : memref<!tpu.dma_semaphore, #tpu.memory_space<semaphore_mem>>)
    %dma_start3A_49 = arith.constant 4 : i32
    %dma_start3A_50 = arith.constant 1 : i32
    %dma_start3A_51 = tpu.memref_slice %arg20[%dma_start3A_50] : memref<4x!tpu.dma_semaphore, #tpu.memory_space<semaphore_mem>> -> memref<1x!tpu.dma_semaphore, #tpu.memory_space<semaphore_mem>>
    %dma_start3A_52 = tpu.memref_squeeze %dma_start3A_51 : memref<1x!tpu.dma_semaphore, #tpu.memory_space<semaphore_mem>> -> memref<!tpu.dma_semaphore, #tpu.memory_space<semaphore_mem>>
    %dma_start3A_53 = arith.constant 2560 : i32
    %dma_start3A_54 = arith.constant 0 : i32
    %dma_start3A_55 = tpu.memref_slice %arg8[%dma_start3A_49, %dma_start3A_53, %dma_start3A_54] : memref<5x4096x1024xf32, #tpu.memory_space<hbm>> -> memref<1x512x1024xf32, #tpu.memory_space<hbm>>
    %dma_start3A_56 = tpu.memref_squeeze %dma_start3A_55 : memref<1x512x1024xf32, #tpu.memory_space<hbm>> -> memref<512x1024xf32, #tpu.memory_space<hbm>>
    %dma_start3A_57 = arith.constant 0 : i32
    %dma_start3A_58 = arith.constant 0 : i32
    %dma_start3A_59 = tpu.memref_slice %arg17[%dma_start3A_57, %dma_start3A_58] : memref<512x1024xf32, #tpu.memory_space<vmem>> -> memref<512x1024xf32, #tpu.memory_space<vmem>>
    tpu.enqueue_dma source(%dma_start3A_59 : memref<512x1024xf32, #tpu.memory_space<vmem>>) target(%dma_start3A_56 : memref<512x1024xf32, #tpu.memory_space<hbm>>) target_semaphore(%dma_start3A_52 : memref<!tpu.dma_semaphore, #tpu.memory_space<semaphore_mem>>)
    %dma_start3A_60 = arith.constant 4 : i32
    %dma_start3A_61 = arith.constant 2 : i32
    %dma_start3A_62 = tpu.memref_slice %arg20[%dma_start3A_61] : memref<4x!tpu.dma_semaphore, #tpu.memory_space<semaphore_mem>> -> memref<1x!tpu.dma_semaphore, #tpu.memory_space<semaphore_mem>>
    %dma_start3A_63 = tpu.memref_squeeze %dma_start3A_62 : memref<1x!tpu.dma_semaphore, #tpu.memory_space<semaphore_mem>> -> memref<!tpu.dma_semaphore, #tpu.memory_space<semaphore_mem>>
    %dma_start3A_64 = arith.constant 3072 : i32
    %dma_start3A_65 = arith.constant 0 : i32
    %dma_start3A_66 = tpu.memref_slice %arg8[%dma_start3A_60, %dma_start3A_64, %dma_start3A_65] : memref<5x4096x1024xf32, #tpu.memory_space<hbm>> -> memref<1x512x1024xf32, #tpu.memory_space<hbm>>
    %dma_start3A_67 = tpu.memref_squeeze %dma_start3A_66 : memref<1x512x1024xf32, #tpu.memory_space<hbm>> -> memref<512x1024xf32, #tpu.memory_space<hbm>>
    %dma_start3A_68 = arith.constant 0 : i32
    %dma_start3A_69 = arith.constant 0 : i32
    %dma_start3A_70 = tpu.memref_slice %arg17[%dma_start3A_68, %dma_start3A_69] : memref<512x1024xf32, #tpu.memory_space<vmem>> -> memref<512x1024xf32, #tpu.memory_space<vmem>>
    tpu.enqueue_dma source(%dma_start3A_70 : memref<512x1024xf32, #tpu.memory_space<vmem>>) target(%dma_start3A_67 : memref<512x1024xf32, #tpu.memory_space<hbm>>) target_semaphore(%dma_start3A_63 : memref<!tpu.dma_semaphore, #tpu.memory_space<semaphore_mem>>)
    %dma_start3A_71 = arith.constant 4 : i32
    %dma_start3A_72 = arith.constant 3 : i32
    %dma_start3A_73 = tpu.memref_slice %arg20[%dma_start3A_72] : memref<4x!tpu.dma_semaphore, #tpu.memory_space<semaphore_mem>> -> memref<1x!tpu.dma_semaphore, #tpu.memory_space<semaphore_mem>>
    %dma_start3A_74 = tpu.memref_squeeze %dma_start3A_73 : memref<1x!tpu.dma_semaphore, #tpu.memory_space<semaphore_mem>> -> memref<!tpu.dma_semaphore, #tpu.memory_space<semaphore_mem>>
    %dma_start3A_75 = arith.constant 3584 : i32
    %dma_start3A_76 = arith.constant 0 : i32
    %dma_start3A_77 = tpu.memref_slice %arg8[%dma_start3A_71, %dma_start3A_75, %dma_start3A_76] : memref<5x4096x1024xf32, #tpu.memory_space<hbm>> -> memref<1x512x1024xf32, #tpu.memory_space<hbm>>
    %dma_start3A_78 = tpu.memref_squeeze %dma_start3A_77 : memref<1x512x1024xf32, #tpu.memory_space<hbm>> -> memref<512x1024xf32, #tpu.memory_space<hbm>>
    %dma_start3A_79 = arith.constant 0 : i32
    %dma_start3A_80 = arith.constant 0 : i32
    %dma_start3A_81 = tpu.memref_slice %arg17[%dma_start3A_79, %dma_start3A_80] : memref<512x1024xf32, #tpu.memory_space<vmem>> -> memref<512x1024xf32, #tpu.memory_space<vmem>>
    tpu.enqueue_dma source(%dma_start3A_81 : memref<512x1024xf32, #tpu.memory_space<vmem>>) target(%dma_start3A_78 : memref<512x1024xf32, #tpu.memory_space<hbm>>) target_semaphore(%dma_start3A_74 : memref<!tpu.dma_semaphore, #tpu.memory_space<semaphore_mem>>)
    %dma_start3A_82 = arith.constant 4 : i32
    %dma_start3A_83 = tpu.memref_slice %arg18[%dma_start3A_82] : memref<8x!tpu.dma_semaphore, #tpu.memory_space<semaphore_mem>> -> memref<1x!tpu.dma_semaphore, #tpu.memory_space<semaphore_mem>>
    %dma_start3A_84 = tpu.memref_squeeze %dma_start3A_83 : memref<1x!tpu.dma_semaphore, #tpu.memory_space<semaphore_mem>> -> memref<!tpu.dma_semaphore, #tpu.memory_space<semaphore_mem>>
    %dma_start3A_85 = arith.constant 0 : i32
    %dma_start3A_86 = arith.constant 0 : i32
    %dma_start3A_87 = tpu.memref_slice %arg13[%dma_start3A_85, %dma_start3A_86] : memref<512x1024xf32, #tpu.memory_space<vmem>> -> memref<512x1024xf32, #tpu.memory_space<vmem>>
    %dma_start3A_88 = arith.constant 2048 : i32
    %dma_start3A_89 = arith.constant 0 : i32
    %dma_start3A_90 = tpu.memref_slice %arg0[%dma_start3A_88, %dma_start3A_89] : memref<4096x1024xf32, #tpu.memory_space<hbm>> -> memref<512x1024xf32, #tpu.memory_space<hbm>>
    tpu.enqueue_dma source(%dma_start3A_90 : memref<512x1024xf32, #tpu.memory_space<hbm>>) target(%dma_start3A_87 : memref<512x1024xf32, #tpu.memory_space<vmem>>) target_semaphore(%dma_start3A_84 : memref<!tpu.dma_semaphore, #tpu.memory_space<semaphore_mem>>)
    %dma_wait3A = arith.constant 0 : i32
    %dma_wait3A_91 = tpu.memref_slice %arg18[%dma_wait3A] : memref<8x!tpu.dma_semaphore, #tpu.memory_space<semaphore_mem>> -> memref<1x!tpu.dma_semaphore, #tpu.memory_space<semaphore_mem>>
    %dma_wait3A_92 = tpu.memref_squeeze %dma_wait3A_91 : memref<1x!tpu.dma_semaphore, #tpu.memory_space<semaphore_mem>> -> memref<!tpu.dma_semaphore, #tpu.memory_space<semaphore_mem>>
    %dma_wait3A_93 = arith.constant 0 : i32
    %dma_wait3A_94 = arith.constant 0 : i32
    %dma_wait3A_95 = tpu.memref_slice %arg9[%dma_wait3A_93, %dma_wait3A_94] : memref<512x1024xf32, #tpu.memory_space<vmem>> -> memref<512x1024xf32, #tpu.memory_space<vmem>>
    %dma_wait3A_96 = arith.constant 0 : i32
    %dma_wait3A_97 = arith.constant 0 : i32
    %dma_wait3A_98 = tpu.memref_slice %arg0[%dma_wait3A_96, %dma_wait3A_97] : memref<4096x1024xf32, #tpu.memory_space<hbm>> -> memref<512x1024xf32, #tpu.memory_space<hbm>>
    tpu.wait_dma2 semaphore(%dma_wait3A_92 : memref<!tpu.dma_semaphore, #tpu.memory_space<semaphore_mem>>) src(%dma_wait3A_98 : memref<512x1024xf32, #tpu.memory_space<hbm>>) dst(%dma_wait3A_95 : memref<512x1024xf32, #tpu.memory_space<vmem>>)
    %dma_start3A_99 = arith.constant 0 : i32
    %dma_start3A_100 = arith.constant 0 : i32
    %dma_start3A_101 = tpu.memref_slice %arg19[%dma_start3A_100] : memref<8x!tpu.dma_semaphore, #tpu.memory_space<semaphore_mem>> -> memref<1x!tpu.dma_semaphore, #tpu.memory_space<semaphore_mem>>
    %dma_start3A_102 = tpu.memref_squeeze %dma_start3A_101 : memref<1x!tpu.dma_semaphore, #tpu.memory_space<semaphore_mem>> -> memref<!tpu.dma_semaphore, #tpu.memory_space<semaphore_mem>>
    %dma_start3A_103 = arith.constant 0 : i32
    %dma_start3A_104 = arith.constant 0 : i32
    %dma_start3A_105 = tpu.memref_slice %arg8[%dma_start3A_99, %dma_start3A_103, %dma_start3A_104] : memref<5x4096x1024xf32, #tpu.memory_space<hbm>> -> memref<1x512x1024xf32, #tpu.memory_space<hbm>>
    %dma_start3A_106 = tpu.memref_squeeze %dma_start3A_105 : memref<1x512x1024xf32, #tpu.memory_space<hbm>> -> memref<512x1024xf32, #tpu.memory_space<hbm>>
    %dma_start3A_107 = arith.constant 0 : i32
    %dma_start3A_108 = arith.constant 0 : i32
    %dma_start3A_109 = tpu.memref_slice %arg9[%dma_start3A_107, %dma_start3A_108] : memref<512x1024xf32, #tpu.memory_space<vmem>> -> memref<512x1024xf32, #tpu.memory_space<vmem>>
    tpu.enqueue_dma source(%dma_start3A_109 : memref<512x1024xf32, #tpu.memory_space<vmem>>) target(%dma_start3A_106 : memref<512x1024xf32, #tpu.memory_space<hbm>>) target_semaphore(%dma_start3A_102 : memref<!tpu.dma_semaphore, #tpu.memory_space<semaphore_mem>>)
    %dma_start3A_110 = arith.constant 5 : i32
    %dma_start3A_111 = tpu.memref_slice %arg18[%dma_start3A_110] : memref<8x!tpu.dma_semaphore, #tpu.memory_space<semaphore_mem>> -> memref<1x!tpu.dma_semaphore, #tpu.memory_space<semaphore_mem>>
    %dma_start3A_112 = tpu.memref_squeeze %dma_start3A_111 : memref<1x!tpu.dma_semaphore, #tpu.memory_space<semaphore_mem>> -> memref<!tpu.dma_semaphore, #tpu.memory_space<semaphore_mem>>
    %dma_start3A_113 = arith.constant 0 : i32
    %dma_start3A_114 = arith.constant 0 : i32
    %dma_start3A_115 = tpu.memref_slice %arg14[%dma_start3A_113, %dma_start3A_114] : memref<512x1024xf32, #tpu.memory_space<vmem>> -> memref<512x1024xf32, #tpu.memory_space<vmem>>
    %dma_start3A_116 = arith.constant 2560 : i32
    %dma_start3A_117 = arith.constant 0 : i32
    %dma_start3A_118 = tpu.memref_slice %arg0[%dma_start3A_116, %dma_start3A_117] : memref<4096x1024xf32, #tpu.memory_space<hbm>> -> memref<512x1024xf32, #tpu.memory_space<hbm>>
    tpu.enqueue_dma source(%dma_start3A_118 : memref<512x1024xf32, #tpu.memory_space<hbm>>) target(%dma_start3A_115 : memref<512x1024xf32, #tpu.memory_space<vmem>>) target_semaphore(%dma_start3A_112 : memref<!tpu.dma_semaphore, #tpu.memory_space<semaphore_mem>>)
    %dma_wait3A_119 = arith.constant 1 : i32
    %dma_wait3A_120 = tpu.memref_slice %arg18[%dma_wait3A_119] : memref<8x!tpu.dma_semaphore, #tpu.memory_space<semaphore_mem>> -> memref<1x!tpu.dma_semaphore, #tpu.memory_space<semaphore_mem>>
    %dma_wait3A_121 = tpu.memref_squeeze %dma_wait3A_120 : memref<1x!tpu.dma_semaphore, #tpu.memory_space<semaphore_mem>> -> memref<!tpu.dma_semaphore, #tpu.memory_space<semaphore_mem>>
    %dma_wait3A_122 = arith.constant 0 : i32
    %dma_wait3A_123 = arith.constant 0 : i32
    %dma_wait3A_124 = tpu.memref_slice %arg10[%dma_wait3A_122, %dma_wait3A_123] : memref<512x1024xf32, #tpu.memory_space<vmem>> -> memref<512x1024xf32, #tpu.memory_space<vmem>>
    %dma_wait3A_125 = arith.constant 512 : i32
    %dma_wait3A_126 = arith.constant 0 : i32
    %dma_wait3A_127 = tpu.memref_slice %arg0[%dma_wait3A_125, %dma_wait3A_126] : memref<4096x1024xf32, #tpu.memory_space<hbm>> -> memref<512x1024xf32, #tpu.memory_space<hbm>>
    tpu.wait_dma2 semaphore(%dma_wait3A_121 : memref<!tpu.dma_semaphore, #tpu.memory_space<semaphore_mem>>) src(%dma_wait3A_127 : memref<512x1024xf32, #tpu.memory_space<hbm>>) dst(%dma_wait3A_124 : memref<512x1024xf32, #tpu.memory_space<vmem>>)
    %dma_start3A_128 = arith.constant 0 : i32
    %dma_start3A_129 = arith.constant 1 : i32
    %dma_start3A_130 = tpu.memref_slice %arg19[%dma_start3A_129] : memref<8x!tpu.dma_semaphore, #tpu.memory_space<semaphore_mem>> -> memref<1x!tpu.dma_semaphore, #tpu.memory_space<semaphore_mem>>
    %dma_start3A_131 = tpu.memref_squeeze %dma_start3A_130 : memref<1x!tpu.dma_semaphore, #tpu.memory_space<semaphore_mem>> -> memref<!tpu.dma_semaphore, #tpu.memory_space<semaphore_mem>>
    %dma_start3A_132 = arith.constant 512 : i32
    %dma_start3A_133 = arith.constant 0 : i32
    %dma_start3A_134 = tpu.memref_slice %arg8[%dma_start3A_128, %dma_start3A_132, %dma_start3A_133] : memref<5x4096x1024xf32, #tpu.memory_space<hbm>> -> memref<1x512x1024xf32, #tpu.memory_space<hbm>>
    %dma_start3A_135 = tpu.memref_squeeze %dma_start3A_134 : memref<1x512x1024xf32, #tpu.memory_space<hbm>> -> memref<512x1024xf32, #tpu.memory_space<hbm>>
    %dma_start3A_136 = arith.constant 0 : i32
    %dma_start3A_137 = arith.constant 0 : i32
    %dma_start3A_138 = tpu.memref_slice %arg10[%dma_start3A_136, %dma_start3A_137] : memref<512x1024xf32, #tpu.memory_space<vmem>> -> memref<512x1024xf32, #tpu.memory_space<vmem>>
    tpu.enqueue_dma source(%dma_start3A_138 : memref<512x1024xf32, #tpu.memory_space<vmem>>) target(%dma_start3A_135 : memref<512x1024xf32, #tpu.memory_space<hbm>>) target_semaphore(%dma_start3A_131 : memref<!tpu.dma_semaphore, #tpu.memory_space<semaphore_mem>>)
    %dma_start3A_139 = arith.constant 6 : i32
    %dma_start3A_140 = tpu.memref_slice %arg18[%dma_start3A_139] : memref<8x!tpu.dma_semaphore, #tpu.memory_space<semaphore_mem>> -> memref<1x!tpu.dma_semaphore, #tpu.memory_space<semaphore_mem>>
    %dma_start3A_141 = tpu.memref_squeeze %dma_start3A_140 : memref<1x!tpu.dma_semaphore, #tpu.memory_space<semaphore_mem>> -> memref<!tpu.dma_semaphore, #tpu.memory_space<semaphore_mem>>
    %dma_start3A_142 = arith.constant 0 : i32
    %dma_start3A_143 = arith.constant 0 : i32
    %dma_start3A_144 = tpu.memref_slice %arg15[%dma_start3A_142, %dma_start3A_143] : memref<512x1024xf32, #tpu.memory_space<vmem>> -> memref<512x1024xf32, #tpu.memory_space<vmem>>
    %dma_start3A_145 = arith.constant 3072 : i32
    %dma_start3A_146 = arith.constant 0 : i32
    %dma_start3A_147 = tpu.memref_slice %arg0[%dma_start3A_145, %dma_start3A_146] : memref<4096x1024xf32, #tpu.memory_space<hbm>> -> memref<512x1024xf32, #tpu.memory_space<hbm>>
    tpu.enqueue_dma source(%dma_start3A_147 : memref<512x1024xf32, #tpu.memory_space<hbm>>) target(%dma_start3A_144 : memref<512x1024xf32, #tpu.memory_space<vmem>>) target_semaphore(%dma_start3A_141 : memref<!tpu.dma_semaphore, #tpu.memory_space<semaphore_mem>>)
    %dma_wait3A_148 = arith.constant 2 : i32
    %dma_wait3A_149 = tpu.memref_slice %arg18[%dma_wait3A_148] : memref<8x!tpu.dma_semaphore, #tpu.memory_space<semaphore_mem>> -> memref<1x!tpu.dma_semaphore, #tpu.memory_space<semaphore_mem>>
    %dma_wait3A_150 = tpu.memref_squeeze %dma_wait3A_149 : memref<1x!tpu.dma_semaphore, #tpu.memory_space<semaphore_mem>> -> memref<!tpu.dma_semaphore, #tpu.memory_space<semaphore_mem>>
    %dma_wait3A_151 = arith.constant 0 : i32
    %dma_wait3A_152 = arith.constant 0 : i32
    %dma_wait3A_153 = tpu.memref_slice %arg11[%dma_wait3A_151, %dma_wait3A_152] : memref<512x1024xf32, #tpu.memory_space<vmem>> -> memref<512x1024xf32, #tpu.memory_space<vmem>>
    %dma_wait3A_154 = arith.constant 1024 : i32
    %dma_wait3A_155 = arith.constant 0 : i32
    %dma_wait3A_156 = tpu.memref_slice %arg0[%dma_wait3A_154, %dma_wait3A_155] : memref<4096x1024xf32, #tpu.memory_space<hbm>> -> memref<512x1024xf32, #tpu.memory_space<hbm>>
    tpu.wait_dma2 semaphore(%dma_wait3A_150 : memref<!tpu.dma_semaphore, #tpu.memory_space<semaphore_mem>>) src(%dma_wait3A_156 : memref<512x1024xf32, #tpu.memory_space<hbm>>) dst(%dma_wait3A_153 : memref<512x1024xf32, #tpu.memory_space<vmem>>)
    %dma_start3A_157 = arith.constant 0 : i32
    %dma_start3A_158 = arith.constant 2 : i32
    %dma_start3A_159 = tpu.memref_slice %arg19[%dma_start3A_158] : memref<8x!tpu.dma_semaphore, #tpu.memory_space<semaphore_mem>> -> memref<1x!tpu.dma_semaphore, #tpu.memory_space<semaphore_mem>>
    %dma_start3A_160 = tpu.memref_squeeze %dma_start3A_159 : memref<1x!tpu.dma_semaphore, #tpu.memory_space<semaphore_mem>> -> memref<!tpu.dma_semaphore, #tpu.memory_space<semaphore_mem>>
    %dma_start3A_161 = arith.constant 1024 : i32
    %dma_start3A_162 = arith.constant 0 : i32
    %dma_start3A_163 = tpu.memref_slice %arg8[%dma_start3A_157, %dma_start3A_161, %dma_start3A_162] : memref<5x4096x1024xf32, #tpu.memory_space<hbm>> -> memref<1x512x1024xf32, #tpu.memory_space<hbm>>
    %dma_start3A_164 = tpu.memref_squeeze %dma_start3A_163 : memref<1x512x1024xf32, #tpu.memory_space<hbm>> -> memref<512x1024xf32, #tpu.memory_space<hbm>>
    %dma_start3A_165 = arith.constant 0 : i32
    %dma_start3A_166 = arith.constant 0 : i32
    %dma_start3A_167 = tpu.memref_slice %arg11[%dma_start3A_165, %dma_start3A_166] : memref<512x1024xf32, #tpu.memory_space<vmem>> -> memref<512x1024xf32, #tpu.memory_space<vmem>>
    tpu.enqueue_dma source(%dma_start3A_167 : memref<512x1024xf32, #tpu.memory_space<vmem>>) target(%dma_start3A_164 : memref<512x1024xf32, #tpu.memory_space<hbm>>) target_semaphore(%dma_start3A_160 : memref<!tpu.dma_semaphore, #tpu.memory_space<semaphore_mem>>)
    %dma_start3A_168 = arith.constant 7 : i32
    %dma_start3A_169 = tpu.memref_slice %arg18[%dma_start3A_168] : memref<8x!tpu.dma_semaphore, #tpu.memory_space<semaphore_mem>> -> memref<1x!tpu.dma_semaphore, #tpu.memory_space<semaphore_mem>>
    %dma_start3A_170 = tpu.memref_squeeze %dma_start3A_169 : memref<1x!tpu.dma_semaphore, #tpu.memory_space<semaphore_mem>> -> memref<!tpu.dma_semaphore, #tpu.memory_space<semaphore_mem>>
    %dma_start3A_171 = arith.constant 0 : i32
    %dma_start3A_172 = arith.constant 0 : i32
    %dma_start3A_173 = tpu.memref_slice %arg16[%dma_start3A_171, %dma_start3A_172] : memref<512x1024xf32, #tpu.memory_space<vmem>> -> memref<512x1024xf32, #tpu.memory_space<vmem>>
    %dma_start3A_174 = arith.constant 3584 : i32
    %dma_start3A_175 = arith.constant 0 : i32
    %dma_start3A_176 = tpu.memref_slice %arg0[%dma_start3A_174, %dma_start3A_175] : memref<4096x1024xf32, #tpu.memory_space<hbm>> -> memref<512x1024xf32, #tpu.memory_space<hbm>>
    tpu.enqueue_dma source(%dma_start3A_176 : memref<512x1024xf32, #tpu.memory_space<hbm>>) target(%dma_start3A_173 : memref<512x1024xf32, #tpu.memory_space<vmem>>) target_semaphore(%dma_start3A_170 : memref<!tpu.dma_semaphore, #tpu.memory_space<semaphore_mem>>)
    %dma_wait3A_177 = arith.constant 3 : i32
    %dma_wait3A_178 = tpu.memref_slice %arg18[%dma_wait3A_177] : memref<8x!tpu.dma_semaphore, #tpu.memory_space<semaphore_mem>> -> memref<1x!tpu.dma_semaphore, #tpu.memory_space<semaphore_mem>>
    %dma_wait3A_179 = tpu.memref_squeeze %dma_wait3A_178 : memref<1x!tpu.dma_semaphore, #tpu.memory_space<semaphore_mem>> -> memref<!tpu.dma_semaphore, #tpu.memory_space<semaphore_mem>>
    %dma_wait3A_180 = arith.constant 0 : i32
    %dma_wait3A_181 = arith.constant 0 : i32
    %dma_wait3A_182 = tpu.memref_slice %arg12[%dma_wait3A_180, %dma_wait3A_181] : memref<512x1024xf32, #tpu.memory_space<vmem>> -> memref<512x1024xf32, #tpu.memory_space<vmem>>
    %dma_wait3A_183 = arith.constant 1536 : i32
    %dma_wait3A_184 = arith.constant 0 : i32
    %dma_wait3A_185 = tpu.memref_slice %arg0[%dma_wait3A_183, %dma_wait3A_184] : memref<4096x1024xf32, #tpu.memory_space<hbm>> -> memref<512x1024xf32, #tpu.memory_space<hbm>>
    tpu.wait_dma2 semaphore(%dma_wait3A_179 : memref<!tpu.dma_semaphore, #tpu.memory_space<semaphore_mem>>) src(%dma_wait3A_185 : memref<512x1024xf32, #tpu.memory_space<hbm>>) dst(%dma_wait3A_182 : memref<512x1024xf32, #tpu.memory_space<vmem>>)
    %dma_start3A_186 = arith.constant 0 : i32
    %dma_start3A_187 = arith.constant 3 : i32
    %dma_start3A_188 = tpu.memref_slice %arg19[%dma_start3A_187] : memref<8x!tpu.dma_semaphore, #tpu.memory_space<semaphore_mem>> -> memref<1x!tpu.dma_semaphore, #tpu.memory_space<semaphore_mem>>
    %dma_start3A_189 = tpu.memref_squeeze %dma_start3A_188 : memref<1x!tpu.dma_semaphore, #tpu.memory_space<semaphore_mem>> -> memref<!tpu.dma_semaphore, #tpu.memory_space<semaphore_mem>>
    %dma_start3A_190 = arith.constant 1536 : i32
    %dma_start3A_191 = arith.constant 0 : i32
    %dma_start3A_192 = tpu.memref_slice %arg8[%dma_start3A_186, %dma_start3A_190, %dma_start3A_191] : memref<5x4096x1024xf32, #tpu.memory_space<hbm>> -> memref<1x512x1024xf32, #tpu.memory_space<hbm>>
    %dma_start3A_193 = tpu.memref_squeeze %dma_start3A_192 : memref<1x512x1024xf32, #tpu.memory_space<hbm>> -> memref<512x1024xf32, #tpu.memory_space<hbm>>
    %dma_start3A_194 = arith.constant 0 : i32
    %dma_start3A_195 = arith.constant 0 : i32
    %dma_start3A_196 = tpu.memref_slice %arg12[%dma_start3A_194, %dma_start3A_195] : memref<512x1024xf32, #tpu.memory_space<vmem>> -> memref<512x1024xf32, #tpu.memory_space<vmem>>
    tpu.enqueue_dma source(%dma_start3A_196 : memref<512x1024xf32, #tpu.memory_space<vmem>>) target(%dma_start3A_193 : memref<512x1024xf32, #tpu.memory_space<hbm>>) target_semaphore(%dma_start3A_189 : memref<!tpu.dma_semaphore, #tpu.memory_space<semaphore_mem>>)
    %dma_wait3A_197 = arith.constant 0 : i32
    %dma_wait3A_198 = arith.constant 0 : i32
    %dma_wait3A_199 = tpu.memref_slice %arg19[%dma_wait3A_198] : memref<8x!tpu.dma_semaphore, #tpu.memory_space<semaphore_mem>> -> memref<1x!tpu.dma_semaphore, #tpu.memory_space<semaphore_mem>>
    %dma_wait3A_200 = tpu.memref_squeeze %dma_wait3A_199 : memref<1x!tpu.dma_semaphore, #tpu.memory_space<semaphore_mem>> -> memref<!tpu.dma_semaphore, #tpu.memory_space<semaphore_mem>>
    %dma_wait3A_201 = arith.constant 0 : i32
    %dma_wait3A_202 = arith.constant 0 : i32
    %dma_wait3A_203 = tpu.memref_slice %arg8[%dma_wait3A_197, %dma_wait3A_201, %dma_wait3A_202] : memref<5x4096x1024xf32, #tpu.memory_space<hbm>> -> memref<1x512x1024xf32, #tpu.memory_space<hbm>>
    %dma_wait3A_204 = tpu.memref_squeeze %dma_wait3A_203 : memref<1x512x1024xf32, #tpu.memory_space<hbm>> -> memref<512x1024xf32, #tpu.memory_space<hbm>>
    %dma_wait3A_205 = arith.constant 0 : i32
    %dma_wait3A_206 = arith.constant 0 : i32
    %dma_wait3A_207 = tpu.memref_slice %arg9[%dma_wait3A_205, %dma_wait3A_206] : memref<512x1024xf32, #tpu.memory_space<vmem>> -> memref<512x1024xf32, #tpu.memory_space<vmem>>
    tpu.wait_dma2 semaphore(%dma_wait3A_200 : memref<!tpu.dma_semaphore, #tpu.memory_space<semaphore_mem>>) src(%dma_wait3A_207 : memref<512x1024xf32, #tpu.memory_space<vmem>>) dst(%dma_wait3A_204 : memref<512x1024xf32, #tpu.memory_space<hbm>>)
    %dma_start3A_208 = arith.constant 0 : i32
    %dma_start3A_209 = tpu.memref_slice %arg18[%dma_start3A_208] : memref<8x!tpu.dma_semaphore, #tpu.memory_space<semaphore_mem>> -> memref<1x!tpu.dma_semaphore, #tpu.memory_space<semaphore_mem>>
    %dma_start3A_210 = tpu.memref_squeeze %dma_start3A_209 : memref<1x!tpu.dma_semaphore, #tpu.memory_space<semaphore_mem>> -> memref<!tpu.dma_semaphore, #tpu.memory_space<semaphore_mem>>
    %dma_start3A_211 = arith.constant 0 : i32
    %dma_start3A_212 = arith.constant 0 : i32
    %dma_start3A_213 = tpu.memref_slice %arg9[%dma_start3A_211, %dma_start3A_212] : memref<512x1024xf32, #tpu.memory_space<vmem>> -> memref<512x1024xf32, #tpu.memory_space<vmem>>
    %dma_start3A_214 = arith.constant 0 : i32
    %dma_start3A_215 = arith.constant 0 : i32
    %dma_start3A_216 = tpu.memref_slice %arg1[%dma_start3A_214, %dma_start3A_215] : memref<3584x1024xf32, #tpu.memory_space<hbm>> -> memref<512x1024xf32, #tpu.memory_space<hbm>>
    tpu.enqueue_dma source(%dma_start3A_216 : memref<512x1024xf32, #tpu.memory_space<hbm>>) target(%dma_start3A_213 : memref<512x1024xf32, #tpu.memory_space<vmem>>) target_semaphore(%dma_start3A_210 : memref<!tpu.dma_semaphore, #tpu.memory_space<semaphore_mem>>)
    %dma_wait3A_217 = arith.constant 4 : i32
    %dma_wait3A_218 = tpu.memref_slice %arg18[%dma_wait3A_217] : memref<8x!tpu.dma_semaphore, #tpu.memory_space<semaphore_mem>> -> memref<1x!tpu.dma_semaphore, #tpu.memory_space<semaphore_mem>>
    %dma_wait3A_219 = tpu.memref_squeeze %dma_wait3A_218 : memref<1x!tpu.dma_semaphore, #tpu.memory_space<semaphore_mem>> -> memref<!tpu.dma_semaphore, #tpu.memory_space<semaphore_mem>>
    %dma_wait3A_220 = arith.constant 0 : i32
    %dma_wait3A_221 = arith.constant 0 : i32
    %dma_wait3A_222 = tpu.memref_slice %arg13[%dma_wait3A_220, %dma_wait3A_221] : memref<512x1024xf32, #tpu.memory_space<vmem>> -> memref<512x1024xf32, #tpu.memory_space<vmem>>
    %dma_wait3A_223 = arith.constant 2048 : i32
    %dma_wait3A_224 = arith.constant 0 : i32
    %dma_wait3A_225 = tpu.memref_slice %arg0[%dma_wait3A_223, %dma_wait3A_224] : memref<4096x1024xf32, #tpu.memory_space<hbm>> -> memref<512x1024xf32, #tpu.memory_space<hbm>>
    tpu.wait_dma2 semaphore(%dma_wait3A_219 : memref<!tpu.dma_semaphore, #tpu.memory_space<semaphore_mem>>) src(%dma_wait3A_225 : memref<512x1024xf32, #tpu.memory_space<hbm>>) dst(%dma_wait3A_222 : memref<512x1024xf32, #tpu.memory_space<vmem>>)
    %dma_start3A_226 = arith.constant 0 : i32
    %dma_start3A_227 = arith.constant 4 : i32
    %dma_start3A_228 = tpu.memref_slice %arg19[%dma_start3A_227] : memref<8x!tpu.dma_semaphore, #tpu.memory_space<semaphore_mem>> -> memref<1x!tpu.dma_semaphore, #tpu.memory_space<semaphore_mem>>
    %dma_start3A_229 = tpu.memref_squeeze %dma_start3A_228 : memref<1x!tpu.dma_semaphore, #tpu.memory_space<semaphore_mem>> -> memref<!tpu.dma_semaphore, #tpu.memory_space<semaphore_mem>>
    %dma_start3A_230 = arith.constant 2048 : i32
    %dma_start3A_231 = arith.constant 0 : i32
    %dma_start3A_232 = tpu.memref_slice %arg8[%dma_start3A_226, %dma_start3A_230, %dma_start3A_231] : memref<5x4096x1024xf32, #tpu.memory_space<hbm>> -> memref<1x512x1024xf32, #tpu.memory_space<hbm>>
    %dma_start3A_233 = tpu.memref_squeeze %dma_start3A_232 : memref<1x512x1024xf32, #tpu.memory_space<hbm>> -> memref<512x1024xf32, #tpu.memory_space<hbm>>
    %dma_start3A_234 = arith.constant 0 : i32
    %dma_start3A_235 = arith.constant 0 : i32
    %dma_start3A_236 = tpu.memref_slice %arg13[%dma_start3A_234, %dma_start3A_235] : memref<512x1024xf32, #tpu.memory_space<vmem>> -> memref<512x1024xf32, #tpu.memory_space<vmem>>
    tpu.enqueue_dma source(%dma_start3A_236 : memref<512x1024xf32, #tpu.memory_space<vmem>>) target(%dma_start3A_233 : memref<512x1024xf32, #tpu.memory_space<hbm>>) target_semaphore(%dma_start3A_229 : memref<!tpu.dma_semaphore, #tpu.memory_space<semaphore_mem>>)
    %dma_wait3A_237 = arith.constant 0 : i32
    %dma_wait3A_238 = arith.constant 1 : i32
    %dma_wait3A_239 = tpu.memref_slice %arg19[%dma_wait3A_238] : memref<8x!tpu.dma_semaphore, #tpu.memory_space<semaphore_mem>> -> memref<1x!tpu.dma_semaphore, #tpu.memory_space<semaphore_mem>>
    %dma_wait3A_240 = tpu.memref_squeeze %dma_wait3A_239 : memref<1x!tpu.dma_semaphore, #tpu.memory_space<semaphore_mem>> -> memref<!tpu.dma_semaphore, #tpu.memory_space<semaphore_mem>>
    %dma_wait3A_241 = arith.constant 512 : i32
    %dma_wait3A_242 = arith.constant 0 : i32
    %dma_wait3A_243 = tpu.memref_slice %arg8[%dma_wait3A_237, %dma_wait3A_241, %dma_wait3A_242] : memref<5x4096x1024xf32, #tpu.memory_space<hbm>> -> memref<1x512x1024xf32, #tpu.memory_space<hbm>>
    %dma_wait3A_244 = tpu.memref_squeeze %dma_wait3A_243 : memref<1x512x1024xf32, #tpu.memory_space<hbm>> -> memref<512x1024xf32, #tpu.memory_space<hbm>>
    %dma_wait3A_245 = arith.constant 0 : i32
    %dma_wait3A_246 = arith.constant 0 : i32
    %dma_wait3A_247 = tpu.memref_slice %arg10[%dma_wait3A_245, %dma_wait3A_246] : memref<512x1024xf32, #tpu.memory_space<vmem>> -> memref<512x1024xf32, #tpu.memory_space<vmem>>
    tpu.wait_dma2 semaphore(%dma_wait3A_240 : memref<!tpu.dma_semaphore, #tpu.memory_space<semaphore_mem>>) src(%dma_wait3A_247 : memref<512x1024xf32, #tpu.memory_space<vmem>>) dst(%dma_wait3A_244 : memref<512x1024xf32, #tpu.memory_space<hbm>>)
    %dma_start3A_248 = arith.constant 1 : i32
    %dma_start3A_249 = tpu.memref_slice %arg18[%dma_start3A_248] : memref<8x!tpu.dma_semaphore, #tpu.memory_space<semaphore_mem>> -> memref<1x!tpu.dma_semaphore, #tpu.memory_space<semaphore_mem>>
    %dma_start3A_250 = tpu.memref_squeeze %dma_start3A_249 : memref<1x!tpu.dma_semaphore, #tpu.memory_space<semaphore_mem>> -> memref<!tpu.dma_semaphore, #tpu.memory_space<semaphore_mem>>
    %dma_start3A_251 = arith.constant 0 : i32
    %dma_start3A_252 = arith.constant 0 : i32
    %dma_start3A_253 = tpu.memref_slice %arg10[%dma_start3A_251, %dma_start3A_252] : memref<512x1024xf32, #tpu.memory_space<vmem>> -> memref<512x1024xf32, #tpu.memory_space<vmem>>
    %dma_start3A_254 = arith.constant 512 : i32
    %dma_start3A_255 = arith.constant 0 : i32
    %dma_start3A_256 = tpu.memref_slice %arg1[%dma_start3A_254, %dma_start3A_255] : memref<3584x1024xf32, #tpu.memory_space<hbm>> -> memref<512x1024xf32, #tpu.memory_space<hbm>>
    tpu.enqueue_dma source(%dma_start3A_256 : memref<512x1024xf32, #tpu.memory_space<hbm>>) target(%dma_start3A_253 : memref<512x1024xf32, #tpu.memory_space<vmem>>) target_semaphore(%dma_start3A_250 : memref<!tpu.dma_semaphore, #tpu.memory_space<semaphore_mem>>)
    %dma_wait3A_257 = arith.constant 5 : i32
    %dma_wait3A_258 = tpu.memref_slice %arg18[%dma_wait3A_257] : memref<8x!tpu.dma_semaphore, #tpu.memory_space<semaphore_mem>> -> memref<1x!tpu.dma_semaphore, #tpu.memory_space<semaphore_mem>>
    %dma_wait3A_259 = tpu.memref_squeeze %dma_wait3A_258 : memref<1x!tpu.dma_semaphore, #tpu.memory_space<semaphore_mem>> -> memref<!tpu.dma_semaphore, #tpu.memory_space<semaphore_mem>>
    %dma_wait3A_260 = arith.constant 0 : i32
    %dma_wait3A_261 = arith.constant 0 : i32
    %dma_wait3A_262 = tpu.memref_slice %arg14[%dma_wait3A_260, %dma_wait3A_261] : memref<512x1024xf32, #tpu.memory_space<vmem>> -> memref<512x1024xf32, #tpu.memory_space<vmem>>
    %dma_wait3A_263 = arith.constant 2560 : i32
    %dma_wait3A_264 = arith.constant 0 : i32
    %dma_wait3A_265 = tpu.memref_slice %arg0[%dma_wait3A_263, %dma_wait3A_264] : memref<4096x1024xf32, #tpu.memory_space<hbm>> -> memref<512x1024xf32, #tpu.memory_space<hbm>>
    tpu.wait_dma2 semaphore(%dma_wait3A_259 : memref<!tpu.dma_semaphore, #tpu.memory_space<semaphore_mem>>) src(%dma_wait3A_265 : memref<512x1024xf32, #tpu.memory_space<hbm>>) dst(%dma_wait3A_262 : memref<512x1024xf32, #tpu.memory_space<vmem>>)
    %dma_start3A_266 = arith.constant 0 : i32
    %dma_start3A_267 = arith.constant 5 : i32
    %dma_start3A_268 = tpu.memref_slice %arg19[%dma_start3A_267] : memref<8x!tpu.dma_semaphore, #tpu.memory_space<semaphore_mem>> -> memref<1x!tpu.dma_semaphore, #tpu.memory_space<semaphore_mem>>
    %dma_start3A_269 = tpu.memref_squeeze %dma_start3A_268 : memref<1x!tpu.dma_semaphore, #tpu.memory_space<semaphore_mem>> -> memref<!tpu.dma_semaphore, #tpu.memory_space<semaphore_mem>>
    %dma_start3A_270 = arith.constant 2560 : i32
    %dma_start3A_271 = arith.constant 0 : i32
    %dma_start3A_272 = tpu.memref_slice %arg8[%dma_start3A_266, %dma_start3A_270, %dma_start3A_271] : memref<5x4096x1024xf32, #tpu.memory_space<hbm>> -> memref<1x512x1024xf32, #tpu.memory_space<hbm>>
    %dma_start3A_273 = tpu.memref_squeeze %dma_start3A_272 : memref<1x512x1024xf32, #tpu.memory_space<hbm>> -> memref<512x1024xf32, #tpu.memory_space<hbm>>
    %dma_start3A_274 = arith.constant 0 : i32
    %dma_start3A_275 = arith.constant 0 : i32
    %dma_start3A_276 = tpu.memref_slice %arg14[%dma_start3A_274, %dma_start3A_275] : memref<512x1024xf32, #tpu.memory_space<vmem>> -> memref<512x1024xf32, #tpu.memory_space<vmem>>
    tpu.enqueue_dma source(%dma_start3A_276 : memref<512x1024xf32, #tpu.memory_space<vmem>>) target(%dma_start3A_273 : memref<512x1024xf32, #tpu.memory_space<hbm>>) target_semaphore(%dma_start3A_269 : memref<!tpu.dma_semaphore, #tpu.memory_space<semaphore_mem>>)
    %dma_wait3A_277 = arith.constant 0 : i32
    %dma_wait3A_278 = arith.constant 2 : i32
    %dma_wait3A_279 = tpu.memref_slice %arg19[%dma_wait3A_278] : memref<8x!tpu.dma_semaphore, #tpu.memory_space<semaphore_mem>> -> memref<1x!tpu.dma_semaphore, #tpu.memory_space<semaphore_mem>>
    %dma_wait3A_280 = tpu.memref_squeeze %dma_wait3A_279 : memref<1x!tpu.dma_semaphore, #tpu.memory_space<semaphore_mem>> -> memref<!tpu.dma_semaphore, #tpu.memory_space<semaphore_mem>>
    %dma_wait3A_281 = arith.constant 1024 : i32
    %dma_wait3A_282 = arith.constant 0 : i32
    %dma_wait3A_283 = tpu.memref_slice %arg8[%dma_wait3A_277, %dma_wait3A_281, %dma_wait3A_282] : memref<5x4096x1024xf32, #tpu.memory_space<hbm>> -> memref<1x512x1024xf32, #tpu.memory_space<hbm>>
    %dma_wait3A_284 = tpu.memref_squeeze %dma_wait3A_283 : memref<1x512x1024xf32, #tpu.memory_space<hbm>> -> memref<512x1024xf32, #tpu.memory_space<hbm>>
    %dma_wait3A_285 = arith.constant 0 : i32
    %dma_wait3A_286 = arith.constant 0 : i32
    %dma_wait3A_287 = tpu.memref_slice %arg11[%dma_wait3A_285, %dma_wait3A_286] : memref<512x1024xf32, #tpu.memory_space<vmem>> -> memref<512x1024xf32, #tpu.memory_space<vmem>>
    tpu.wait_dma2 semaphore(%dma_wait3A_280 : memref<!tpu.dma_semaphore, #tpu.memory_space<semaphore_mem>>) src(%dma_wait3A_287 : memref<512x1024xf32, #tpu.memory_space<vmem>>) dst(%dma_wait3A_284 : memref<512x1024xf32, #tpu.memory_space<hbm>>)
    %dma_start3A_288 = arith.constant 2 : i32
    %dma_start3A_289 = tpu.memref_slice %arg18[%dma_start3A_288] : memref<8x!tpu.dma_semaphore, #tpu.memory_space<semaphore_mem>> -> memref<1x!tpu.dma_semaphore, #tpu.memory_space<semaphore_mem>>
    %dma_start3A_290 = tpu.memref_squeeze %dma_start3A_289 : memref<1x!tpu.dma_semaphore, #tpu.memory_space<semaphore_mem>> -> memref<!tpu.dma_semaphore, #tpu.memory_space<semaphore_mem>>
    %dma_start3A_291 = arith.constant 0 : i32
    %dma_start3A_292 = arith.constant 0 : i32
    %dma_start3A_293 = tpu.memref_slice %arg11[%dma_start3A_291, %dma_start3A_292] : memref<512x1024xf32, #tpu.memory_space<vmem>> -> memref<512x1024xf32, #tpu.memory_space<vmem>>
    %dma_start3A_294 = arith.constant 1024 : i32
    %dma_start3A_295 = arith.constant 0 : i32
    %dma_start3A_296 = tpu.memref_slice %arg1[%dma_start3A_294, %dma_start3A_295] : memref<3584x1024xf32, #tpu.memory_space<hbm>> -> memref<512x1024xf32, #tpu.memory_space<hbm>>
    tpu.enqueue_dma source(%dma_start3A_296 : memref<512x1024xf32, #tpu.memory_space<hbm>>) target(%dma_start3A_293 : memref<512x1024xf32, #tpu.memory_space<vmem>>) target_semaphore(%dma_start3A_290 : memref<!tpu.dma_semaphore, #tpu.memory_space<semaphore_mem>>)
    %dma_wait3A_297 = arith.constant 6 : i32
    %dma_wait3A_298 = tpu.memref_slice %arg18[%dma_wait3A_297] : memref<8x!tpu.dma_semaphore, #tpu.memory_space<semaphore_mem>> -> memref<1x!tpu.dma_semaphore, #tpu.memory_space<semaphore_mem>>
    %dma_wait3A_299 = tpu.memref_squeeze %dma_wait3A_298 : memref<1x!tpu.dma_semaphore, #tpu.memory_space<semaphore_mem>> -> memref<!tpu.dma_semaphore, #tpu.memory_space<semaphore_mem>>
    %dma_wait3A_300 = arith.constant 0 : i32
    %dma_wait3A_301 = arith.constant 0 : i32
    %dma_wait3A_302 = tpu.memref_slice %arg15[%dma_wait3A_300, %dma_wait3A_301] : memref<512x1024xf32, #tpu.memory_space<vmem>> -> memref<512x1024xf32, #tpu.memory_space<vmem>>
    %dma_wait3A_303 = arith.constant 3072 : i32
    %dma_wait3A_304 = arith.constant 0 : i32
    %dma_wait3A_305 = tpu.memref_slice %arg0[%dma_wait3A_303, %dma_wait3A_304] : memref<4096x1024xf32, #tpu.memory_space<hbm>> -> memref<512x1024xf32, #tpu.memory_space<hbm>>
    tpu.wait_dma2 semaphore(%dma_wait3A_299 : memref<!tpu.dma_semaphore, #tpu.memory_space<semaphore_mem>>) src(%dma_wait3A_305 : memref<512x1024xf32, #tpu.memory_space<hbm>>) dst(%dma_wait3A_302 : memref<512x1024xf32, #tpu.memory_space<vmem>>)
    %dma_start3A_306 = arith.constant 0 : i32
    %dma_start3A_307 = arith.constant 6 : i32
    %dma_start3A_308 = tpu.memref_slice %arg19[%dma_start3A_307] : memref<8x!tpu.dma_semaphore, #tpu.memory_space<semaphore_mem>> -> memref<1x!tpu.dma_semaphore, #tpu.memory_space<semaphore_mem>>
    %dma_start3A_309 = tpu.memref_squeeze %dma_start3A_308 : memref<1x!tpu.dma_semaphore, #tpu.memory_space<semaphore_mem>> -> memref<!tpu.dma_semaphore, #tpu.memory_space<semaphore_mem>>
    %dma_start3A_310 = arith.constant 3072 : i32
    %dma_start3A_311 = arith.constant 0 : i32
    %dma_start3A_312 = tpu.memref_slice %arg8[%dma_start3A_306, %dma_start3A_310, %dma_start3A_311] : memref<5x4096x1024xf32, #tpu.memory_space<hbm>> -> memref<1x512x1024xf32, #tpu.memory_space<hbm>>
    %dma_start3A_313 = tpu.memref_squeeze %dma_start3A_312 : memref<1x512x1024xf32, #tpu.memory_space<hbm>> -> memref<512x1024xf32, #tpu.memory_space<hbm>>
    %dma_start3A_314 = arith.constant 0 : i32
    %dma_start3A_315 = arith.constant 0 : i32
    %dma_start3A_316 = tpu.memref_slice %arg15[%dma_start3A_314, %dma_start3A_315] : memref<512x1024xf32, #tpu.memory_space<vmem>> -> memref<512x1024xf32, #tpu.memory_space<vmem>>
    tpu.enqueue_dma source(%dma_start3A_316 : memref<512x1024xf32, #tpu.memory_space<vmem>>) target(%dma_start3A_313 : memref<512x1024xf32, #tpu.memory_space<hbm>>) target_semaphore(%dma_start3A_309 : memref<!tpu.dma_semaphore, #tpu.memory_space<semaphore_mem>>)
    %dma_wait3A_317 = arith.constant 0 : i32
    %dma_wait3A_318 = arith.constant 3 : i32
    %dma_wait3A_319 = tpu.memref_slice %arg19[%dma_wait3A_318] : memref<8x!tpu.dma_semaphore, #tpu.memory_space<semaphore_mem>> -> memref<1x!tpu.dma_semaphore, #tpu.memory_space<semaphore_mem>>
    %dma_wait3A_320 = tpu.memref_squeeze %dma_wait3A_319 : memref<1x!tpu.dma_semaphore, #tpu.memory_space<semaphore_mem>> -> memref<!tpu.dma_semaphore, #tpu.memory_space<semaphore_mem>>
    %dma_wait3A_321 = arith.constant 1536 : i32
    %dma_wait3A_322 = arith.constant 0 : i32
    %dma_wait3A_323 = tpu.memref_slice %arg8[%dma_wait3A_317, %dma_wait3A_321, %dma_wait3A_322] : memref<5x4096x1024xf32, #tpu.memory_space<hbm>> -> memref<1x512x1024xf32, #tpu.memory_space<hbm>>
    %dma_wait3A_324 = tpu.memref_squeeze %dma_wait3A_323 : memref<1x512x1024xf32, #tpu.memory_space<hbm>> -> memref<512x1024xf32, #tpu.memory_space<hbm>>
    %dma_wait3A_325 = arith.constant 0 : i32
    %dma_wait3A_326 = arith.constant 0 : i32
    %dma_wait3A_327 = tpu.memref_slice %arg12[%dma_wait3A_325, %dma_wait3A_326] : memref<512x1024xf32, #tpu.memory_space<vmem>> -> memref<512x1024xf32, #tpu.memory_space<vmem>>
    tpu.wait_dma2 semaphore(%dma_wait3A_320 : memref<!tpu.dma_semaphore, #tpu.memory_space<semaphore_mem>>) src(%dma_wait3A_327 : memref<512x1024xf32, #tpu.memory_space<vmem>>) dst(%dma_wait3A_324 : memref<512x1024xf32, #tpu.memory_space<hbm>>)
    %dma_start3A_328 = arith.constant 3 : i32
    %dma_start3A_329 = tpu.memref_slice %arg18[%dma_start3A_328] : memref<8x!tpu.dma_semaphore, #tpu.memory_space<semaphore_mem>> -> memref<1x!tpu.dma_semaphore, #tpu.memory_space<semaphore_mem>>
    %dma_start3A_330 = tpu.memref_squeeze %dma_start3A_329 : memref<1x!tpu.dma_semaphore, #tpu.memory_space<semaphore_mem>> -> memref<!tpu.dma_semaphore, #tpu.memory_space<semaphore_mem>>
    %dma_start3A_331 = arith.constant 0 : i32
    %dma_start3A_332 = arith.constant 0 : i32
    %dma_start3A_333 = tpu.memref_slice %arg12[%dma_start3A_331, %dma_start3A_332] : memref<512x1024xf32, #tpu.memory_space<vmem>> -> memref<512x1024xf32, #tpu.memory_space<vmem>>
    %dma_start3A_334 = arith.constant 1536 : i32
    %dma_start3A_335 = arith.constant 0 : i32
    %dma_start3A_336 = tpu.memref_slice %arg1[%dma_start3A_334, %dma_start3A_335] : memref<3584x1024xf32, #tpu.memory_space<hbm>> -> memref<512x1024xf32, #tpu.memory_space<hbm>>
    tpu.enqueue_dma source(%dma_start3A_336 : memref<512x1024xf32, #tpu.memory_space<hbm>>) target(%dma_start3A_333 : memref<512x1024xf32, #tpu.memory_space<vmem>>) target_semaphore(%dma_start3A_330 : memref<!tpu.dma_semaphore, #tpu.memory_space<semaphore_mem>>)
    %dma_wait3A_337 = arith.constant 7 : i32
    %dma_wait3A_338 = tpu.memref_slice %arg18[%dma_wait3A_337] : memref<8x!tpu.dma_semaphore, #tpu.memory_space<semaphore_mem>> -> memref<1x!tpu.dma_semaphore, #tpu.memory_space<semaphore_mem>>
    %dma_wait3A_339 = tpu.memref_squeeze %dma_wait3A_338 : memref<1x!tpu.dma_semaphore, #tpu.memory_space<semaphore_mem>> -> memref<!tpu.dma_semaphore, #tpu.memory_space<semaphore_mem>>
    %dma_wait3A_340 = arith.constant 0 : i32
    %dma_wait3A_341 = arith.constant 0 : i32
    %dma_wait3A_342 = tpu.memref_slice %arg16[%dma_wait3A_340, %dma_wait3A_341] : memref<512x1024xf32, #tpu.memory_space<vmem>> -> memref<512x1024xf32, #tpu.memory_space<vmem>>
    %dma_wait3A_343 = arith.constant 3584 : i32
    %dma_wait3A_344 = arith.constant 0 : i32
    %dma_wait3A_345 = tpu.memref_slice %arg0[%dma_wait3A_343, %dma_wait3A_344] : memref<4096x1024xf32, #tpu.memory_space<hbm>> -> memref<512x1024xf32, #tpu.memory_space<hbm>>
    tpu.wait_dma2 semaphore(%dma_wait3A_339 : memref<!tpu.dma_semaphore, #tpu.memory_space<semaphore_mem>>) src(%dma_wait3A_345 : memref<512x1024xf32, #tpu.memory_space<hbm>>) dst(%dma_wait3A_342 : memref<512x1024xf32, #tpu.memory_space<vmem>>)
    %dma_start3A_346 = arith.constant 0 : i32
    %dma_start3A_347 = arith.constant 7 : i32
    %dma_start3A_348 = tpu.memref_slice %arg19[%dma_start3A_347] : memref<8x!tpu.dma_semaphore, #tpu.memory_space<semaphore_mem>> -> memref<1x!tpu.dma_semaphore, #tpu.memory_space<semaphore_mem>>
    %dma_start3A_349 = tpu.memref_squeeze %dma_start3A_348 : memref<1x!tpu.dma_semaphore, #tpu.memory_space<semaphore_mem>> -> memref<!tpu.dma_semaphore, #tpu.memory_space<semaphore_mem>>
    %dma_start3A_350 = arith.constant 3584 : i32
    %dma_start3A_351 = arith.constant 0 : i32
    %dma_start3A_352 = tpu.memref_slice %arg8[%dma_start3A_346, %dma_start3A_350, %dma_start3A_351] : memref<5x4096x1024xf32, #tpu.memory_space<hbm>> -> memref<1x512x1024xf32, #tpu.memory_space<hbm>>
    %dma_start3A_353 = tpu.memref_squeeze %dma_start3A_352 : memref<1x512x1024xf32, #tpu.memory_space<hbm>> -> memref<512x1024xf32, #tpu.memory_space<hbm>>
    %dma_start3A_354 = arith.constant 0 : i32
    %dma_start3A_355 = arith.constant 0 : i32
    %dma_start3A_356 = tpu.memref_slice %arg16[%dma_start3A_354, %dma_start3A_355] : memref<512x1024xf32, #tpu.memory_space<vmem>> -> memref<512x1024xf32, #tpu.memory_space<vmem>>
    tpu.enqueue_dma source(%dma_start3A_356 : memref<512x1024xf32, #tpu.memory_space<vmem>>) target(%dma_start3A_353 : memref<512x1024xf32, #tpu.memory_space<hbm>>) target_semaphore(%dma_start3A_349 : memref<!tpu.dma_semaphore, #tpu.memory_space<semaphore_mem>>)
    %dma_wait3A_357 = arith.constant 0 : i32
    %dma_wait3A_358 = arith.constant 4 : i32
    %dma_wait3A_359 = tpu.memref_slice %arg19[%dma_wait3A_358] : memref<8x!tpu.dma_semaphore, #tpu.memory_space<semaphore_mem>> -> memref<1x!tpu.dma_semaphore, #tpu.memory_space<semaphore_mem>>
    %dma_wait3A_360 = tpu.memref_squeeze %dma_wait3A_359 : memref<1x!tpu.dma_semaphore, #tpu.memory_space<semaphore_mem>> -> memref<!tpu.dma_semaphore, #tpu.memory_space<semaphore_mem>>
    %dma_wait3A_361 = arith.constant 2048 : i32
    %dma_wait3A_362 = arith.constant 0 : i32
    %dma_wait3A_363 = tpu.memref_slice %arg8[%dma_wait3A_357, %dma_wait3A_361, %dma_wait3A_362] : memref<5x4096x1024xf32, #tpu.memory_space<hbm>> -> memref<1x512x1024xf32, #tpu.memory_space<hbm>>
    %dma_wait3A_364 = tpu.memref_squeeze %dma_wait3A_363 : memref<1x512x1024xf32, #tpu.memory_space<hbm>> -> memref<512x1024xf32, #tpu.memory_space<hbm>>
    %dma_wait3A_365 = arith.constant 0 : i32
    %dma_wait3A_366 = arith.constant 0 : i32
    %dma_wait3A_367 = tpu.memref_slice %arg13[%dma_wait3A_365, %dma_wait3A_366] : memref<512x1024xf32, #tpu.memory_space<vmem>> -> memref<512x1024xf32, #tpu.memory_space<vmem>>
    tpu.wait_dma2 semaphore(%dma_wait3A_360 : memref<!tpu.dma_semaphore, #tpu.memory_space<semaphore_mem>>) src(%dma_wait3A_367 : memref<512x1024xf32, #tpu.memory_space<vmem>>) dst(%dma_wait3A_364 : memref<512x1024xf32, #tpu.memory_space<hbm>>)
    %dma_start3A_368 = arith.constant 4 : i32
    %dma_start3A_369 = tpu.memref_slice %arg18[%dma_start3A_368] : memref<8x!tpu.dma_semaphore, #tpu.memory_space<semaphore_mem>> -> memref<1x!tpu.dma_semaphore, #tpu.memory_space<semaphore_mem>>
    %dma_start3A_370 = tpu.memref_squeeze %dma_start3A_369 : memref<1x!tpu.dma_semaphore, #tpu.memory_space<semaphore_mem>> -> memref<!tpu.dma_semaphore, #tpu.memory_space<semaphore_mem>>
    %dma_start3A_371 = arith.constant 0 : i32
    %dma_start3A_372 = arith.constant 0 : i32
    %dma_start3A_373 = tpu.memref_slice %arg13[%dma_start3A_371, %dma_start3A_372] : memref<512x1024xf32, #tpu.memory_space<vmem>> -> memref<512x1024xf32, #tpu.memory_space<vmem>>
    %dma_start3A_374 = arith.constant 2048 : i32
    %dma_start3A_375 = arith.constant 0 : i32
    %dma_start3A_376 = tpu.memref_slice %arg1[%dma_start3A_374, %dma_start3A_375] : memref<3584x1024xf32, #tpu.memory_space<hbm>> -> memref<512x1024xf32, #tpu.memory_space<hbm>>
    tpu.enqueue_dma source(%dma_start3A_376 : memref<512x1024xf32, #tpu.memory_space<hbm>>) target(%dma_start3A_373 : memref<512x1024xf32, #tpu.memory_space<vmem>>) target_semaphore(%dma_start3A_370 : memref<!tpu.dma_semaphore, #tpu.memory_space<semaphore_mem>>)
    %dma_wait3A_377 = arith.constant 0 : i32
    %dma_wait3A_378 = tpu.memref_slice %arg18[%dma_wait3A_377] : memref<8x!tpu.dma_semaphore, #tpu.memory_space<semaphore_mem>> -> memref<1x!tpu.dma_semaphore, #tpu.memory_space<semaphore_mem>>
    %dma_wait3A_379 = tpu.memref_squeeze %dma_wait3A_378 : memref<1x!tpu.dma_semaphore, #tpu.memory_space<semaphore_mem>> -> memref<!tpu.dma_semaphore, #tpu.memory_space<semaphore_mem>>
    %dma_wait3A_380 = arith.constant 0 : i32
    %dma_wait3A_381 = arith.constant 0 : i32
    %dma_wait3A_382 = tpu.memref_slice %arg9[%dma_wait3A_380, %dma_wait3A_381] : memref<512x1024xf32, #tpu.memory_space<vmem>> -> memref<512x1024xf32, #tpu.memory_space<vmem>>
    %dma_wait3A_383 = arith.constant 0 : i32
    %dma_wait3A_384 = arith.constant 0 : i32
    %dma_wait3A_385 = tpu.memref_slice %arg1[%dma_wait3A_383, %dma_wait3A_384] : memref<3584x1024xf32, #tpu.memory_space<hbm>> -> memref<512x1024xf32, #tpu.memory_space<hbm>>
    tpu.wait_dma2 semaphore(%dma_wait3A_379 : memref<!tpu.dma_semaphore, #tpu.memory_space<semaphore_mem>>) src(%dma_wait3A_385 : memref<512x1024xf32, #tpu.memory_space<hbm>>) dst(%dma_wait3A_382 : memref<512x1024xf32, #tpu.memory_space<vmem>>)
    %dma_start3A_386 = arith.constant 1 : i32
    %dma_start3A_387 = arith.constant 0 : i32
    %dma_start3A_388 = tpu.memref_slice %arg19[%dma_start3A_387] : memref<8x!tpu.dma_semaphore, #tpu.memory_space<semaphore_mem>> -> memref<1x!tpu.dma_semaphore, #tpu.memory_space<semaphore_mem>>
    %dma_start3A_389 = tpu.memref_squeeze %dma_start3A_388 : memref<1x!tpu.dma_semaphore, #tpu.memory_space<semaphore_mem>> -> memref<!tpu.dma_semaphore, #tpu.memory_space<semaphore_mem>>
    %dma_start3A_390 = arith.constant 0 : i32
    %dma_start3A_391 = arith.constant 0 : i32
    %dma_start3A_392 = tpu.memref_slice %arg8[%dma_start3A_386, %dma_start3A_390, %dma_start3A_391] : memref<5x4096x1024xf32, #tpu.memory_space<hbm>> -> memref<1x512x1024xf32, #tpu.memory_space<hbm>>
    %dma_start3A_393 = tpu.memref_squeeze %dma_start3A_392 : memref<1x512x1024xf32, #tpu.memory_space<hbm>> -> memref<512x1024xf32, #tpu.memory_space<hbm>>
    %dma_start3A_394 = arith.constant 0 : i32
    %dma_start3A_395 = arith.constant 0 : i32
    %dma_start3A_396 = tpu.memref_slice %arg9[%dma_start3A_394, %dma_start3A_395] : memref<512x1024xf32, #tpu.memory_space<vmem>> -> memref<512x1024xf32, #tpu.memory_space<vmem>>
    tpu.enqueue_dma source(%dma_start3A_396 : memref<512x1024xf32, #tpu.memory_space<vmem>>) target(%dma_start3A_393 : memref<512x1024xf32, #tpu.memory_space<hbm>>) target_semaphore(%dma_start3A_389 : memref<!tpu.dma_semaphore, #tpu.memory_space<semaphore_mem>>)
    %dma_wait3A_397 = arith.constant 0 : i32
    %dma_wait3A_398 = arith.constant 5 : i32
    %dma_wait3A_399 = tpu.memref_slice %arg19[%dma_wait3A_398] : memref<8x!tpu.dma_semaphore, #tpu.memory_space<semaphore_mem>> -> memref<1x!tpu.dma_semaphore, #tpu.memory_space<semaphore_mem>>
    %dma_wait3A_400 = tpu.memref_squeeze %dma_wait3A_399 : memref<1x!tpu.dma_semaphore, #tpu.memory_space<semaphore_mem>> -> memref<!tpu.dma_semaphore, #tpu.memory_space<semaphore_mem>>
    %dma_wait3A_401 = arith.constant 2560 : i32
    %dma_wait3A_402 = arith.constant 0 : i32
    %dma_wait3A_403 = tpu.memref_slice %arg8[%dma_wait3A_397, %dma_wait3A_401, %dma_wait3A_402] : memref<5x4096x1024xf32, #tpu.memory_space<hbm>> -> memref<1x512x1024xf32, #tpu.memory_space<hbm>>
    %dma_wait3A_404 = tpu.memref_squeeze %dma_wait3A_403 : memref<1x512x1024xf32, #tpu.memory_space<hbm>> -> memref<512x1024xf32, #tpu.memory_space<hbm>>
    %dma_wait3A_405 = arith.constant 0 : i32
    %dma_wait3A_406 = arith.constant 0 : i32
    %dma_wait3A_407 = tpu.memref_slice %arg14[%dma_wait3A_405, %dma_wait3A_406] : memref<512x1024xf32, #tpu.memory_space<vmem>> -> memref<512x1024xf32, #tpu.memory_space<vmem>>
    tpu.wait_dma2 semaphore(%dma_wait3A_400 : memref<!tpu.dma_semaphore, #tpu.memory_space<semaphore_mem>>) src(%dma_wait3A_407 : memref<512x1024xf32, #tpu.memory_space<vmem>>) dst(%dma_wait3A_404 : memref<512x1024xf32, #tpu.memory_space<hbm>>)
    %dma_start3A_408 = arith.constant 5 : i32
    %dma_start3A_409 = tpu.memref_slice %arg18[%dma_start3A_408] : memref<8x!tpu.dma_semaphore, #tpu.memory_space<semaphore_mem>> -> memref<1x!tpu.dma_semaphore, #tpu.memory_space<semaphore_mem>>
    %dma_start3A_410 = tpu.memref_squeeze %dma_start3A_409 : memref<1x!tpu.dma_semaphore, #tpu.memory_space<semaphore_mem>> -> memref<!tpu.dma_semaphore, #tpu.memory_space<semaphore_mem>>
    %dma_start3A_411 = arith.constant 0 : i32
    %dma_start3A_412 = arith.constant 0 : i32
    %dma_start3A_413 = tpu.memref_slice %arg14[%dma_start3A_411, %dma_start3A_412] : memref<512x1024xf32, #tpu.memory_space<vmem>> -> memref<512x1024xf32, #tpu.memory_space<vmem>>
    %dma_start3A_414 = arith.constant 2560 : i32
    %dma_start3A_415 = arith.constant 0 : i32
    %dma_start3A_416 = tpu.memref_slice %arg1[%dma_start3A_414, %dma_start3A_415] : memref<3584x1024xf32, #tpu.memory_space<hbm>> -> memref<512x1024xf32, #tpu.memory_space<hbm>>
    tpu.enqueue_dma source(%dma_start3A_416 : memref<512x1024xf32, #tpu.memory_space<hbm>>) target(%dma_start3A_413 : memref<512x1024xf32, #tpu.memory_space<vmem>>) target_semaphore(%dma_start3A_410 : memref<!tpu.dma_semaphore, #tpu.memory_space<semaphore_mem>>)
    %dma_wait3A_417 = arith.constant 1 : i32
    %dma_wait3A_418 = tpu.memref_slice %arg18[%dma_wait3A_417] : memref<8x!tpu.dma_semaphore, #tpu.memory_space<semaphore_mem>> -> memref<1x!tpu.dma_semaphore, #tpu.memory_space<semaphore_mem>>
    %dma_wait3A_419 = tpu.memref_squeeze %dma_wait3A_418 : memref<1x!tpu.dma_semaphore, #tpu.memory_space<semaphore_mem>> -> memref<!tpu.dma_semaphore, #tpu.memory_space<semaphore_mem>>
    %dma_wait3A_420 = arith.constant 0 : i32
    %dma_wait3A_421 = arith.constant 0 : i32
    %dma_wait3A_422 = tpu.memref_slice %arg10[%dma_wait3A_420, %dma_wait3A_421] : memref<512x1024xf32, #tpu.memory_space<vmem>> -> memref<512x1024xf32, #tpu.memory_space<vmem>>
    %dma_wait3A_423 = arith.constant 512 : i32
    %dma_wait3A_424 = arith.constant 0 : i32
    %dma_wait3A_425 = tpu.memref_slice %arg1[%dma_wait3A_423, %dma_wait3A_424] : memref<3584x1024xf32, #tpu.memory_space<hbm>> -> memref<512x1024xf32, #tpu.memory_space<hbm>>
    tpu.wait_dma2 semaphore(%dma_wait3A_419 : memref<!tpu.dma_semaphore, #tpu.memory_space<semaphore_mem>>) src(%dma_wait3A_425 : memref<512x1024xf32, #tpu.memory_space<hbm>>) dst(%dma_wait3A_422 : memref<512x1024xf32, #tpu.memory_space<vmem>>)
    %dma_start3A_426 = arith.constant 1 : i32
    %dma_start3A_427 = arith.constant 1 : i32
    %dma_start3A_428 = tpu.memref_slice %arg19[%dma_start3A_427] : memref<8x!tpu.dma_semaphore, #tpu.memory_space<semaphore_mem>> -> memref<1x!tpu.dma_semaphore, #tpu.memory_space<semaphore_mem>>
    %dma_start3A_429 = tpu.memref_squeeze %dma_start3A_428 : memref<1x!tpu.dma_semaphore, #tpu.memory_space<semaphore_mem>> -> memref<!tpu.dma_semaphore, #tpu.memory_space<semaphore_mem>>
    %dma_start3A_430 = arith.constant 512 : i32
    %dma_start3A_431 = arith.constant 0 : i32
    %dma_start3A_432 = tpu.memref_slice %arg8[%dma_start3A_426, %dma_start3A_430, %dma_start3A_431] : memref<5x4096x1024xf32, #tpu.memory_space<hbm>> -> memref<1x512x1024xf32, #tpu.memory_space<hbm>>
    %dma_start3A_433 = tpu.memref_squeeze %dma_start3A_432 : memref<1x512x1024xf32, #tpu.memory_space<hbm>> -> memref<512x1024xf32, #tpu.memory_space<hbm>>
    %dma_start3A_434 = arith.constant 0 : i32
    %dma_start3A_435 = arith.constant 0 : i32
    %dma_start3A_436 = tpu.memref_slice %arg10[%dma_start3A_434, %dma_start3A_435] : memref<512x1024xf32, #tpu.memory_space<vmem>> -> memref<512x1024xf32, #tpu.memory_space<vmem>>
    tpu.enqueue_dma source(%dma_start3A_436 : memref<512x1024xf32, #tpu.memory_space<vmem>>) target(%dma_start3A_433 : memref<512x1024xf32, #tpu.memory_space<hbm>>) target_semaphore(%dma_start3A_429 : memref<!tpu.dma_semaphore, #tpu.memory_space<semaphore_mem>>)
    %dma_wait3A_437 = arith.constant 0 : i32
    %dma_wait3A_438 = arith.constant 6 : i32
    %dma_wait3A_439 = tpu.memref_slice %arg19[%dma_wait3A_438] : memref<8x!tpu.dma_semaphore, #tpu.memory_space<semaphore_mem>> -> memref<1x!tpu.dma_semaphore, #tpu.memory_space<semaphore_mem>>
    %dma_wait3A_440 = tpu.memref_squeeze %dma_wait3A_439 : memref<1x!tpu.dma_semaphore, #tpu.memory_space<semaphore_mem>> -> memref<!tpu.dma_semaphore, #tpu.memory_space<semaphore_mem>>
    %dma_wait3A_441 = arith.constant 3072 : i32
    %dma_wait3A_442 = arith.constant 0 : i32
    %dma_wait3A_443 = tpu.memref_slice %arg8[%dma_wait3A_437, %dma_wait3A_441, %dma_wait3A_442] : memref<5x4096x1024xf32, #tpu.memory_space<hbm>> -> memref<1x512x1024xf32, #tpu.memory_space<hbm>>
    %dma_wait3A_444 = tpu.memref_squeeze %dma_wait3A_443 : memref<1x512x1024xf32, #tpu.memory_space<hbm>> -> memref<512x1024xf32, #tpu.memory_space<hbm>>
    %dma_wait3A_445 = arith.constant 0 : i32
    %dma_wait3A_446 = arith.constant 0 : i32
    %dma_wait3A_447 = tpu.memref_slice %arg15[%dma_wait3A_445, %dma_wait3A_446] : memref<512x1024xf32, #tpu.memory_space<vmem>> -> memref<512x1024xf32, #tpu.memory_space<vmem>>
    tpu.wait_dma2 semaphore(%dma_wait3A_440 : memref<!tpu.dma_semaphore, #tpu.memory_space<semaphore_mem>>) src(%dma_wait3A_447 : memref<512x1024xf32, #tpu.memory_space<vmem>>) dst(%dma_wait3A_444 : memref<512x1024xf32, #tpu.memory_space<hbm>>)
    %dma_start3A_448 = arith.constant 6 : i32
    %dma_start3A_449 = tpu.memref_slice %arg18[%dma_start3A_448] : memref<8x!tpu.dma_semaphore, #tpu.memory_space<semaphore_mem>> -> memref<1x!tpu.dma_semaphore, #tpu.memory_space<semaphore_mem>>
    %dma_start3A_450 = tpu.memref_squeeze %dma_start3A_449 : memref<1x!tpu.dma_semaphore, #tpu.memory_space<semaphore_mem>> -> memref<!tpu.dma_semaphore, #tpu.memory_space<semaphore_mem>>
    %dma_start3A_451 = arith.constant 0 : i32
    %dma_start3A_452 = arith.constant 0 : i32
    %dma_start3A_453 = tpu.memref_slice %arg15[%dma_start3A_451, %dma_start3A_452] : memref<512x1024xf32, #tpu.memory_space<vmem>> -> memref<512x1024xf32, #tpu.memory_space<vmem>>
    %dma_start3A_454 = arith.constant 3072 : i32
    %dma_start3A_455 = arith.constant 0 : i32
    %dma_start3A_456 = tpu.memref_slice %arg1[%dma_start3A_454, %dma_start3A_455] : memref<3584x1024xf32, #tpu.memory_space<hbm>> -> memref<512x1024xf32, #tpu.memory_space<hbm>>
    tpu.enqueue_dma source(%dma_start3A_456 : memref<512x1024xf32, #tpu.memory_space<hbm>>) target(%dma_start3A_453 : memref<512x1024xf32, #tpu.memory_space<vmem>>) target_semaphore(%dma_start3A_450 : memref<!tpu.dma_semaphore, #tpu.memory_space<semaphore_mem>>)
    %dma_wait3A_457 = arith.constant 2 : i32
    %dma_wait3A_458 = tpu.memref_slice %arg18[%dma_wait3A_457] : memref<8x!tpu.dma_semaphore, #tpu.memory_space<semaphore_mem>> -> memref<1x!tpu.dma_semaphore, #tpu.memory_space<semaphore_mem>>
    %dma_wait3A_459 = tpu.memref_squeeze %dma_wait3A_458 : memref<1x!tpu.dma_semaphore, #tpu.memory_space<semaphore_mem>> -> memref<!tpu.dma_semaphore, #tpu.memory_space<semaphore_mem>>
    %dma_wait3A_460 = arith.constant 0 : i32
    %dma_wait3A_461 = arith.constant 0 : i32
    %dma_wait3A_462 = tpu.memref_slice %arg11[%dma_wait3A_460, %dma_wait3A_461] : memref<512x1024xf32, #tpu.memory_space<vmem>> -> memref<512x1024xf32, #tpu.memory_space<vmem>>
    %dma_wait3A_463 = arith.constant 1024 : i32
    %dma_wait3A_464 = arith.constant 0 : i32
    %dma_wait3A_465 = tpu.memref_slice %arg1[%dma_wait3A_463, %dma_wait3A_464] : memref<3584x1024xf32, #tpu.memory_space<hbm>> -> memref<512x1024xf32, #tpu.memory_space<hbm>>
    tpu.wait_dma2 semaphore(%dma_wait3A_459 : memref<!tpu.dma_semaphore, #tpu.memory_space<semaphore_mem>>) src(%dma_wait3A_465 : memref<512x1024xf32, #tpu.memory_space<hbm>>) dst(%dma_wait3A_462 : memref<512x1024xf32, #tpu.memory_space<vmem>>)
    %dma_start3A_466 = arith.constant 1 : i32
    %dma_start3A_467 = arith.constant 2 : i32
    %dma_start3A_468 = tpu.memref_slice %arg19[%dma_start3A_467] : memref<8x!tpu.dma_semaphore, #tpu.memory_space<semaphore_mem>> -> memref<1x!tpu.dma_semaphore, #tpu.memory_space<semaphore_mem>>
    %dma_start3A_469 = tpu.memref_squeeze %dma_start3A_468 : memref<1x!tpu.dma_semaphore, #tpu.memory_space<semaphore_mem>> -> memref<!tpu.dma_semaphore, #tpu.memory_space<semaphore_mem>>
    %dma_start3A_470 = arith.constant 1024 : i32
    %dma_start3A_471 = arith.constant 0 : i32
    %dma_start3A_472 = tpu.memref_slice %arg8[%dma_start3A_466, %dma_start3A_470, %dma_start3A_471] : memref<5x4096x1024xf32, #tpu.memory_space<hbm>> -> memref<1x512x1024xf32, #tpu.memory_space<hbm>>
    %dma_start3A_473 = tpu.memref_squeeze %dma_start3A_472 : memref<1x512x1024xf32, #tpu.memory_space<hbm>> -> memref<512x1024xf32, #tpu.memory_space<hbm>>
    %dma_start3A_474 = arith.constant 0 : i32
    %dma_start3A_475 = arith.constant 0 : i32
    %dma_start3A_476 = tpu.memref_slice %arg11[%dma_start3A_474, %dma_start3A_475] : memref<512x1024xf32, #tpu.memory_space<vmem>> -> memref<512x1024xf32, #tpu.memory_space<vmem>>
    tpu.enqueue_dma source(%dma_start3A_476 : memref<512x1024xf32, #tpu.memory_space<vmem>>) target(%dma_start3A_473 : memref<512x1024xf32, #tpu.memory_space<hbm>>) target_semaphore(%dma_start3A_469 : memref<!tpu.dma_semaphore, #tpu.memory_space<semaphore_mem>>)
    %dma_wait3A_477 = arith.constant 0 : i32
    %dma_wait3A_478 = arith.constant 7 : i32
    %dma_wait3A_479 = tpu.memref_slice %arg19[%dma_wait3A_478] : memref<8x!tpu.dma_semaphore, #tpu.memory_space<semaphore_mem>> -> memref<1x!tpu.dma_semaphore, #tpu.memory_space<semaphore_mem>>
    %dma_wait3A_480 = tpu.memref_squeeze %dma_wait3A_479 : memref<1x!tpu.dma_semaphore, #tpu.memory_space<semaphore_mem>> -> memref<!tpu.dma_semaphore, #tpu.memory_space<semaphore_mem>>
    %dma_wait3A_481 = arith.constant 3584 : i32
    %dma_wait3A_482 = arith.constant 0 : i32
    %dma_wait3A_483 = tpu.memref_slice %arg8[%dma_wait3A_477, %dma_wait3A_481, %dma_wait3A_482] : memref<5x4096x1024xf32, #tpu.memory_space<hbm>> -> memref<1x512x1024xf32, #tpu.memory_space<hbm>>
    %dma_wait3A_484 = tpu.memref_squeeze %dma_wait3A_483 : memref<1x512x1024xf32, #tpu.memory_space<hbm>> -> memref<512x1024xf32, #tpu.memory_space<hbm>>
    %dma_wait3A_485 = arith.constant 0 : i32
    %dma_wait3A_486 = arith.constant 0 : i32
    %dma_wait3A_487 = tpu.memref_slice %arg16[%dma_wait3A_485, %dma_wait3A_486] : memref<512x1024xf32, #tpu.memory_space<vmem>> -> memref<512x1024xf32, #tpu.memory_space<vmem>>
    tpu.wait_dma2 semaphore(%dma_wait3A_480 : memref<!tpu.dma_semaphore, #tpu.memory_space<semaphore_mem>>) src(%dma_wait3A_487 : memref<512x1024xf32, #tpu.memory_space<vmem>>) dst(%dma_wait3A_484 : memref<512x1024xf32, #tpu.memory_space<hbm>>)
    %dma_start3A_488 = arith.constant 7 : i32
    %dma_start3A_489 = tpu.memref_slice %arg18[%dma_start3A_488] : memref<8x!tpu.dma_semaphore, #tpu.memory_space<semaphore_mem>> -> memref<1x!tpu.dma_semaphore, #tpu.memory_space<semaphore_mem>>
    %dma_start3A_490 = tpu.memref_squeeze %dma_start3A_489 : memref<1x!tpu.dma_semaphore, #tpu.memory_space<semaphore_mem>> -> memref<!tpu.dma_semaphore, #tpu.memory_space<semaphore_mem>>
    %dma_start3A_491 = arith.constant 0 : i32
    %dma_start3A_492 = arith.constant 0 : i32
    %dma_start3A_493 = tpu.memref_slice %arg16[%dma_start3A_491, %dma_start3A_492] : memref<512x1024xf32, #tpu.memory_space<vmem>> -> memref<512x1024xf32, #tpu.memory_space<vmem>>
    %dma_start3A_494 = arith.constant 0 : i32
    %dma_start3A_495 = arith.constant 0 : i32
    %dma_start3A_496 = tpu.memref_slice %arg7[%dma_start3A_494, %dma_start3A_495] : memref<512x1024xf32, #tpu.memory_space<hbm>> -> memref<512x1024xf32, #tpu.memory_space<hbm>>
    tpu.enqueue_dma source(%dma_start3A_496 : memref<512x1024xf32, #tpu.memory_space<hbm>>) target(%dma_start3A_493 : memref<512x1024xf32, #tpu.memory_space<vmem>>) target_semaphore(%dma_start3A_490 : memref<!tpu.dma_semaphore, #tpu.memory_space<semaphore_mem>>)
    %dma_wait3A_497 = arith.constant 3 : i32
    %dma_wait3A_498 = tpu.memref_slice %arg18[%dma_wait3A_497] : memref<8x!tpu.dma_semaphore, #tpu.memory_space<semaphore_mem>> -> memref<1x!tpu.dma_semaphore, #tpu.memory_space<semaphore_mem>>
    %dma_wait3A_499 = tpu.memref_squeeze %dma_wait3A_498 : memref<1x!tpu.dma_semaphore, #tpu.memory_space<semaphore_mem>> -> memref<!tpu.dma_semaphore, #tpu.memory_space<semaphore_mem>>
    %dma_wait3A_500 = arith.constant 0 : i32
    %dma_wait3A_501 = arith.constant 0 : i32
    %dma_wait3A_502 = tpu.memref_slice %arg12[%dma_wait3A_500, %dma_wait3A_501] : memref<512x1024xf32, #tpu.memory_space<vmem>> -> memref<512x1024xf32, #tpu.memory_space<vmem>>
    %dma_wait3A_503 = arith.constant 1536 : i32
    %dma_wait3A_504 = arith.constant 0 : i32
    %dma_wait3A_505 = tpu.memref_slice %arg1[%dma_wait3A_503, %dma_wait3A_504] : memref<3584x1024xf32, #tpu.memory_space<hbm>> -> memref<512x1024xf32, #tpu.memory_space<hbm>>
    tpu.wait_dma2 semaphore(%dma_wait3A_499 : memref<!tpu.dma_semaphore, #tpu.memory_space<semaphore_mem>>) src(%dma_wait3A_505 : memref<512x1024xf32, #tpu.memory_space<hbm>>) dst(%dma_wait3A_502 : memref<512x1024xf32, #tpu.memory_space<vmem>>)
    %dma_start3A_506 = arith.constant 1 : i32
    %dma_start3A_507 = arith.constant 3 : i32
    %dma_start3A_508 = tpu.memref_slice %arg19[%dma_start3A_507] : memref<8x!tpu.dma_semaphore, #tpu.memory_space<semaphore_mem>> -> memref<1x!tpu.dma_semaphore, #tpu.memory_space<semaphore_mem>>
    %dma_start3A_509 = tpu.memref_squeeze %dma_start3A_508 : memref<1x!tpu.dma_semaphore, #tpu.memory_space<semaphore_mem>> -> memref<!tpu.dma_semaphore, #tpu.memory_space<semaphore_mem>>
    %dma_start3A_510 = arith.constant 1536 : i32
    %dma_start3A_511 = arith.constant 0 : i32
    %dma_start3A_512 = tpu.memref_slice %arg8[%dma_start3A_506, %dma_start3A_510, %dma_start3A_511] : memref<5x4096x1024xf32, #tpu.memory_space<hbm>> -> memref<1x512x1024xf32, #tpu.memory_space<hbm>>
    %dma_start3A_513 = tpu.memref_squeeze %dma_start3A_512 : memref<1x512x1024xf32, #tpu.memory_space<hbm>> -> memref<512x1024xf32, #tpu.memory_space<hbm>>
    %dma_start3A_514 = arith.constant 0 : i32
    %dma_start3A_515 = arith.constant 0 : i32
    %dma_start3A_516 = tpu.memref_slice %arg12[%dma_start3A_514, %dma_start3A_515] : memref<512x1024xf32, #tpu.memory_space<vmem>> -> memref<512x1024xf32, #tpu.memory_space<vmem>>
    tpu.enqueue_dma source(%dma_start3A_516 : memref<512x1024xf32, #tpu.memory_space<vmem>>) target(%dma_start3A_513 : memref<512x1024xf32, #tpu.memory_space<hbm>>) target_semaphore(%dma_start3A_509 : memref<!tpu.dma_semaphore, #tpu.memory_space<semaphore_mem>>)
    %dma_wait3A_517 = arith.constant 1 : i32
    %dma_wait3A_518 = arith.constant 0 : i32
    %dma_wait3A_519 = tpu.memref_slice %arg19[%dma_wait3A_518] : memref<8x!tpu.dma_semaphore, #tpu.memory_space<semaphore_mem>> -> memref<1x!tpu.dma_semaphore, #tpu.memory_space<semaphore_mem>>
    %dma_wait3A_520 = tpu.memref_squeeze %dma_wait3A_519 : memref<1x!tpu.dma_semaphore, #tpu.memory_space<semaphore_mem>> -> memref<!tpu.dma_semaphore, #tpu.memory_space<semaphore_mem>>
    %dma_wait3A_521 = arith.constant 0 : i32
    %dma_wait3A_522 = arith.constant 0 : i32
    %dma_wait3A_523 = tpu.memref_slice %arg8[%dma_wait3A_517, %dma_wait3A_521, %dma_wait3A_522] : memref<5x4096x1024xf32, #tpu.memory_space<hbm>> -> memref<1x512x1024xf32, #tpu.memory_space<hbm>>
    %dma_wait3A_524 = tpu.memref_squeeze %dma_wait3A_523 : memref<1x512x1024xf32, #tpu.memory_space<hbm>> -> memref<512x1024xf32, #tpu.memory_space<hbm>>
    %dma_wait3A_525 = arith.constant 0 : i32
    %dma_wait3A_526 = arith.constant 0 : i32
    %dma_wait3A_527 = tpu.memref_slice %arg9[%dma_wait3A_525, %dma_wait3A_526] : memref<512x1024xf32, #tpu.memory_space<vmem>> -> memref<512x1024xf32, #tpu.memory_space<vmem>>
    tpu.wait_dma2 semaphore(%dma_wait3A_520 : memref<!tpu.dma_semaphore, #tpu.memory_space<semaphore_mem>>) src(%dma_wait3A_527 : memref<512x1024xf32, #tpu.memory_space<vmem>>) dst(%dma_wait3A_524 : memref<512x1024xf32, #tpu.memory_space<hbm>>)
    %dma_start3A_528 = arith.constant 0 : i32
    %dma_start3A_529 = tpu.memref_slice %arg18[%dma_start3A_528] : memref<8x!tpu.dma_semaphore, #tpu.memory_space<semaphore_mem>> -> memref<1x!tpu.dma_semaphore, #tpu.memory_space<semaphore_mem>>
    %dma_start3A_530 = tpu.memref_squeeze %dma_start3A_529 : memref<1x!tpu.dma_semaphore, #tpu.memory_space<semaphore_mem>> -> memref<!tpu.dma_semaphore, #tpu.memory_space<semaphore_mem>>
    %dma_start3A_531 = arith.constant 0 : i32
    %dma_start3A_532 = arith.constant 0 : i32
    %dma_start3A_533 = tpu.memref_slice %arg9[%dma_start3A_531, %dma_start3A_532] : memref<512x1024xf32, #tpu.memory_space<vmem>> -> memref<512x1024xf32, #tpu.memory_space<vmem>>
    %dma_start3A_534 = arith.constant 0 : i32
    %dma_start3A_535 = arith.constant 0 : i32
    %dma_start3A_536 = tpu.memref_slice %arg2[%dma_start3A_534, %dma_start3A_535] : memref<3072x1024xf32, #tpu.memory_space<hbm>> -> memref<512x1024xf32, #tpu.memory_space<hbm>>
    tpu.enqueue_dma source(%dma_start3A_536 : memref<512x1024xf32, #tpu.memory_space<hbm>>) target(%dma_start3A_533 : memref<512x1024xf32, #tpu.memory_space<vmem>>) target_semaphore(%dma_start3A_530 : memref<!tpu.dma_semaphore, #tpu.memory_space<semaphore_mem>>)
    %dma_wait3A_537 = arith.constant 4 : i32
    %dma_wait3A_538 = tpu.memref_slice %arg18[%dma_wait3A_537] : memref<8x!tpu.dma_semaphore, #tpu.memory_space<semaphore_mem>> -> memref<1x!tpu.dma_semaphore, #tpu.memory_space<semaphore_mem>>
    %dma_wait3A_539 = tpu.memref_squeeze %dma_wait3A_538 : memref<1x!tpu.dma_semaphore, #tpu.memory_space<semaphore_mem>> -> memref<!tpu.dma_semaphore, #tpu.memory_space<semaphore_mem>>
    %dma_wait3A_540 = arith.constant 0 : i32
    %dma_wait3A_541 = arith.constant 0 : i32
    %dma_wait3A_542 = tpu.memref_slice %arg13[%dma_wait3A_540, %dma_wait3A_541] : memref<512x1024xf32, #tpu.memory_space<vmem>> -> memref<512x1024xf32, #tpu.memory_space<vmem>>
    %dma_wait3A_543 = arith.constant 2048 : i32
    %dma_wait3A_544 = arith.constant 0 : i32
    %dma_wait3A_545 = tpu.memref_slice %arg1[%dma_wait3A_543, %dma_wait3A_544] : memref<3584x1024xf32, #tpu.memory_space<hbm>> -> memref<512x1024xf32, #tpu.memory_space<hbm>>
    tpu.wait_dma2 semaphore(%dma_wait3A_539 : memref<!tpu.dma_semaphore, #tpu.memory_space<semaphore_mem>>) src(%dma_wait3A_545 : memref<512x1024xf32, #tpu.memory_space<hbm>>) dst(%dma_wait3A_542 : memref<512x1024xf32, #tpu.memory_space<vmem>>)
    %dma_start3A_546 = arith.constant 1 : i32
    %dma_start3A_547 = arith.constant 4 : i32
    %dma_start3A_548 = tpu.memref_slice %arg19[%dma_start3A_547] : memref<8x!tpu.dma_semaphore, #tpu.memory_space<semaphore_mem>> -> memref<1x!tpu.dma_semaphore, #tpu.memory_space<semaphore_mem>>
    %dma_start3A_549 = tpu.memref_squeeze %dma_start3A_548 : memref<1x!tpu.dma_semaphore, #tpu.memory_space<semaphore_mem>> -> memref<!tpu.dma_semaphore, #tpu.memory_space<semaphore_mem>>
    %dma_start3A_550 = arith.constant 2048 : i32
    %dma_start3A_551 = arith.constant 0 : i32
    %dma_start3A_552 = tpu.memref_slice %arg8[%dma_start3A_546, %dma_start3A_550, %dma_start3A_551] : memref<5x4096x1024xf32, #tpu.memory_space<hbm>> -> memref<1x512x1024xf32, #tpu.memory_space<hbm>>
    %dma_start3A_553 = tpu.memref_squeeze %dma_start3A_552 : memref<1x512x1024xf32, #tpu.memory_space<hbm>> -> memref<512x1024xf32, #tpu.memory_space<hbm>>
    %dma_start3A_554 = arith.constant 0 : i32
    %dma_start3A_555 = arith.constant 0 : i32
    %dma_start3A_556 = tpu.memref_slice %arg13[%dma_start3A_554, %dma_start3A_555] : memref<512x1024xf32, #tpu.memory_space<vmem>> -> memref<512x1024xf32, #tpu.memory_space<vmem>>
    tpu.enqueue_dma source(%dma_start3A_556 : memref<512x1024xf32, #tpu.memory_space<vmem>>) target(%dma_start3A_553 : memref<512x1024xf32, #tpu.memory_space<hbm>>) target_semaphore(%dma_start3A_549 : memref<!tpu.dma_semaphore, #tpu.memory_space<semaphore_mem>>)
    %dma_wait3A_557 = arith.constant 1 : i32
    %dma_wait3A_558 = arith.constant 1 : i32
    %dma_wait3A_559 = tpu.memref_slice %arg19[%dma_wait3A_558] : memref<8x!tpu.dma_semaphore, #tpu.memory_space<semaphore_mem>> -> memref<1x!tpu.dma_semaphore, #tpu.memory_space<semaphore_mem>>
    %dma_wait3A_560 = tpu.memref_squeeze %dma_wait3A_559 : memref<1x!tpu.dma_semaphore, #tpu.memory_space<semaphore_mem>> -> memref<!tpu.dma_semaphore, #tpu.memory_space<semaphore_mem>>
    %dma_wait3A_561 = arith.constant 512 : i32
    %dma_wait3A_562 = arith.constant 0 : i32
    %dma_wait3A_563 = tpu.memref_slice %arg8[%dma_wait3A_557, %dma_wait3A_561, %dma_wait3A_562] : memref<5x4096x1024xf32, #tpu.memory_space<hbm>> -> memref<1x512x1024xf32, #tpu.memory_space<hbm>>
    %dma_wait3A_564 = tpu.memref_squeeze %dma_wait3A_563 : memref<1x512x1024xf32, #tpu.memory_space<hbm>> -> memref<512x1024xf32, #tpu.memory_space<hbm>>
    %dma_wait3A_565 = arith.constant 0 : i32
    %dma_wait3A_566 = arith.constant 0 : i32
    %dma_wait3A_567 = tpu.memref_slice %arg10[%dma_wait3A_565, %dma_wait3A_566] : memref<512x1024xf32, #tpu.memory_space<vmem>> -> memref<512x1024xf32, #tpu.memory_space<vmem>>
    tpu.wait_dma2 semaphore(%dma_wait3A_560 : memref<!tpu.dma_semaphore, #tpu.memory_space<semaphore_mem>>) src(%dma_wait3A_567 : memref<512x1024xf32, #tpu.memory_space<vmem>>) dst(%dma_wait3A_564 : memref<512x1024xf32, #tpu.memory_space<hbm>>)
    %dma_start3A_568 = arith.constant 1 : i32
    %dma_start3A_569 = tpu.memref_slice %arg18[%dma_start3A_568] : memref<8x!tpu.dma_semaphore, #tpu.memory_space<semaphore_mem>> -> memref<1x!tpu.dma_semaphore, #tpu.memory_space<semaphore_mem>>
    %dma_start3A_570 = tpu.memref_squeeze %dma_start3A_569 : memref<1x!tpu.dma_semaphore, #tpu.memory_space<semaphore_mem>> -> memref<!tpu.dma_semaphore, #tpu.memory_space<semaphore_mem>>
    %dma_start3A_571 = arith.constant 0 : i32
    %dma_start3A_572 = arith.constant 0 : i32
    %dma_start3A_573 = tpu.memref_slice %arg10[%dma_start3A_571, %dma_start3A_572] : memref<512x1024xf32, #tpu.memory_space<vmem>> -> memref<512x1024xf32, #tpu.memory_space<vmem>>
    %dma_start3A_574 = arith.constant 512 : i32
    %dma_start3A_575 = arith.constant 0 : i32
    %dma_start3A_576 = tpu.memref_slice %arg2[%dma_start3A_574, %dma_start3A_575] : memref<3072x1024xf32, #tpu.memory_space<hbm>> -> memref<512x1024xf32, #tpu.memory_space<hbm>>
    tpu.enqueue_dma source(%dma_start3A_576 : memref<512x1024xf32, #tpu.memory_space<hbm>>) target(%dma_start3A_573 : memref<512x1024xf32, #tpu.memory_space<vmem>>) target_semaphore(%dma_start3A_570 : memref<!tpu.dma_semaphore, #tpu.memory_space<semaphore_mem>>)
    %dma_wait3A_577 = arith.constant 5 : i32
    %dma_wait3A_578 = tpu.memref_slice %arg18[%dma_wait3A_577] : memref<8x!tpu.dma_semaphore, #tpu.memory_space<semaphore_mem>> -> memref<1x!tpu.dma_semaphore, #tpu.memory_space<semaphore_mem>>
    %dma_wait3A_579 = tpu.memref_squeeze %dma_wait3A_578 : memref<1x!tpu.dma_semaphore, #tpu.memory_space<semaphore_mem>> -> memref<!tpu.dma_semaphore, #tpu.memory_space<semaphore_mem>>
    %dma_wait3A_580 = arith.constant 0 : i32
    %dma_wait3A_581 = arith.constant 0 : i32
    %dma_wait3A_582 = tpu.memref_slice %arg14[%dma_wait3A_580, %dma_wait3A_581] : memref<512x1024xf32, #tpu.memory_space<vmem>> -> memref<512x1024xf32, #tpu.memory_space<vmem>>
    %dma_wait3A_583 = arith.constant 2560 : i32
    %dma_wait3A_584 = arith.constant 0 : i32
    %dma_wait3A_585 = tpu.memref_slice %arg1[%dma_wait3A_583, %dma_wait3A_584] : memref<3584x1024xf32, #tpu.memory_space<hbm>> -> memref<512x1024xf32, #tpu.memory_space<hbm>>
    tpu.wait_dma2 semaphore(%dma_wait3A_579 : memref<!tpu.dma_semaphore, #tpu.memory_space<semaphore_mem>>) src(%dma_wait3A_585 : memref<512x1024xf32, #tpu.memory_space<hbm>>) dst(%dma_wait3A_582 : memref<512x1024xf32, #tpu.memory_space<vmem>>)
    %dma_start3A_586 = arith.constant 1 : i32
    %dma_start3A_587 = arith.constant 5 : i32
    %dma_start3A_588 = tpu.memref_slice %arg19[%dma_start3A_587] : memref<8x!tpu.dma_semaphore, #tpu.memory_space<semaphore_mem>> -> memref<1x!tpu.dma_semaphore, #tpu.memory_space<semaphore_mem>>
    %dma_start3A_589 = tpu.memref_squeeze %dma_start3A_588 : memref<1x!tpu.dma_semaphore, #tpu.memory_space<semaphore_mem>> -> memref<!tpu.dma_semaphore, #tpu.memory_space<semaphore_mem>>
    %dma_start3A_590 = arith.constant 2560 : i32
    %dma_start3A_591 = arith.constant 0 : i32
    %dma_start3A_592 = tpu.memref_slice %arg8[%dma_start3A_586, %dma_start3A_590, %dma_start3A_591] : memref<5x4096x1024xf32, #tpu.memory_space<hbm>> -> memref<1x512x1024xf32, #tpu.memory_space<hbm>>
    %dma_start3A_593 = tpu.memref_squeeze %dma_start3A_592 : memref<1x512x1024xf32, #tpu.memory_space<hbm>> -> memref<512x1024xf32, #tpu.memory_space<hbm>>
    %dma_start3A_594 = arith.constant 0 : i32
    %dma_start3A_595 = arith.constant 0 : i32
    %dma_start3A_596 = tpu.memref_slice %arg14[%dma_start3A_594, %dma_start3A_595] : memref<512x1024xf32, #tpu.memory_space<vmem>> -> memref<512x1024xf32, #tpu.memory_space<vmem>>
    tpu.enqueue_dma source(%dma_start3A_596 : memref<512x1024xf32, #tpu.memory_space<vmem>>) target(%dma_start3A_593 : memref<512x1024xf32, #tpu.memory_space<hbm>>) target_semaphore(%dma_start3A_589 : memref<!tpu.dma_semaphore, #tpu.memory_space<semaphore_mem>>)
    %dma_wait3A_597 = arith.constant 1 : i32
    %dma_wait3A_598 = arith.constant 2 : i32
    %dma_wait3A_599 = tpu.memref_slice %arg19[%dma_wait3A_598] : memref<8x!tpu.dma_semaphore, #tpu.memory_space<semaphore_mem>> -> memref<1x!tpu.dma_semaphore, #tpu.memory_space<semaphore_mem>>
    %dma_wait3A_600 = tpu.memref_squeeze %dma_wait3A_599 : memref<1x!tpu.dma_semaphore, #tpu.memory_space<semaphore_mem>> -> memref<!tpu.dma_semaphore, #tpu.memory_space<semaphore_mem>>
    %dma_wait3A_601 = arith.constant 1024 : i32
    %dma_wait3A_602 = arith.constant 0 : i32
    %dma_wait3A_603 = tpu.memref_slice %arg8[%dma_wait3A_597, %dma_wait3A_601, %dma_wait3A_602] : memref<5x4096x1024xf32, #tpu.memory_space<hbm>> -> memref<1x512x1024xf32, #tpu.memory_space<hbm>>
    %dma_wait3A_604 = tpu.memref_squeeze %dma_wait3A_603 : memref<1x512x1024xf32, #tpu.memory_space<hbm>> -> memref<512x1024xf32, #tpu.memory_space<hbm>>
    %dma_wait3A_605 = arith.constant 0 : i32
    %dma_wait3A_606 = arith.constant 0 : i32
    %dma_wait3A_607 = tpu.memref_slice %arg11[%dma_wait3A_605, %dma_wait3A_606] : memref<512x1024xf32, #tpu.memory_space<vmem>> -> memref<512x1024xf32, #tpu.memory_space<vmem>>
    tpu.wait_dma2 semaphore(%dma_wait3A_600 : memref<!tpu.dma_semaphore, #tpu.memory_space<semaphore_mem>>) src(%dma_wait3A_607 : memref<512x1024xf32, #tpu.memory_space<vmem>>) dst(%dma_wait3A_604 : memref<512x1024xf32, #tpu.memory_space<hbm>>)
    %dma_start3A_608 = arith.constant 2 : i32
    %dma_start3A_609 = tpu.memref_slice %arg18[%dma_start3A_608] : memref<8x!tpu.dma_semaphore, #tpu.memory_space<semaphore_mem>> -> memref<1x!tpu.dma_semaphore, #tpu.memory_space<semaphore_mem>>
    %dma_start3A_610 = tpu.memref_squeeze %dma_start3A_609 : memref<1x!tpu.dma_semaphore, #tpu.memory_space<semaphore_mem>> -> memref<!tpu.dma_semaphore, #tpu.memory_space<semaphore_mem>>
    %dma_start3A_611 = arith.constant 0 : i32
    %dma_start3A_612 = arith.constant 0 : i32
    %dma_start3A_613 = tpu.memref_slice %arg11[%dma_start3A_611, %dma_start3A_612] : memref<512x1024xf32, #tpu.memory_space<vmem>> -> memref<512x1024xf32, #tpu.memory_space<vmem>>
    %dma_start3A_614 = arith.constant 1024 : i32
    %dma_start3A_615 = arith.constant 0 : i32
    %dma_start3A_616 = tpu.memref_slice %arg2[%dma_start3A_614, %dma_start3A_615] : memref<3072x1024xf32, #tpu.memory_space<hbm>> -> memref<512x1024xf32, #tpu.memory_space<hbm>>
    tpu.enqueue_dma source(%dma_start3A_616 : memref<512x1024xf32, #tpu.memory_space<hbm>>) target(%dma_start3A_613 : memref<512x1024xf32, #tpu.memory_space<vmem>>) target_semaphore(%dma_start3A_610 : memref<!tpu.dma_semaphore, #tpu.memory_space<semaphore_mem>>)
    %dma_wait3A_617 = arith.constant 6 : i32
    %dma_wait3A_618 = tpu.memref_slice %arg18[%dma_wait3A_617] : memref<8x!tpu.dma_semaphore, #tpu.memory_space<semaphore_mem>> -> memref<1x!tpu.dma_semaphore, #tpu.memory_space<semaphore_mem>>
    %dma_wait3A_619 = tpu.memref_squeeze %dma_wait3A_618 : memref<1x!tpu.dma_semaphore, #tpu.memory_space<semaphore_mem>> -> memref<!tpu.dma_semaphore, #tpu.memory_space<semaphore_mem>>
    %dma_wait3A_620 = arith.constant 0 : i32
    %dma_wait3A_621 = arith.constant 0 : i32
    %dma_wait3A_622 = tpu.memref_slice %arg15[%dma_wait3A_620, %dma_wait3A_621] : memref<512x1024xf32, #tpu.memory_space<vmem>> -> memref<512x1024xf32, #tpu.memory_space<vmem>>
    %dma_wait3A_623 = arith.constant 3072 : i32
    %dma_wait3A_624 = arith.constant 0 : i32
    %dma_wait3A_625 = tpu.memref_slice %arg1[%dma_wait3A_623, %dma_wait3A_624] : memref<3584x1024xf32, #tpu.memory_space<hbm>> -> memref<512x1024xf32, #tpu.memory_space<hbm>>
    tpu.wait_dma2 semaphore(%dma_wait3A_619 : memref<!tpu.dma_semaphore, #tpu.memory_space<semaphore_mem>>) src(%dma_wait3A_625 : memref<512x1024xf32, #tpu.memory_space<hbm>>) dst(%dma_wait3A_622 : memref<512x1024xf32, #tpu.memory_space<vmem>>)
    %dma_start3A_626 = arith.constant 1 : i32
    %dma_start3A_627 = arith.constant 6 : i32
    %dma_start3A_628 = tpu.memref_slice %arg19[%dma_start3A_627] : memref<8x!tpu.dma_semaphore, #tpu.memory_space<semaphore_mem>> -> memref<1x!tpu.dma_semaphore, #tpu.memory_space<semaphore_mem>>
    %dma_start3A_629 = tpu.memref_squeeze %dma_start3A_628 : memref<1x!tpu.dma_semaphore, #tpu.memory_space<semaphore_mem>> -> memref<!tpu.dma_semaphore, #tpu.memory_space<semaphore_mem>>
    %dma_start3A_630 = arith.constant 3072 : i32
    %dma_start3A_631 = arith.constant 0 : i32
    %dma_start3A_632 = tpu.memref_slice %arg8[%dma_start3A_626, %dma_start3A_630, %dma_start3A_631] : memref<5x4096x1024xf32, #tpu.memory_space<hbm>> -> memref<1x512x1024xf32, #tpu.memory_space<hbm>>
    %dma_start3A_633 = tpu.memref_squeeze %dma_start3A_632 : memref<1x512x1024xf32, #tpu.memory_space<hbm>> -> memref<512x1024xf32, #tpu.memory_space<hbm>>
    %dma_start3A_634 = arith.constant 0 : i32
    %dma_start3A_635 = arith.constant 0 : i32
    %dma_start3A_636 = tpu.memref_slice %arg15[%dma_start3A_634, %dma_start3A_635] : memref<512x1024xf32, #tpu.memory_space<vmem>> -> memref<512x1024xf32, #tpu.memory_space<vmem>>
    tpu.enqueue_dma source(%dma_start3A_636 : memref<512x1024xf32, #tpu.memory_space<vmem>>) target(%dma_start3A_633 : memref<512x1024xf32, #tpu.memory_space<hbm>>) target_semaphore(%dma_start3A_629 : memref<!tpu.dma_semaphore, #tpu.memory_space<semaphore_mem>>)
    %dma_wait3A_637 = arith.constant 1 : i32
    %dma_wait3A_638 = arith.constant 3 : i32
    %dma_wait3A_639 = tpu.memref_slice %arg19[%dma_wait3A_638] : memref<8x!tpu.dma_semaphore, #tpu.memory_space<semaphore_mem>> -> memref<1x!tpu.dma_semaphore, #tpu.memory_space<semaphore_mem>>
    %dma_wait3A_640 = tpu.memref_squeeze %dma_wait3A_639 : memref<1x!tpu.dma_semaphore, #tpu.memory_space<semaphore_mem>> -> memref<!tpu.dma_semaphore, #tpu.memory_space<semaphore_mem>>
    %dma_wait3A_641 = arith.constant 1536 : i32
    %dma_wait3A_642 = arith.constant 0 : i32
    %dma_wait3A_643 = tpu.memref_slice %arg8[%dma_wait3A_637, %dma_wait3A_641, %dma_wait3A_642] : memref<5x4096x1024xf32, #tpu.memory_space<hbm>> -> memref<1x512x1024xf32, #tpu.memory_space<hbm>>
    %dma_wait3A_644 = tpu.memref_squeeze %dma_wait3A_643 : memref<1x512x1024xf32, #tpu.memory_space<hbm>> -> memref<512x1024xf32, #tpu.memory_space<hbm>>
    %dma_wait3A_645 = arith.constant 0 : i32
    %dma_wait3A_646 = arith.constant 0 : i32
    %dma_wait3A_647 = tpu.memref_slice %arg12[%dma_wait3A_645, %dma_wait3A_646] : memref<512x1024xf32, #tpu.memory_space<vmem>> -> memref<512x1024xf32, #tpu.memory_space<vmem>>
    tpu.wait_dma2 semaphore(%dma_wait3A_640 : memref<!tpu.dma_semaphore, #tpu.memory_space<semaphore_mem>>) src(%dma_wait3A_647 : memref<512x1024xf32, #tpu.memory_space<vmem>>) dst(%dma_wait3A_644 : memref<512x1024xf32, #tpu.memory_space<hbm>>)
    %dma_start3A_648 = arith.constant 3 : i32
    %dma_start3A_649 = tpu.memref_slice %arg18[%dma_start3A_648] : memref<8x!tpu.dma_semaphore, #tpu.memory_space<semaphore_mem>> -> memref<1x!tpu.dma_semaphore, #tpu.memory_space<semaphore_mem>>
    %dma_start3A_650 = tpu.memref_squeeze %dma_start3A_649 : memref<1x!tpu.dma_semaphore, #tpu.memory_space<semaphore_mem>> -> memref<!tpu.dma_semaphore, #tpu.memory_space<semaphore_mem>>
    %dma_start3A_651 = arith.constant 0 : i32
    %dma_start3A_652 = arith.constant 0 : i32
    %dma_start3A_653 = tpu.memref_slice %arg12[%dma_start3A_651, %dma_start3A_652] : memref<512x1024xf32, #tpu.memory_space<vmem>> -> memref<512x1024xf32, #tpu.memory_space<vmem>>
    %dma_start3A_654 = arith.constant 1536 : i32
    %dma_start3A_655 = arith.constant 0 : i32
    %dma_start3A_656 = tpu.memref_slice %arg2[%dma_start3A_654, %dma_start3A_655] : memref<3072x1024xf32, #tpu.memory_space<hbm>> -> memref<512x1024xf32, #tpu.memory_space<hbm>>
    tpu.enqueue_dma source(%dma_start3A_656 : memref<512x1024xf32, #tpu.memory_space<hbm>>) target(%dma_start3A_653 : memref<512x1024xf32, #tpu.memory_space<vmem>>) target_semaphore(%dma_start3A_650 : memref<!tpu.dma_semaphore, #tpu.memory_space<semaphore_mem>>)
    %dma_wait3A_657 = arith.constant 7 : i32
    %dma_wait3A_658 = tpu.memref_slice %arg18[%dma_wait3A_657] : memref<8x!tpu.dma_semaphore, #tpu.memory_space<semaphore_mem>> -> memref<1x!tpu.dma_semaphore, #tpu.memory_space<semaphore_mem>>
    %dma_wait3A_659 = tpu.memref_squeeze %dma_wait3A_658 : memref<1x!tpu.dma_semaphore, #tpu.memory_space<semaphore_mem>> -> memref<!tpu.dma_semaphore, #tpu.memory_space<semaphore_mem>>
    %dma_wait3A_660 = arith.constant 0 : i32
    %dma_wait3A_661 = arith.constant 0 : i32
    %dma_wait3A_662 = tpu.memref_slice %arg16[%dma_wait3A_660, %dma_wait3A_661] : memref<512x1024xf32, #tpu.memory_space<vmem>> -> memref<512x1024xf32, #tpu.memory_space<vmem>>
    %dma_wait3A_663 = arith.constant 0 : i32
    %dma_wait3A_664 = arith.constant 0 : i32
    %dma_wait3A_665 = tpu.memref_slice %arg7[%dma_wait3A_663, %dma_wait3A_664] : memref<512x1024xf32, #tpu.memory_space<hbm>> -> memref<512x1024xf32, #tpu.memory_space<hbm>>
    tpu.wait_dma2 semaphore(%dma_wait3A_659 : memref<!tpu.dma_semaphore, #tpu.memory_space<semaphore_mem>>) src(%dma_wait3A_665 : memref<512x1024xf32, #tpu.memory_space<hbm>>) dst(%dma_wait3A_662 : memref<512x1024xf32, #tpu.memory_space<vmem>>)
    %dma_start3A_666 = arith.constant 1 : i32
    %dma_start3A_667 = arith.constant 7 : i32
    %dma_start3A_668 = tpu.memref_slice %arg19[%dma_start3A_667] : memref<8x!tpu.dma_semaphore, #tpu.memory_space<semaphore_mem>> -> memref<1x!tpu.dma_semaphore, #tpu.memory_space<semaphore_mem>>
    %dma_start3A_669 = tpu.memref_squeeze %dma_start3A_668 : memref<1x!tpu.dma_semaphore, #tpu.memory_space<semaphore_mem>> -> memref<!tpu.dma_semaphore, #tpu.memory_space<semaphore_mem>>
    %dma_start3A_670 = arith.constant 3584 : i32
    %dma_start3A_671 = arith.constant 0 : i32
    %dma_start3A_672 = tpu.memref_slice %arg8[%dma_start3A_666, %dma_start3A_670, %dma_start3A_671] : memref<5x4096x1024xf32, #tpu.memory_space<hbm>> -> memref<1x512x1024xf32, #tpu.memory_space<hbm>>
    %dma_start3A_673 = tpu.memref_squeeze %dma_start3A_672 : memref<1x512x1024xf32, #tpu.memory_space<hbm>> -> memref<512x1024xf32, #tpu.memory_space<hbm>>
    %dma_start3A_674 = arith.constant 0 : i32
    %dma_start3A_675 = arith.constant 0 : i32
    %dma_start3A_676 = tpu.memref_slice %arg16[%dma_start3A_674, %dma_start3A_675] : memref<512x1024xf32, #tpu.memory_space<vmem>> -> memref<512x1024xf32, #tpu.memory_space<vmem>>
    tpu.enqueue_dma source(%dma_start3A_676 : memref<512x1024xf32, #tpu.memory_space<vmem>>) target(%dma_start3A_673 : memref<512x1024xf32, #tpu.memory_space<hbm>>) target_semaphore(%dma_start3A_669 : memref<!tpu.dma_semaphore, #tpu.memory_space<semaphore_mem>>)
    %dma_wait3A_677 = arith.constant 1 : i32
    %dma_wait3A_678 = arith.constant 4 : i32
    %dma_wait3A_679 = tpu.memref_slice %arg19[%dma_wait3A_678] : memref<8x!tpu.dma_semaphore, #tpu.memory_space<semaphore_mem>> -> memref<1x!tpu.dma_semaphore, #tpu.memory_space<semaphore_mem>>
    %dma_wait3A_680 = tpu.memref_squeeze %dma_wait3A_679 : memref<1x!tpu.dma_semaphore, #tpu.memory_space<semaphore_mem>> -> memref<!tpu.dma_semaphore, #tpu.memory_space<semaphore_mem>>
    %dma_wait3A_681 = arith.constant 2048 : i32
    %dma_wait3A_682 = arith.constant 0 : i32
    %dma_wait3A_683 = tpu.memref_slice %arg8[%dma_wait3A_677, %dma_wait3A_681, %dma_wait3A_682] : memref<5x4096x1024xf32, #tpu.memory_space<hbm>> -> memref<1x512x1024xf32, #tpu.memory_space<hbm>>
    %dma_wait3A_684 = tpu.memref_squeeze %dma_wait3A_683 : memref<1x512x1024xf32, #tpu.memory_space<hbm>> -> memref<512x1024xf32, #tpu.memory_space<hbm>>
    %dma_wait3A_685 = arith.constant 0 : i32
    %dma_wait3A_686 = arith.constant 0 : i32
    %dma_wait3A_687 = tpu.memref_slice %arg13[%dma_wait3A_685, %dma_wait3A_686] : memref<512x1024xf32, #tpu.memory_space<vmem>> -> memref<512x1024xf32, #tpu.memory_space<vmem>>
    tpu.wait_dma2 semaphore(%dma_wait3A_680 : memref<!tpu.dma_semaphore, #tpu.memory_space<semaphore_mem>>) src(%dma_wait3A_687 : memref<512x1024xf32, #tpu.memory_space<vmem>>) dst(%dma_wait3A_684 : memref<512x1024xf32, #tpu.memory_space<hbm>>)
    %dma_start3A_688 = arith.constant 4 : i32
    %dma_start3A_689 = tpu.memref_slice %arg18[%dma_start3A_688] : memref<8x!tpu.dma_semaphore, #tpu.memory_space<semaphore_mem>> -> memref<1x!tpu.dma_semaphore, #tpu.memory_space<semaphore_mem>>
    %dma_start3A_690 = tpu.memref_squeeze %dma_start3A_689 : memref<1x!tpu.dma_semaphore, #tpu.memory_space<semaphore_mem>> -> memref<!tpu.dma_semaphore, #tpu.memory_space<semaphore_mem>>
    %dma_start3A_691 = arith.constant 0 : i32
    %dma_start3A_692 = arith.constant 0 : i32
    %dma_start3A_693 = tpu.memref_slice %arg13[%dma_start3A_691, %dma_start3A_692] : memref<512x1024xf32, #tpu.memory_space<vmem>> -> memref<512x1024xf32, #tpu.memory_space<vmem>>
    %dma_start3A_694 = arith.constant 2048 : i32
    %dma_start3A_695 = arith.constant 0 : i32
    %dma_start3A_696 = tpu.memref_slice %arg2[%dma_start3A_694, %dma_start3A_695] : memref<3072x1024xf32, #tpu.memory_space<hbm>> -> memref<512x1024xf32, #tpu.memory_space<hbm>>
    tpu.enqueue_dma source(%dma_start3A_696 : memref<512x1024xf32, #tpu.memory_space<hbm>>) target(%dma_start3A_693 : memref<512x1024xf32, #tpu.memory_space<vmem>>) target_semaphore(%dma_start3A_690 : memref<!tpu.dma_semaphore, #tpu.memory_space<semaphore_mem>>)
    %dma_wait3A_697 = arith.constant 0 : i32
    %dma_wait3A_698 = tpu.memref_slice %arg18[%dma_wait3A_697] : memref<8x!tpu.dma_semaphore, #tpu.memory_space<semaphore_mem>> -> memref<1x!tpu.dma_semaphore, #tpu.memory_space<semaphore_mem>>
    %dma_wait3A_699 = tpu.memref_squeeze %dma_wait3A_698 : memref<1x!tpu.dma_semaphore, #tpu.memory_space<semaphore_mem>> -> memref<!tpu.dma_semaphore, #tpu.memory_space<semaphore_mem>>
    %dma_wait3A_700 = arith.constant 0 : i32
    %dma_wait3A_701 = arith.constant 0 : i32
    %dma_wait3A_702 = tpu.memref_slice %arg9[%dma_wait3A_700, %dma_wait3A_701] : memref<512x1024xf32, #tpu.memory_space<vmem>> -> memref<512x1024xf32, #tpu.memory_space<vmem>>
    %dma_wait3A_703 = arith.constant 0 : i32
    %dma_wait3A_704 = arith.constant 0 : i32
    %dma_wait3A_705 = tpu.memref_slice %arg2[%dma_wait3A_703, %dma_wait3A_704] : memref<3072x1024xf32, #tpu.memory_space<hbm>> -> memref<512x1024xf32, #tpu.memory_space<hbm>>
    tpu.wait_dma2 semaphore(%dma_wait3A_699 : memref<!tpu.dma_semaphore, #tpu.memory_space<semaphore_mem>>) src(%dma_wait3A_705 : memref<512x1024xf32, #tpu.memory_space<hbm>>) dst(%dma_wait3A_702 : memref<512x1024xf32, #tpu.memory_space<vmem>>)
    %dma_start3A_706 = arith.constant 2 : i32
    %dma_start3A_707 = arith.constant 0 : i32
    %dma_start3A_708 = tpu.memref_slice %arg19[%dma_start3A_707] : memref<8x!tpu.dma_semaphore, #tpu.memory_space<semaphore_mem>> -> memref<1x!tpu.dma_semaphore, #tpu.memory_space<semaphore_mem>>
    %dma_start3A_709 = tpu.memref_squeeze %dma_start3A_708 : memref<1x!tpu.dma_semaphore, #tpu.memory_space<semaphore_mem>> -> memref<!tpu.dma_semaphore, #tpu.memory_space<semaphore_mem>>
    %dma_start3A_710 = arith.constant 0 : i32
    %dma_start3A_711 = arith.constant 0 : i32
    %dma_start3A_712 = tpu.memref_slice %arg8[%dma_start3A_706, %dma_start3A_710, %dma_start3A_711] : memref<5x4096x1024xf32, #tpu.memory_space<hbm>> -> memref<1x512x1024xf32, #tpu.memory_space<hbm>>
    %dma_start3A_713 = tpu.memref_squeeze %dma_start3A_712 : memref<1x512x1024xf32, #tpu.memory_space<hbm>> -> memref<512x1024xf32, #tpu.memory_space<hbm>>
    %dma_start3A_714 = arith.constant 0 : i32
    %dma_start3A_715 = arith.constant 0 : i32
    %dma_start3A_716 = tpu.memref_slice %arg9[%dma_start3A_714, %dma_start3A_715] : memref<512x1024xf32, #tpu.memory_space<vmem>> -> memref<512x1024xf32, #tpu.memory_space<vmem>>
    tpu.enqueue_dma source(%dma_start3A_716 : memref<512x1024xf32, #tpu.memory_space<vmem>>) target(%dma_start3A_713 : memref<512x1024xf32, #tpu.memory_space<hbm>>) target_semaphore(%dma_start3A_709 : memref<!tpu.dma_semaphore, #tpu.memory_space<semaphore_mem>>)
    %dma_wait3A_717 = arith.constant 1 : i32
    %dma_wait3A_718 = arith.constant 5 : i32
    %dma_wait3A_719 = tpu.memref_slice %arg19[%dma_wait3A_718] : memref<8x!tpu.dma_semaphore, #tpu.memory_space<semaphore_mem>> -> memref<1x!tpu.dma_semaphore, #tpu.memory_space<semaphore_mem>>
    %dma_wait3A_720 = tpu.memref_squeeze %dma_wait3A_719 : memref<1x!tpu.dma_semaphore, #tpu.memory_space<semaphore_mem>> -> memref<!tpu.dma_semaphore, #tpu.memory_space<semaphore_mem>>
    %dma_wait3A_721 = arith.constant 2560 : i32
    %dma_wait3A_722 = arith.constant 0 : i32
    %dma_wait3A_723 = tpu.memref_slice %arg8[%dma_wait3A_717, %dma_wait3A_721, %dma_wait3A_722] : memref<5x4096x1024xf32, #tpu.memory_space<hbm>> -> memref<1x512x1024xf32, #tpu.memory_space<hbm>>
    %dma_wait3A_724 = tpu.memref_squeeze %dma_wait3A_723 : memref<1x512x1024xf32, #tpu.memory_space<hbm>> -> memref<512x1024xf32, #tpu.memory_space<hbm>>
    %dma_wait3A_725 = arith.constant 0 : i32
    %dma_wait3A_726 = arith.constant 0 : i32
    %dma_wait3A_727 = tpu.memref_slice %arg14[%dma_wait3A_725, %dma_wait3A_726] : memref<512x1024xf32, #tpu.memory_space<vmem>> -> memref<512x1024xf32, #tpu.memory_space<vmem>>
    tpu.wait_dma2 semaphore(%dma_wait3A_720 : memref<!tpu.dma_semaphore, #tpu.memory_space<semaphore_mem>>) src(%dma_wait3A_727 : memref<512x1024xf32, #tpu.memory_space<vmem>>) dst(%dma_wait3A_724 : memref<512x1024xf32, #tpu.memory_space<hbm>>)
    %dma_start3A_728 = arith.constant 5 : i32
    %dma_start3A_729 = tpu.memref_slice %arg18[%dma_start3A_728] : memref<8x!tpu.dma_semaphore, #tpu.memory_space<semaphore_mem>> -> memref<1x!tpu.dma_semaphore, #tpu.memory_space<semaphore_mem>>
    %dma_start3A_730 = tpu.memref_squeeze %dma_start3A_729 : memref<1x!tpu.dma_semaphore, #tpu.memory_space<semaphore_mem>> -> memref<!tpu.dma_semaphore, #tpu.memory_space<semaphore_mem>>
    %dma_start3A_731 = arith.constant 0 : i32
    %dma_start3A_732 = arith.constant 0 : i32
    %dma_start3A_733 = tpu.memref_slice %arg14[%dma_start3A_731, %dma_start3A_732] : memref<512x1024xf32, #tpu.memory_space<vmem>> -> memref<512x1024xf32, #tpu.memory_space<vmem>>
    %dma_start3A_734 = arith.constant 2560 : i32
    %dma_start3A_735 = arith.constant 0 : i32
    %dma_start3A_736 = tpu.memref_slice %arg2[%dma_start3A_734, %dma_start3A_735] : memref<3072x1024xf32, #tpu.memory_space<hbm>> -> memref<512x1024xf32, #tpu.memory_space<hbm>>
    tpu.enqueue_dma source(%dma_start3A_736 : memref<512x1024xf32, #tpu.memory_space<hbm>>) target(%dma_start3A_733 : memref<512x1024xf32, #tpu.memory_space<vmem>>) target_semaphore(%dma_start3A_730 : memref<!tpu.dma_semaphore, #tpu.memory_space<semaphore_mem>>)
    %dma_wait3A_737 = arith.constant 1 : i32
    %dma_wait3A_738 = tpu.memref_slice %arg18[%dma_wait3A_737] : memref<8x!tpu.dma_semaphore, #tpu.memory_space<semaphore_mem>> -> memref<1x!tpu.dma_semaphore, #tpu.memory_space<semaphore_mem>>
    %dma_wait3A_739 = tpu.memref_squeeze %dma_wait3A_738 : memref<1x!tpu.dma_semaphore, #tpu.memory_space<semaphore_mem>> -> memref<!tpu.dma_semaphore, #tpu.memory_space<semaphore_mem>>
    %dma_wait3A_740 = arith.constant 0 : i32
    %dma_wait3A_741 = arith.constant 0 : i32
    %dma_wait3A_742 = tpu.memref_slice %arg10[%dma_wait3A_740, %dma_wait3A_741] : memref<512x1024xf32, #tpu.memory_space<vmem>> -> memref<512x1024xf32, #tpu.memory_space<vmem>>
    %dma_wait3A_743 = arith.constant 512 : i32
    %dma_wait3A_744 = arith.constant 0 : i32
    %dma_wait3A_745 = tpu.memref_slice %arg2[%dma_wait3A_743, %dma_wait3A_744] : memref<3072x1024xf32, #tpu.memory_space<hbm>> -> memref<512x1024xf32, #tpu.memory_space<hbm>>
    tpu.wait_dma2 semaphore(%dma_wait3A_739 : memref<!tpu.dma_semaphore, #tpu.memory_space<semaphore_mem>>) src(%dma_wait3A_745 : memref<512x1024xf32, #tpu.memory_space<hbm>>) dst(%dma_wait3A_742 : memref<512x1024xf32, #tpu.memory_space<vmem>>)
    %dma_start3A_746 = arith.constant 2 : i32
    %dma_start3A_747 = arith.constant 1 : i32
    %dma_start3A_748 = tpu.memref_slice %arg19[%dma_start3A_747] : memref<8x!tpu.dma_semaphore, #tpu.memory_space<semaphore_mem>> -> memref<1x!tpu.dma_semaphore, #tpu.memory_space<semaphore_mem>>
    %dma_start3A_749 = tpu.memref_squeeze %dma_start3A_748 : memref<1x!tpu.dma_semaphore, #tpu.memory_space<semaphore_mem>> -> memref<!tpu.dma_semaphore, #tpu.memory_space<semaphore_mem>>
    %dma_start3A_750 = arith.constant 512 : i32
    %dma_start3A_751 = arith.constant 0 : i32
    %dma_start3A_752 = tpu.memref_slice %arg8[%dma_start3A_746, %dma_start3A_750, %dma_start3A_751] : memref<5x4096x1024xf32, #tpu.memory_space<hbm>> -> memref<1x512x1024xf32, #tpu.memory_space<hbm>>
    %dma_start3A_753 = tpu.memref_squeeze %dma_start3A_752 : memref<1x512x1024xf32, #tpu.memory_space<hbm>> -> memref<512x1024xf32, #tpu.memory_space<hbm>>
    %dma_start3A_754 = arith.constant 0 : i32
    %dma_start3A_755 = arith.constant 0 : i32
    %dma_start3A_756 = tpu.memref_slice %arg10[%dma_start3A_754, %dma_start3A_755] : memref<512x1024xf32, #tpu.memory_space<vmem>> -> memref<512x1024xf32, #tpu.memory_space<vmem>>
    tpu.enqueue_dma source(%dma_start3A_756 : memref<512x1024xf32, #tpu.memory_space<vmem>>) target(%dma_start3A_753 : memref<512x1024xf32, #tpu.memory_space<hbm>>) target_semaphore(%dma_start3A_749 : memref<!tpu.dma_semaphore, #tpu.memory_space<semaphore_mem>>)
    %dma_wait3A_757 = arith.constant 1 : i32
    %dma_wait3A_758 = arith.constant 6 : i32
    %dma_wait3A_759 = tpu.memref_slice %arg19[%dma_wait3A_758] : memref<8x!tpu.dma_semaphore, #tpu.memory_space<semaphore_mem>> -> memref<1x!tpu.dma_semaphore, #tpu.memory_space<semaphore_mem>>
    %dma_wait3A_760 = tpu.memref_squeeze %dma_wait3A_759 : memref<1x!tpu.dma_semaphore, #tpu.memory_space<semaphore_mem>> -> memref<!tpu.dma_semaphore, #tpu.memory_space<semaphore_mem>>
    %dma_wait3A_761 = arith.constant 3072 : i32
    %dma_wait3A_762 = arith.constant 0 : i32
    %dma_wait3A_763 = tpu.memref_slice %arg8[%dma_wait3A_757, %dma_wait3A_761, %dma_wait3A_762] : memref<5x4096x1024xf32, #tpu.memory_space<hbm>> -> memref<1x512x1024xf32, #tpu.memory_space<hbm>>
    %dma_wait3A_764 = tpu.memref_squeeze %dma_wait3A_763 : memref<1x512x1024xf32, #tpu.memory_space<hbm>> -> memref<512x1024xf32, #tpu.memory_space<hbm>>
    %dma_wait3A_765 = arith.constant 0 : i32
    %dma_wait3A_766 = arith.constant 0 : i32
    %dma_wait3A_767 = tpu.memref_slice %arg15[%dma_wait3A_765, %dma_wait3A_766] : memref<512x1024xf32, #tpu.memory_space<vmem>> -> memref<512x1024xf32, #tpu.memory_space<vmem>>
    tpu.wait_dma2 semaphore(%dma_wait3A_760 : memref<!tpu.dma_semaphore, #tpu.memory_space<semaphore_mem>>) src(%dma_wait3A_767 : memref<512x1024xf32, #tpu.memory_space<vmem>>) dst(%dma_wait3A_764 : memref<512x1024xf32, #tpu.memory_space<hbm>>)
    %dma_start3A_768 = arith.constant 6 : i32
    %dma_start3A_769 = tpu.memref_slice %arg18[%dma_start3A_768] : memref<8x!tpu.dma_semaphore, #tpu.memory_space<semaphore_mem>> -> memref<1x!tpu.dma_semaphore, #tpu.memory_space<semaphore_mem>>
    %dma_start3A_770 = tpu.memref_squeeze %dma_start3A_769 : memref<1x!tpu.dma_semaphore, #tpu.memory_space<semaphore_mem>> -> memref<!tpu.dma_semaphore, #tpu.memory_space<semaphore_mem>>
    %dma_start3A_771 = arith.constant 0 : i32
    %dma_start3A_772 = arith.constant 0 : i32
    %dma_start3A_773 = tpu.memref_slice %arg15[%dma_start3A_771, %dma_start3A_772] : memref<512x1024xf32, #tpu.memory_space<vmem>> -> memref<512x1024xf32, #tpu.memory_space<vmem>>
    %dma_start3A_774 = arith.constant 0 : i32
    %dma_start3A_775 = arith.constant 0 : i32
    %dma_start3A_776 = tpu.memref_slice %arg6[%dma_start3A_774, %dma_start3A_775] : memref<1024x1024xf32, #tpu.memory_space<hbm>> -> memref<512x1024xf32, #tpu.memory_space<hbm>>
    tpu.enqueue_dma source(%dma_start3A_776 : memref<512x1024xf32, #tpu.memory_space<hbm>>) target(%dma_start3A_773 : memref<512x1024xf32, #tpu.memory_space<vmem>>) target_semaphore(%dma_start3A_770 : memref<!tpu.dma_semaphore, #tpu.memory_space<semaphore_mem>>)
    %dma_wait3A_777 = arith.constant 2 : i32
    %dma_wait3A_778 = tpu.memref_slice %arg18[%dma_wait3A_777] : memref<8x!tpu.dma_semaphore, #tpu.memory_space<semaphore_mem>> -> memref<1x!tpu.dma_semaphore, #tpu.memory_space<semaphore_mem>>
    %dma_wait3A_779 = tpu.memref_squeeze %dma_wait3A_778 : memref<1x!tpu.dma_semaphore, #tpu.memory_space<semaphore_mem>> -> memref<!tpu.dma_semaphore, #tpu.memory_space<semaphore_mem>>
    %dma_wait3A_780 = arith.constant 0 : i32
    %dma_wait3A_781 = arith.constant 0 : i32
    %dma_wait3A_782 = tpu.memref_slice %arg11[%dma_wait3A_780, %dma_wait3A_781] : memref<512x1024xf32, #tpu.memory_space<vmem>> -> memref<512x1024xf32, #tpu.memory_space<vmem>>
    %dma_wait3A_783 = arith.constant 1024 : i32
    %dma_wait3A_784 = arith.constant 0 : i32
    %dma_wait3A_785 = tpu.memref_slice %arg2[%dma_wait3A_783, %dma_wait3A_784] : memref<3072x1024xf32, #tpu.memory_space<hbm>> -> memref<512x1024xf32, #tpu.memory_space<hbm>>
    tpu.wait_dma2 semaphore(%dma_wait3A_779 : memref<!tpu.dma_semaphore, #tpu.memory_space<semaphore_mem>>) src(%dma_wait3A_785 : memref<512x1024xf32, #tpu.memory_space<hbm>>) dst(%dma_wait3A_782 : memref<512x1024xf32, #tpu.memory_space<vmem>>)
    %dma_start3A_786 = arith.constant 2 : i32
    %dma_start3A_787 = arith.constant 2 : i32
    %dma_start3A_788 = tpu.memref_slice %arg19[%dma_start3A_787] : memref<8x!tpu.dma_semaphore, #tpu.memory_space<semaphore_mem>> -> memref<1x!tpu.dma_semaphore, #tpu.memory_space<semaphore_mem>>
    %dma_start3A_789 = tpu.memref_squeeze %dma_start3A_788 : memref<1x!tpu.dma_semaphore, #tpu.memory_space<semaphore_mem>> -> memref<!tpu.dma_semaphore, #tpu.memory_space<semaphore_mem>>
    %dma_start3A_790 = arith.constant 1024 : i32
    %dma_start3A_791 = arith.constant 0 : i32
    %dma_start3A_792 = tpu.memref_slice %arg8[%dma_start3A_786, %dma_start3A_790, %dma_start3A_791] : memref<5x4096x1024xf32, #tpu.memory_space<hbm>> -> memref<1x512x1024xf32, #tpu.memory_space<hbm>>
    %dma_start3A_793 = tpu.memref_squeeze %dma_start3A_792 : memref<1x512x1024xf32, #tpu.memory_space<hbm>> -> memref<512x1024xf32, #tpu.memory_space<hbm>>
    %dma_start3A_794 = arith.constant 0 : i32
    %dma_start3A_795 = arith.constant 0 : i32
    %dma_start3A_796 = tpu.memref_slice %arg11[%dma_start3A_794, %dma_start3A_795] : memref<512x1024xf32, #tpu.memory_space<vmem>> -> memref<512x1024xf32, #tpu.memory_space<vmem>>
    tpu.enqueue_dma source(%dma_start3A_796 : memref<512x1024xf32, #tpu.memory_space<vmem>>) target(%dma_start3A_793 : memref<512x1024xf32, #tpu.memory_space<hbm>>) target_semaphore(%dma_start3A_789 : memref<!tpu.dma_semaphore, #tpu.memory_space<semaphore_mem>>)
    %dma_wait3A_797 = arith.constant 1 : i32
    %dma_wait3A_798 = arith.constant 7 : i32
    %dma_wait3A_799 = tpu.memref_slice %arg19[%dma_wait3A_798] : memref<8x!tpu.dma_semaphore, #tpu.memory_space<semaphore_mem>> -> memref<1x!tpu.dma_semaphore, #tpu.memory_space<semaphore_mem>>
    %dma_wait3A_800 = tpu.memref_squeeze %dma_wait3A_799 : memref<1x!tpu.dma_semaphore, #tpu.memory_space<semaphore_mem>> -> memref<!tpu.dma_semaphore, #tpu.memory_space<semaphore_mem>>
    %dma_wait3A_801 = arith.constant 3584 : i32
    %dma_wait3A_802 = arith.constant 0 : i32
    %dma_wait3A_803 = tpu.memref_slice %arg8[%dma_wait3A_797, %dma_wait3A_801, %dma_wait3A_802] : memref<5x4096x1024xf32, #tpu.memory_space<hbm>> -> memref<1x512x1024xf32, #tpu.memory_space<hbm>>
    %dma_wait3A_804 = tpu.memref_squeeze %dma_wait3A_803 : memref<1x512x1024xf32, #tpu.memory_space<hbm>> -> memref<512x1024xf32, #tpu.memory_space<hbm>>
    %dma_wait3A_805 = arith.constant 0 : i32
    %dma_wait3A_806 = arith.constant 0 : i32
    %dma_wait3A_807 = tpu.memref_slice %arg16[%dma_wait3A_805, %dma_wait3A_806] : memref<512x1024xf32, #tpu.memory_space<vmem>> -> memref<512x1024xf32, #tpu.memory_space<vmem>>
    tpu.wait_dma2 semaphore(%dma_wait3A_800 : memref<!tpu.dma_semaphore, #tpu.memory_space<semaphore_mem>>) src(%dma_wait3A_807 : memref<512x1024xf32, #tpu.memory_space<vmem>>) dst(%dma_wait3A_804 : memref<512x1024xf32, #tpu.memory_space<hbm>>)
    %dma_start3A_808 = arith.constant 7 : i32
    %dma_start3A_809 = tpu.memref_slice %arg18[%dma_start3A_808] : memref<8x!tpu.dma_semaphore, #tpu.memory_space<semaphore_mem>> -> memref<1x!tpu.dma_semaphore, #tpu.memory_space<semaphore_mem>>
    %dma_start3A_810 = tpu.memref_squeeze %dma_start3A_809 : memref<1x!tpu.dma_semaphore, #tpu.memory_space<semaphore_mem>> -> memref<!tpu.dma_semaphore, #tpu.memory_space<semaphore_mem>>
    %dma_start3A_811 = arith.constant 0 : i32
    %dma_start3A_812 = arith.constant 0 : i32
    %dma_start3A_813 = tpu.memref_slice %arg16[%dma_start3A_811, %dma_start3A_812] : memref<512x1024xf32, #tpu.memory_space<vmem>> -> memref<512x1024xf32, #tpu.memory_space<vmem>>
    %dma_start3A_814 = arith.constant 512 : i32
    %dma_start3A_815 = arith.constant 0 : i32
    %dma_start3A_816 = tpu.memref_slice %arg6[%dma_start3A_814, %dma_start3A_815] : memref<1024x1024xf32, #tpu.memory_space<hbm>> -> memref<512x1024xf32, #tpu.memory_space<hbm>>
    tpu.enqueue_dma source(%dma_start3A_816 : memref<512x1024xf32, #tpu.memory_space<hbm>>) target(%dma_start3A_813 : memref<512x1024xf32, #tpu.memory_space<vmem>>) target_semaphore(%dma_start3A_810 : memref<!tpu.dma_semaphore, #tpu.memory_space<semaphore_mem>>)
    %dma_wait3A_817 = arith.constant 3 : i32
    %dma_wait3A_818 = tpu.memref_slice %arg18[%dma_wait3A_817] : memref<8x!tpu.dma_semaphore, #tpu.memory_space<semaphore_mem>> -> memref<1x!tpu.dma_semaphore, #tpu.memory_space<semaphore_mem>>
    %dma_wait3A_819 = tpu.memref_squeeze %dma_wait3A_818 : memref<1x!tpu.dma_semaphore, #tpu.memory_space<semaphore_mem>> -> memref<!tpu.dma_semaphore, #tpu.memory_space<semaphore_mem>>
    %dma_wait3A_820 = arith.constant 0 : i32
    %dma_wait3A_821 = arith.constant 0 : i32
    %dma_wait3A_822 = tpu.memref_slice %arg12[%dma_wait3A_820, %dma_wait3A_821] : memref<512x1024xf32, #tpu.memory_space<vmem>> -> memref<512x1024xf32, #tpu.memory_space<vmem>>
    %dma_wait3A_823 = arith.constant 1536 : i32
    %dma_wait3A_824 = arith.constant 0 : i32
    %dma_wait3A_825 = tpu.memref_slice %arg2[%dma_wait3A_823, %dma_wait3A_824] : memref<3072x1024xf32, #tpu.memory_space<hbm>> -> memref<512x1024xf32, #tpu.memory_space<hbm>>
    tpu.wait_dma2 semaphore(%dma_wait3A_819 : memref<!tpu.dma_semaphore, #tpu.memory_space<semaphore_mem>>) src(%dma_wait3A_825 : memref<512x1024xf32, #tpu.memory_space<hbm>>) dst(%dma_wait3A_822 : memref<512x1024xf32, #tpu.memory_space<vmem>>)
    %dma_start3A_826 = arith.constant 2 : i32
    %dma_start3A_827 = arith.constant 3 : i32
    %dma_start3A_828 = tpu.memref_slice %arg19[%dma_start3A_827] : memref<8x!tpu.dma_semaphore, #tpu.memory_space<semaphore_mem>> -> memref<1x!tpu.dma_semaphore, #tpu.memory_space<semaphore_mem>>
    %dma_start3A_829 = tpu.memref_squeeze %dma_start3A_828 : memref<1x!tpu.dma_semaphore, #tpu.memory_space<semaphore_mem>> -> memref<!tpu.dma_semaphore, #tpu.memory_space<semaphore_mem>>
    %dma_start3A_830 = arith.constant 1536 : i32
    %dma_start3A_831 = arith.constant 0 : i32
    %dma_start3A_832 = tpu.memref_slice %arg8[%dma_start3A_826, %dma_start3A_830, %dma_start3A_831] : memref<5x4096x1024xf32, #tpu.memory_space<hbm>> -> memref<1x512x1024xf32, #tpu.memory_space<hbm>>
    %dma_start3A_833 = tpu.memref_squeeze %dma_start3A_832 : memref<1x512x1024xf32, #tpu.memory_space<hbm>> -> memref<512x1024xf32, #tpu.memory_space<hbm>>
    %dma_start3A_834 = arith.constant 0 : i32
    %dma_start3A_835 = arith.constant 0 : i32
    %dma_start3A_836 = tpu.memref_slice %arg12[%dma_start3A_834, %dma_start3A_835] : memref<512x1024xf32, #tpu.memory_space<vmem>> -> memref<512x1024xf32, #tpu.memory_space<vmem>>
    tpu.enqueue_dma source(%dma_start3A_836 : memref<512x1024xf32, #tpu.memory_space<vmem>>) target(%dma_start3A_833 : memref<512x1024xf32, #tpu.memory_space<hbm>>) target_semaphore(%dma_start3A_829 : memref<!tpu.dma_semaphore, #tpu.memory_space<semaphore_mem>>)
    %dma_wait3A_837 = arith.constant 2 : i32
    %dma_wait3A_838 = arith.constant 0 : i32
    %dma_wait3A_839 = tpu.memref_slice %arg19[%dma_wait3A_838] : memref<8x!tpu.dma_semaphore, #tpu.memory_space<semaphore_mem>> -> memref<1x!tpu.dma_semaphore, #tpu.memory_space<semaphore_mem>>
    %dma_wait3A_840 = tpu.memref_squeeze %dma_wait3A_839 : memref<1x!tpu.dma_semaphore, #tpu.memory_space<semaphore_mem>> -> memref<!tpu.dma_semaphore, #tpu.memory_space<semaphore_mem>>
    %dma_wait3A_841 = arith.constant 0 : i32
    %dma_wait3A_842 = arith.constant 0 : i32
    %dma_wait3A_843 = tpu.memref_slice %arg8[%dma_wait3A_837, %dma_wait3A_841, %dma_wait3A_842] : memref<5x4096x1024xf32, #tpu.memory_space<hbm>> -> memref<1x512x1024xf32, #tpu.memory_space<hbm>>
    %dma_wait3A_844 = tpu.memref_squeeze %dma_wait3A_843 : memref<1x512x1024xf32, #tpu.memory_space<hbm>> -> memref<512x1024xf32, #tpu.memory_space<hbm>>
    %dma_wait3A_845 = arith.constant 0 : i32
    %dma_wait3A_846 = arith.constant 0 : i32
    %dma_wait3A_847 = tpu.memref_slice %arg9[%dma_wait3A_845, %dma_wait3A_846] : memref<512x1024xf32, #tpu.memory_space<vmem>> -> memref<512x1024xf32, #tpu.memory_space<vmem>>
    tpu.wait_dma2 semaphore(%dma_wait3A_840 : memref<!tpu.dma_semaphore, #tpu.memory_space<semaphore_mem>>) src(%dma_wait3A_847 : memref<512x1024xf32, #tpu.memory_space<vmem>>) dst(%dma_wait3A_844 : memref<512x1024xf32, #tpu.memory_space<hbm>>)
    %dma_start3A_848 = arith.constant 0 : i32
    %dma_start3A_849 = tpu.memref_slice %arg18[%dma_start3A_848] : memref<8x!tpu.dma_semaphore, #tpu.memory_space<semaphore_mem>> -> memref<1x!tpu.dma_semaphore, #tpu.memory_space<semaphore_mem>>
    %dma_start3A_850 = tpu.memref_squeeze %dma_start3A_849 : memref<1x!tpu.dma_semaphore, #tpu.memory_space<semaphore_mem>> -> memref<!tpu.dma_semaphore, #tpu.memory_space<semaphore_mem>>
    %dma_start3A_851 = arith.constant 0 : i32
    %dma_start3A_852 = arith.constant 0 : i32
    %dma_start3A_853 = tpu.memref_slice %arg9[%dma_start3A_851, %dma_start3A_852] : memref<512x1024xf32, #tpu.memory_space<vmem>> -> memref<512x1024xf32, #tpu.memory_space<vmem>>
    %dma_start3A_854 = arith.constant 0 : i32
    %dma_start3A_855 = arith.constant 0 : i32
    %dma_start3A_856 = tpu.memref_slice %arg3[%dma_start3A_854, %dma_start3A_855] : memref<2560x1024xf32, #tpu.memory_space<hbm>> -> memref<512x1024xf32, #tpu.memory_space<hbm>>
    tpu.enqueue_dma source(%dma_start3A_856 : memref<512x1024xf32, #tpu.memory_space<hbm>>) target(%dma_start3A_853 : memref<512x1024xf32, #tpu.memory_space<vmem>>) target_semaphore(%dma_start3A_850 : memref<!tpu.dma_semaphore, #tpu.memory_space<semaphore_mem>>)
    %dma_wait3A_857 = arith.constant 4 : i32
    %dma_wait3A_858 = tpu.memref_slice %arg18[%dma_wait3A_857] : memref<8x!tpu.dma_semaphore, #tpu.memory_space<semaphore_mem>> -> memref<1x!tpu.dma_semaphore, #tpu.memory_space<semaphore_mem>>
    %dma_wait3A_859 = tpu.memref_squeeze %dma_wait3A_858 : memref<1x!tpu.dma_semaphore, #tpu.memory_space<semaphore_mem>> -> memref<!tpu.dma_semaphore, #tpu.memory_space<semaphore_mem>>
    %dma_wait3A_860 = arith.constant 0 : i32
    %dma_wait3A_861 = arith.constant 0 : i32
    %dma_wait3A_862 = tpu.memref_slice %arg13[%dma_wait3A_860, %dma_wait3A_861] : memref<512x1024xf32, #tpu.memory_space<vmem>> -> memref<512x1024xf32, #tpu.memory_space<vmem>>
    %dma_wait3A_863 = arith.constant 2048 : i32
    %dma_wait3A_864 = arith.constant 0 : i32
    %dma_wait3A_865 = tpu.memref_slice %arg2[%dma_wait3A_863, %dma_wait3A_864] : memref<3072x1024xf32, #tpu.memory_space<hbm>> -> memref<512x1024xf32, #tpu.memory_space<hbm>>
    tpu.wait_dma2 semaphore(%dma_wait3A_859 : memref<!tpu.dma_semaphore, #tpu.memory_space<semaphore_mem>>) src(%dma_wait3A_865 : memref<512x1024xf32, #tpu.memory_space<hbm>>) dst(%dma_wait3A_862 : memref<512x1024xf32, #tpu.memory_space<vmem>>)
    %dma_start3A_866 = arith.constant 2 : i32
    %dma_start3A_867 = arith.constant 4 : i32
    %dma_start3A_868 = tpu.memref_slice %arg19[%dma_start3A_867] : memref<8x!tpu.dma_semaphore, #tpu.memory_space<semaphore_mem>> -> memref<1x!tpu.dma_semaphore, #tpu.memory_space<semaphore_mem>>
    %dma_start3A_869 = tpu.memref_squeeze %dma_start3A_868 : memref<1x!tpu.dma_semaphore, #tpu.memory_space<semaphore_mem>> -> memref<!tpu.dma_semaphore, #tpu.memory_space<semaphore_mem>>
    %dma_start3A_870 = arith.constant 2048 : i32
    %dma_start3A_871 = arith.constant 0 : i32
    %dma_start3A_872 = tpu.memref_slice %arg8[%dma_start3A_866, %dma_start3A_870, %dma_start3A_871] : memref<5x4096x1024xf32, #tpu.memory_space<hbm>> -> memref<1x512x1024xf32, #tpu.memory_space<hbm>>
    %dma_start3A_873 = tpu.memref_squeeze %dma_start3A_872 : memref<1x512x1024xf32, #tpu.memory_space<hbm>> -> memref<512x1024xf32, #tpu.memory_space<hbm>>
    %dma_start3A_874 = arith.constant 0 : i32
    %dma_start3A_875 = arith.constant 0 : i32
    %dma_start3A_876 = tpu.memref_slice %arg13[%dma_start3A_874, %dma_start3A_875] : memref<512x1024xf32, #tpu.memory_space<vmem>> -> memref<512x1024xf32, #tpu.memory_space<vmem>>
    tpu.enqueue_dma source(%dma_start3A_876 : memref<512x1024xf32, #tpu.memory_space<vmem>>) target(%dma_start3A_873 : memref<512x1024xf32, #tpu.memory_space<hbm>>) target_semaphore(%dma_start3A_869 : memref<!tpu.dma_semaphore, #tpu.memory_space<semaphore_mem>>)
    %dma_wait3A_877 = arith.constant 2 : i32
    %dma_wait3A_878 = arith.constant 1 : i32
    %dma_wait3A_879 = tpu.memref_slice %arg19[%dma_wait3A_878] : memref<8x!tpu.dma_semaphore, #tpu.memory_space<semaphore_mem>> -> memref<1x!tpu.dma_semaphore, #tpu.memory_space<semaphore_mem>>
    %dma_wait3A_880 = tpu.memref_squeeze %dma_wait3A_879 : memref<1x!tpu.dma_semaphore, #tpu.memory_space<semaphore_mem>> -> memref<!tpu.dma_semaphore, #tpu.memory_space<semaphore_mem>>
    %dma_wait3A_881 = arith.constant 512 : i32
    %dma_wait3A_882 = arith.constant 0 : i32
    %dma_wait3A_883 = tpu.memref_slice %arg8[%dma_wait3A_877, %dma_wait3A_881, %dma_wait3A_882] : memref<5x4096x1024xf32, #tpu.memory_space<hbm>> -> memref<1x512x1024xf32, #tpu.memory_space<hbm>>
    %dma_wait3A_884 = tpu.memref_squeeze %dma_wait3A_883 : memref<1x512x1024xf32, #tpu.memory_space<hbm>> -> memref<512x1024xf32, #tpu.memory_space<hbm>>
    %dma_wait3A_885 = arith.constant 0 : i32
    %dma_wait3A_886 = arith.constant 0 : i32
    %dma_wait3A_887 = tpu.memref_slice %arg10[%dma_wait3A_885, %dma_wait3A_886] : memref<512x1024xf32, #tpu.memory_space<vmem>> -> memref<512x1024xf32, #tpu.memory_space<vmem>>
    tpu.wait_dma2 semaphore(%dma_wait3A_880 : memref<!tpu.dma_semaphore, #tpu.memory_space<semaphore_mem>>) src(%dma_wait3A_887 : memref<512x1024xf32, #tpu.memory_space<vmem>>) dst(%dma_wait3A_884 : memref<512x1024xf32, #tpu.memory_space<hbm>>)
    %dma_start3A_888 = arith.constant 1 : i32
    %dma_start3A_889 = tpu.memref_slice %arg18[%dma_start3A_888] : memref<8x!tpu.dma_semaphore, #tpu.memory_space<semaphore_mem>> -> memref<1x!tpu.dma_semaphore, #tpu.memory_space<semaphore_mem>>
    %dma_start3A_890 = tpu.memref_squeeze %dma_start3A_889 : memref<1x!tpu.dma_semaphore, #tpu.memory_space<semaphore_mem>> -> memref<!tpu.dma_semaphore, #tpu.memory_space<semaphore_mem>>
    %dma_start3A_891 = arith.constant 0 : i32
    %dma_start3A_892 = arith.constant 0 : i32
    %dma_start3A_893 = tpu.memref_slice %arg10[%dma_start3A_891, %dma_start3A_892] : memref<512x1024xf32, #tpu.memory_space<vmem>> -> memref<512x1024xf32, #tpu.memory_space<vmem>>
    %dma_start3A_894 = arith.constant 512 : i32
    %dma_start3A_895 = arith.constant 0 : i32
    %dma_start3A_896 = tpu.memref_slice %arg3[%dma_start3A_894, %dma_start3A_895] : memref<2560x1024xf32, #tpu.memory_space<hbm>> -> memref<512x1024xf32, #tpu.memory_space<hbm>>
    tpu.enqueue_dma source(%dma_start3A_896 : memref<512x1024xf32, #tpu.memory_space<hbm>>) target(%dma_start3A_893 : memref<512x1024xf32, #tpu.memory_space<vmem>>) target_semaphore(%dma_start3A_890 : memref<!tpu.dma_semaphore, #tpu.memory_space<semaphore_mem>>)
    %dma_wait3A_897 = arith.constant 5 : i32
    %dma_wait3A_898 = tpu.memref_slice %arg18[%dma_wait3A_897] : memref<8x!tpu.dma_semaphore, #tpu.memory_space<semaphore_mem>> -> memref<1x!tpu.dma_semaphore, #tpu.memory_space<semaphore_mem>>
    %dma_wait3A_899 = tpu.memref_squeeze %dma_wait3A_898 : memref<1x!tpu.dma_semaphore, #tpu.memory_space<semaphore_mem>> -> memref<!tpu.dma_semaphore, #tpu.memory_space<semaphore_mem>>
    %dma_wait3A_900 = arith.constant 0 : i32
    %dma_wait3A_901 = arith.constant 0 : i32
    %dma_wait3A_902 = tpu.memref_slice %arg14[%dma_wait3A_900, %dma_wait3A_901] : memref<512x1024xf32, #tpu.memory_space<vmem>> -> memref<512x1024xf32, #tpu.memory_space<vmem>>
    %dma_wait3A_903 = arith.constant 2560 : i32
    %dma_wait3A_904 = arith.constant 0 : i32
    %dma_wait3A_905 = tpu.memref_slice %arg2[%dma_wait3A_903, %dma_wait3A_904] : memref<3072x1024xf32, #tpu.memory_space<hbm>> -> memref<512x1024xf32, #tpu.memory_space<hbm>>
    tpu.wait_dma2 semaphore(%dma_wait3A_899 : memref<!tpu.dma_semaphore, #tpu.memory_space<semaphore_mem>>) src(%dma_wait3A_905 : memref<512x1024xf32, #tpu.memory_space<hbm>>) dst(%dma_wait3A_902 : memref<512x1024xf32, #tpu.memory_space<vmem>>)
    %dma_start3A_906 = arith.constant 2 : i32
    %dma_start3A_907 = arith.constant 5 : i32
    %dma_start3A_908 = tpu.memref_slice %arg19[%dma_start3A_907] : memref<8x!tpu.dma_semaphore, #tpu.memory_space<semaphore_mem>> -> memref<1x!tpu.dma_semaphore, #tpu.memory_space<semaphore_mem>>
    %dma_start3A_909 = tpu.memref_squeeze %dma_start3A_908 : memref<1x!tpu.dma_semaphore, #tpu.memory_space<semaphore_mem>> -> memref<!tpu.dma_semaphore, #tpu.memory_space<semaphore_mem>>
    %dma_start3A_910 = arith.constant 2560 : i32
    %dma_start3A_911 = arith.constant 0 : i32
    %dma_start3A_912 = tpu.memref_slice %arg8[%dma_start3A_906, %dma_start3A_910, %dma_start3A_911] : memref<5x4096x1024xf32, #tpu.memory_space<hbm>> -> memref<1x512x1024xf32, #tpu.memory_space<hbm>>
    %dma_start3A_913 = tpu.memref_squeeze %dma_start3A_912 : memref<1x512x1024xf32, #tpu.memory_space<hbm>> -> memref<512x1024xf32, #tpu.memory_space<hbm>>
    %dma_start3A_914 = arith.constant 0 : i32
    %dma_start3A_915 = arith.constant 0 : i32
    %dma_start3A_916 = tpu.memref_slice %arg14[%dma_start3A_914, %dma_start3A_915] : memref<512x1024xf32, #tpu.memory_space<vmem>> -> memref<512x1024xf32, #tpu.memory_space<vmem>>
    tpu.enqueue_dma source(%dma_start3A_916 : memref<512x1024xf32, #tpu.memory_space<vmem>>) target(%dma_start3A_913 : memref<512x1024xf32, #tpu.memory_space<hbm>>) target_semaphore(%dma_start3A_909 : memref<!tpu.dma_semaphore, #tpu.memory_space<semaphore_mem>>)
    %dma_wait3A_917 = arith.constant 2 : i32
    %dma_wait3A_918 = arith.constant 2 : i32
    %dma_wait3A_919 = tpu.memref_slice %arg19[%dma_wait3A_918] : memref<8x!tpu.dma_semaphore, #tpu.memory_space<semaphore_mem>> -> memref<1x!tpu.dma_semaphore, #tpu.memory_space<semaphore_mem>>
    %dma_wait3A_920 = tpu.memref_squeeze %dma_wait3A_919 : memref<1x!tpu.dma_semaphore, #tpu.memory_space<semaphore_mem>> -> memref<!tpu.dma_semaphore, #tpu.memory_space<semaphore_mem>>
    %dma_wait3A_921 = arith.constant 1024 : i32
    %dma_wait3A_922 = arith.constant 0 : i32
    %dma_wait3A_923 = tpu.memref_slice %arg8[%dma_wait3A_917, %dma_wait3A_921, %dma_wait3A_922] : memref<5x4096x1024xf32, #tpu.memory_space<hbm>> -> memref<1x512x1024xf32, #tpu.memory_space<hbm>>
    %dma_wait3A_924 = tpu.memref_squeeze %dma_wait3A_923 : memref<1x512x1024xf32, #tpu.memory_space<hbm>> -> memref<512x1024xf32, #tpu.memory_space<hbm>>
    %dma_wait3A_925 = arith.constant 0 : i32
    %dma_wait3A_926 = arith.constant 0 : i32
    %dma_wait3A_927 = tpu.memref_slice %arg11[%dma_wait3A_925, %dma_wait3A_926] : memref<512x1024xf32, #tpu.memory_space<vmem>> -> memref<512x1024xf32, #tpu.memory_space<vmem>>
    tpu.wait_dma2 semaphore(%dma_wait3A_920 : memref<!tpu.dma_semaphore, #tpu.memory_space<semaphore_mem>>) src(%dma_wait3A_927 : memref<512x1024xf32, #tpu.memory_space<vmem>>) dst(%dma_wait3A_924 : memref<512x1024xf32, #tpu.memory_space<hbm>>)
    %dma_start3A_928 = arith.constant 2 : i32
    %dma_start3A_929 = tpu.memref_slice %arg18[%dma_start3A_928] : memref<8x!tpu.dma_semaphore, #tpu.memory_space<semaphore_mem>> -> memref<1x!tpu.dma_semaphore, #tpu.memory_space<semaphore_mem>>
    %dma_start3A_930 = tpu.memref_squeeze %dma_start3A_929 : memref<1x!tpu.dma_semaphore, #tpu.memory_space<semaphore_mem>> -> memref<!tpu.dma_semaphore, #tpu.memory_space<semaphore_mem>>
    %dma_start3A_931 = arith.constant 0 : i32
    %dma_start3A_932 = arith.constant 0 : i32
    %dma_start3A_933 = tpu.memref_slice %arg11[%dma_start3A_931, %dma_start3A_932] : memref<512x1024xf32, #tpu.memory_space<vmem>> -> memref<512x1024xf32, #tpu.memory_space<vmem>>
    %dma_start3A_934 = arith.constant 1024 : i32
    %dma_start3A_935 = arith.constant 0 : i32
    %dma_start3A_936 = tpu.memref_slice %arg3[%dma_start3A_934, %dma_start3A_935] : memref<2560x1024xf32, #tpu.memory_space<hbm>> -> memref<512x1024xf32, #tpu.memory_space<hbm>>
    tpu.enqueue_dma source(%dma_start3A_936 : memref<512x1024xf32, #tpu.memory_space<hbm>>) target(%dma_start3A_933 : memref<512x1024xf32, #tpu.memory_space<vmem>>) target_semaphore(%dma_start3A_930 : memref<!tpu.dma_semaphore, #tpu.memory_space<semaphore_mem>>)
    %dma_wait3A_937 = arith.constant 6 : i32
    %dma_wait3A_938 = tpu.memref_slice %arg18[%dma_wait3A_937] : memref<8x!tpu.dma_semaphore, #tpu.memory_space<semaphore_mem>> -> memref<1x!tpu.dma_semaphore, #tpu.memory_space<semaphore_mem>>
    %dma_wait3A_939 = tpu.memref_squeeze %dma_wait3A_938 : memref<1x!tpu.dma_semaphore, #tpu.memory_space<semaphore_mem>> -> memref<!tpu.dma_semaphore, #tpu.memory_space<semaphore_mem>>
    %dma_wait3A_940 = arith.constant 0 : i32
    %dma_wait3A_941 = arith.constant 0 : i32
    %dma_wait3A_942 = tpu.memref_slice %arg15[%dma_wait3A_940, %dma_wait3A_941] : memref<512x1024xf32, #tpu.memory_space<vmem>> -> memref<512x1024xf32, #tpu.memory_space<vmem>>
    %dma_wait3A_943 = arith.constant 0 : i32
    %dma_wait3A_944 = arith.constant 0 : i32
    %dma_wait3A_945 = tpu.memref_slice %arg6[%dma_wait3A_943, %dma_wait3A_944] : memref<1024x1024xf32, #tpu.memory_space<hbm>> -> memref<512x1024xf32, #tpu.memory_space<hbm>>
    tpu.wait_dma2 semaphore(%dma_wait3A_939 : memref<!tpu.dma_semaphore, #tpu.memory_space<semaphore_mem>>) src(%dma_wait3A_945 : memref<512x1024xf32, #tpu.memory_space<hbm>>) dst(%dma_wait3A_942 : memref<512x1024xf32, #tpu.memory_space<vmem>>)
    %dma_start3A_946 = arith.constant 2 : i32
    %dma_start3A_947 = arith.constant 6 : i32
    %dma_start3A_948 = tpu.memref_slice %arg19[%dma_start3A_947] : memref<8x!tpu.dma_semaphore, #tpu.memory_space<semaphore_mem>> -> memref<1x!tpu.dma_semaphore, #tpu.memory_space<semaphore_mem>>
    %dma_start3A_949 = tpu.memref_squeeze %dma_start3A_948 : memref<1x!tpu.dma_semaphore, #tpu.memory_space<semaphore_mem>> -> memref<!tpu.dma_semaphore, #tpu.memory_space<semaphore_mem>>
    %dma_start3A_950 = arith.constant 3072 : i32
    %dma_start3A_951 = arith.constant 0 : i32
    %dma_start3A_952 = tpu.memref_slice %arg8[%dma_start3A_946, %dma_start3A_950, %dma_start3A_951] : memref<5x4096x1024xf32, #tpu.memory_space<hbm>> -> memref<1x512x1024xf32, #tpu.memory_space<hbm>>
    %dma_start3A_953 = tpu.memref_squeeze %dma_start3A_952 : memref<1x512x1024xf32, #tpu.memory_space<hbm>> -> memref<512x1024xf32, #tpu.memory_space<hbm>>
    %dma_start3A_954 = arith.constant 0 : i32
    %dma_start3A_955 = arith.constant 0 : i32
    %dma_start3A_956 = tpu.memref_slice %arg15[%dma_start3A_954, %dma_start3A_955] : memref<512x1024xf32, #tpu.memory_space<vmem>> -> memref<512x1024xf32, #tpu.memory_space<vmem>>
    tpu.enqueue_dma source(%dma_start3A_956 : memref<512x1024xf32, #tpu.memory_space<vmem>>) target(%dma_start3A_953 : memref<512x1024xf32, #tpu.memory_space<hbm>>) target_semaphore(%dma_start3A_949 : memref<!tpu.dma_semaphore, #tpu.memory_space<semaphore_mem>>)
    %dma_wait3A_957 = arith.constant 2 : i32
    %dma_wait3A_958 = arith.constant 3 : i32
    %dma_wait3A_959 = tpu.memref_slice %arg19[%dma_wait3A_958] : memref<8x!tpu.dma_semaphore, #tpu.memory_space<semaphore_mem>> -> memref<1x!tpu.dma_semaphore, #tpu.memory_space<semaphore_mem>>
    %dma_wait3A_960 = tpu.memref_squeeze %dma_wait3A_959 : memref<1x!tpu.dma_semaphore, #tpu.memory_space<semaphore_mem>> -> memref<!tpu.dma_semaphore, #tpu.memory_space<semaphore_mem>>
    %dma_wait3A_961 = arith.constant 1536 : i32
    %dma_wait3A_962 = arith.constant 0 : i32
    %dma_wait3A_963 = tpu.memref_slice %arg8[%dma_wait3A_957, %dma_wait3A_961, %dma_wait3A_962] : memref<5x4096x1024xf32, #tpu.memory_space<hbm>> -> memref<1x512x1024xf32, #tpu.memory_space<hbm>>
    %dma_wait3A_964 = tpu.memref_squeeze %dma_wait3A_963 : memref<1x512x1024xf32, #tpu.memory_space<hbm>> -> memref<512x1024xf32, #tpu.memory_space<hbm>>
    %dma_wait3A_965 = arith.constant 0 : i32
    %dma_wait3A_966 = arith.constant 0 : i32
    %dma_wait3A_967 = tpu.memref_slice %arg12[%dma_wait3A_965, %dma_wait3A_966] : memref<512x1024xf32, #tpu.memory_space<vmem>> -> memref<512x1024xf32, #tpu.memory_space<vmem>>
    tpu.wait_dma2 semaphore(%dma_wait3A_960 : memref<!tpu.dma_semaphore, #tpu.memory_space<semaphore_mem>>) src(%dma_wait3A_967 : memref<512x1024xf32, #tpu.memory_space<vmem>>) dst(%dma_wait3A_964 : memref<512x1024xf32, #tpu.memory_space<hbm>>)
    %dma_start3A_968 = arith.constant 3 : i32
    %dma_start3A_969 = tpu.memref_slice %arg18[%dma_start3A_968] : memref<8x!tpu.dma_semaphore, #tpu.memory_space<semaphore_mem>> -> memref<1x!tpu.dma_semaphore, #tpu.memory_space<semaphore_mem>>
    %dma_start3A_970 = tpu.memref_squeeze %dma_start3A_969 : memref<1x!tpu.dma_semaphore, #tpu.memory_space<semaphore_mem>> -> memref<!tpu.dma_semaphore, #tpu.memory_space<semaphore_mem>>
    %dma_start3A_971 = arith.constant 0 : i32
    %dma_start3A_972 = arith.constant 0 : i32
    %dma_start3A_973 = tpu.memref_slice %arg12[%dma_start3A_971, %dma_start3A_972] : memref<512x1024xf32, #tpu.memory_space<vmem>> -> memref<512x1024xf32, #tpu.memory_space<vmem>>
    %dma_start3A_974 = arith.constant 1536 : i32
    %dma_start3A_975 = arith.constant 0 : i32
    %dma_start3A_976 = tpu.memref_slice %arg3[%dma_start3A_974, %dma_start3A_975] : memref<2560x1024xf32, #tpu.memory_space<hbm>> -> memref<512x1024xf32, #tpu.memory_space<hbm>>
    tpu.enqueue_dma source(%dma_start3A_976 : memref<512x1024xf32, #tpu.memory_space<hbm>>) target(%dma_start3A_973 : memref<512x1024xf32, #tpu.memory_space<vmem>>) target_semaphore(%dma_start3A_970 : memref<!tpu.dma_semaphore, #tpu.memory_space<semaphore_mem>>)
    %dma_wait3A_977 = arith.constant 7 : i32
    %dma_wait3A_978 = tpu.memref_slice %arg18[%dma_wait3A_977] : memref<8x!tpu.dma_semaphore, #tpu.memory_space<semaphore_mem>> -> memref<1x!tpu.dma_semaphore, #tpu.memory_space<semaphore_mem>>
    %dma_wait3A_979 = tpu.memref_squeeze %dma_wait3A_978 : memref<1x!tpu.dma_semaphore, #tpu.memory_space<semaphore_mem>> -> memref<!tpu.dma_semaphore, #tpu.memory_space<semaphore_mem>>
    %dma_wait3A_980 = arith.constant 0 : i32
    %dma_wait3A_981 = arith.constant 0 : i32
    %dma_wait3A_982 = tpu.memref_slice %arg16[%dma_wait3A_980, %dma_wait3A_981] : memref<512x1024xf32, #tpu.memory_space<vmem>> -> memref<512x1024xf32, #tpu.memory_space<vmem>>
    %dma_wait3A_983 = arith.constant 512 : i32
    %dma_wait3A_984 = arith.constant 0 : i32
    %dma_wait3A_985 = tpu.memref_slice %arg6[%dma_wait3A_983, %dma_wait3A_984] : memref<1024x1024xf32, #tpu.memory_space<hbm>> -> memref<512x1024xf32, #tpu.memory_space<hbm>>
    tpu.wait_dma2 semaphore(%dma_wait3A_979 : memref<!tpu.dma_semaphore, #tpu.memory_space<semaphore_mem>>) src(%dma_wait3A_985 : memref<512x1024xf32, #tpu.memory_space<hbm>>) dst(%dma_wait3A_982 : memref<512x1024xf32, #tpu.memory_space<vmem>>)
    %dma_start3A_986 = arith.constant 2 : i32
    %dma_start3A_987 = arith.constant 7 : i32
    %dma_start3A_988 = tpu.memref_slice %arg19[%dma_start3A_987] : memref<8x!tpu.dma_semaphore, #tpu.memory_space<semaphore_mem>> -> memref<1x!tpu.dma_semaphore, #tpu.memory_space<semaphore_mem>>
    %dma_start3A_989 = tpu.memref_squeeze %dma_start3A_988 : memref<1x!tpu.dma_semaphore, #tpu.memory_space<semaphore_mem>> -> memref<!tpu.dma_semaphore, #tpu.memory_space<semaphore_mem>>
    %dma_start3A_990 = arith.constant 3584 : i32
    %dma_start3A_991 = arith.constant 0 : i32
    %dma_start3A_992 = tpu.memref_slice %arg8[%dma_start3A_986, %dma_start3A_990, %dma_start3A_991] : memref<5x4096x1024xf32, #tpu.memory_space<hbm>> -> memref<1x512x1024xf32, #tpu.memory_space<hbm>>
    %dma_start3A_993 = tpu.memref_squeeze %dma_start3A_992 : memref<1x512x1024xf32, #tpu.memory_space<hbm>> -> memref<512x1024xf32, #tpu.memory_space<hbm>>
    %dma_start3A_994 = arith.constant 0 : i32
    %dma_start3A_995 = arith.constant 0 : i32
    %dma_start3A_996 = tpu.memref_slice %arg16[%dma_start3A_994, %dma_start3A_995] : memref<512x1024xf32, #tpu.memory_space<vmem>> -> memref<512x1024xf32, #tpu.memory_space<vmem>>
    tpu.enqueue_dma source(%dma_start3A_996 : memref<512x1024xf32, #tpu.memory_space<vmem>>) target(%dma_start3A_993 : memref<512x1024xf32, #tpu.memory_space<hbm>>) target_semaphore(%dma_start3A_989 : memref<!tpu.dma_semaphore, #tpu.memory_space<semaphore_mem>>)
    %dma_wait3A_997 = arith.constant 2 : i32
    %dma_wait3A_998 = arith.constant 4 : i32
    %dma_wait3A_999 = tpu.memref_slice %arg19[%dma_wait3A_998] : memref<8x!tpu.dma_semaphore, #tpu.memory_space<semaphore_mem>> -> memref<1x!tpu.dma_semaphore, #tpu.memory_space<semaphore_mem>>
    %dma_wait3A_1000 = tpu.memref_squeeze %dma_wait3A_999 : memref<1x!tpu.dma_semaphore, #tpu.memory_space<semaphore_mem>> -> memref<!tpu.dma_semaphore, #tpu.memory_space<semaphore_mem>>
    %dma_wait3A_1001 = arith.constant 2048 : i32
    %dma_wait3A_1002 = arith.constant 0 : i32
    %dma_wait3A_1003 = tpu.memref_slice %arg8[%dma_wait3A_997, %dma_wait3A_1001, %dma_wait3A_1002] : memref<5x4096x1024xf32, #tpu.memory_space<hbm>> -> memref<1x512x1024xf32, #tpu.memory_space<hbm>>
    %dma_wait3A_1004 = tpu.memref_squeeze %dma_wait3A_1003 : memref<1x512x1024xf32, #tpu.memory_space<hbm>> -> memref<512x1024xf32, #tpu.memory_space<hbm>>
    %dma_wait3A_1005 = arith.constant 0 : i32
    %dma_wait3A_1006 = arith.constant 0 : i32
    %dma_wait3A_1007 = tpu.memref_slice %arg13[%dma_wait3A_1005, %dma_wait3A_1006] : memref<512x1024xf32, #tpu.memory_space<vmem>> -> memref<512x1024xf32, #tpu.memory_space<vmem>>
    tpu.wait_dma2 semaphore(%dma_wait3A_1000 : memref<!tpu.dma_semaphore, #tpu.memory_space<semaphore_mem>>) src(%dma_wait3A_1007 : memref<512x1024xf32, #tpu.memory_space<vmem>>) dst(%dma_wait3A_1004 : memref<512x1024xf32, #tpu.memory_space<hbm>>)
    %dma_start3A_1008 = arith.constant 4 : i32
    %dma_start3A_1009 = tpu.memref_slice %arg18[%dma_start3A_1008] : memref<8x!tpu.dma_semaphore, #tpu.memory_space<semaphore_mem>> -> memref<1x!tpu.dma_semaphore, #tpu.memory_space<semaphore_mem>>
    %dma_start3A_1010 = tpu.memref_squeeze %dma_start3A_1009 : memref<1x!tpu.dma_semaphore, #tpu.memory_space<semaphore_mem>> -> memref<!tpu.dma_semaphore, #tpu.memory_space<semaphore_mem>>
    %dma_start3A_1011 = arith.constant 0 : i32
    %dma_start3A_1012 = arith.constant 0 : i32
    %dma_start3A_1013 = tpu.memref_slice %arg13[%dma_start3A_1011, %dma_start3A_1012] : memref<512x1024xf32, #tpu.memory_space<vmem>> -> memref<512x1024xf32, #tpu.memory_space<vmem>>
    %dma_start3A_1014 = arith.constant 2048 : i32
    %dma_start3A_1015 = arith.constant 0 : i32
    %dma_start3A_1016 = tpu.memref_slice %arg3[%dma_start3A_1014, %dma_start3A_1015] : memref<2560x1024xf32, #tpu.memory_space<hbm>> -> memref<512x1024xf32, #tpu.memory_space<hbm>>
    tpu.enqueue_dma source(%dma_start3A_1016 : memref<512x1024xf32, #tpu.memory_space<hbm>>) target(%dma_start3A_1013 : memref<512x1024xf32, #tpu.memory_space<vmem>>) target_semaphore(%dma_start3A_1010 : memref<!tpu.dma_semaphore, #tpu.memory_space<semaphore_mem>>)
    %dma_wait3A_1017 = arith.constant 0 : i32
    %dma_wait3A_1018 = tpu.memref_slice %arg18[%dma_wait3A_1017] : memref<8x!tpu.dma_semaphore, #tpu.memory_space<semaphore_mem>> -> memref<1x!tpu.dma_semaphore, #tpu.memory_space<semaphore_mem>>
    %dma_wait3A_1019 = tpu.memref_squeeze %dma_wait3A_1018 : memref<1x!tpu.dma_semaphore, #tpu.memory_space<semaphore_mem>> -> memref<!tpu.dma_semaphore, #tpu.memory_space<semaphore_mem>>
    %dma_wait3A_1020 = arith.constant 0 : i32
    %dma_wait3A_1021 = arith.constant 0 : i32
    %dma_wait3A_1022 = tpu.memref_slice %arg9[%dma_wait3A_1020, %dma_wait3A_1021] : memref<512x1024xf32, #tpu.memory_space<vmem>> -> memref<512x1024xf32, #tpu.memory_space<vmem>>
    %dma_wait3A_1023 = arith.constant 0 : i32
    %dma_wait3A_1024 = arith.constant 0 : i32
    %dma_wait3A_1025 = tpu.memref_slice %arg3[%dma_wait3A_1023, %dma_wait3A_1024] : memref<2560x1024xf32, #tpu.memory_space<hbm>> -> memref<512x1024xf32, #tpu.memory_space<hbm>>
    tpu.wait_dma2 semaphore(%dma_wait3A_1019 : memref<!tpu.dma_semaphore, #tpu.memory_space<semaphore_mem>>) src(%dma_wait3A_1025 : memref<512x1024xf32, #tpu.memory_space<hbm>>) dst(%dma_wait3A_1022 : memref<512x1024xf32, #tpu.memory_space<vmem>>)
    %dma_start3A_1026 = arith.constant 3 : i32
    %dma_start3A_1027 = arith.constant 0 : i32
    %dma_start3A_1028 = tpu.memref_slice %arg19[%dma_start3A_1027] : memref<8x!tpu.dma_semaphore, #tpu.memory_space<semaphore_mem>> -> memref<1x!tpu.dma_semaphore, #tpu.memory_space<semaphore_mem>>
    %dma_start3A_1029 = tpu.memref_squeeze %dma_start3A_1028 : memref<1x!tpu.dma_semaphore, #tpu.memory_space<semaphore_mem>> -> memref<!tpu.dma_semaphore, #tpu.memory_space<semaphore_mem>>
    %dma_start3A_1030 = arith.constant 0 : i32
    %dma_start3A_1031 = arith.constant 0 : i32
    %dma_start3A_1032 = tpu.memref_slice %arg8[%dma_start3A_1026, %dma_start3A_1030, %dma_start3A_1031] : memref<5x4096x1024xf32, #tpu.memory_space<hbm>> -> memref<1x512x1024xf32, #tpu.memory_space<hbm>>
    %dma_start3A_1033 = tpu.memref_squeeze %dma_start3A_1032 : memref<1x512x1024xf32, #tpu.memory_space<hbm>> -> memref<512x1024xf32, #tpu.memory_space<hbm>>
    %dma_start3A_1034 = arith.constant 0 : i32
    %dma_start3A_1035 = arith.constant 0 : i32
    %dma_start3A_1036 = tpu.memref_slice %arg9[%dma_start3A_1034, %dma_start3A_1035] : memref<512x1024xf32, #tpu.memory_space<vmem>> -> memref<512x1024xf32, #tpu.memory_space<vmem>>
    tpu.enqueue_dma source(%dma_start3A_1036 : memref<512x1024xf32, #tpu.memory_space<vmem>>) target(%dma_start3A_1033 : memref<512x1024xf32, #tpu.memory_space<hbm>>) target_semaphore(%dma_start3A_1029 : memref<!tpu.dma_semaphore, #tpu.memory_space<semaphore_mem>>)
    %dma_wait3A_1037 = arith.constant 2 : i32
    %dma_wait3A_1038 = arith.constant 5 : i32
    %dma_wait3A_1039 = tpu.memref_slice %arg19[%dma_wait3A_1038] : memref<8x!tpu.dma_semaphore, #tpu.memory_space<semaphore_mem>> -> memref<1x!tpu.dma_semaphore, #tpu.memory_space<semaphore_mem>>
    %dma_wait3A_1040 = tpu.memref_squeeze %dma_wait3A_1039 : memref<1x!tpu.dma_semaphore, #tpu.memory_space<semaphore_mem>> -> memref<!tpu.dma_semaphore, #tpu.memory_space<semaphore_mem>>
    %dma_wait3A_1041 = arith.constant 2560 : i32
    %dma_wait3A_1042 = arith.constant 0 : i32
    %dma_wait3A_1043 = tpu.memref_slice %arg8[%dma_wait3A_1037, %dma_wait3A_1041, %dma_wait3A_1042] : memref<5x4096x1024xf32, #tpu.memory_space<hbm>> -> memref<1x512x1024xf32, #tpu.memory_space<hbm>>
    %dma_wait3A_1044 = tpu.memref_squeeze %dma_wait3A_1043 : memref<1x512x1024xf32, #tpu.memory_space<hbm>> -> memref<512x1024xf32, #tpu.memory_space<hbm>>
    %dma_wait3A_1045 = arith.constant 0 : i32
    %dma_wait3A_1046 = arith.constant 0 : i32
    %dma_wait3A_1047 = tpu.memref_slice %arg14[%dma_wait3A_1045, %dma_wait3A_1046] : memref<512x1024xf32, #tpu.memory_space<vmem>> -> memref<512x1024xf32, #tpu.memory_space<vmem>>
    tpu.wait_dma2 semaphore(%dma_wait3A_1040 : memref<!tpu.dma_semaphore, #tpu.memory_space<semaphore_mem>>) src(%dma_wait3A_1047 : memref<512x1024xf32, #tpu.memory_space<vmem>>) dst(%dma_wait3A_1044 : memref<512x1024xf32, #tpu.memory_space<hbm>>)
    %dma_start3A_1048 = arith.constant 5 : i32
    %dma_start3A_1049 = tpu.memref_slice %arg18[%dma_start3A_1048] : memref<8x!tpu.dma_semaphore, #tpu.memory_space<semaphore_mem>> -> memref<1x!tpu.dma_semaphore, #tpu.memory_space<semaphore_mem>>
    %dma_start3A_1050 = tpu.memref_squeeze %dma_start3A_1049 : memref<1x!tpu.dma_semaphore, #tpu.memory_space<semaphore_mem>> -> memref<!tpu.dma_semaphore, #tpu.memory_space<semaphore_mem>>
    %dma_start3A_1051 = arith.constant 0 : i32
    %dma_start3A_1052 = arith.constant 0 : i32
    %dma_start3A_1053 = tpu.memref_slice %arg14[%dma_start3A_1051, %dma_start3A_1052] : memref<512x1024xf32, #tpu.memory_space<vmem>> -> memref<512x1024xf32, #tpu.memory_space<vmem>>
    %dma_start3A_1054 = arith.constant 0 : i32
    %dma_start3A_1055 = arith.constant 0 : i32
    %dma_start3A_1056 = tpu.memref_slice %arg5[%dma_start3A_1054, %dma_start3A_1055] : memref<1536x1024xf32, #tpu.memory_space<hbm>> -> memref<512x1024xf32, #tpu.memory_space<hbm>>
    tpu.enqueue_dma source(%dma_start3A_1056 : memref<512x1024xf32, #tpu.memory_space<hbm>>) target(%dma_start3A_1053 : memref<512x1024xf32, #tpu.memory_space<vmem>>) target_semaphore(%dma_start3A_1050 : memref<!tpu.dma_semaphore, #tpu.memory_space<semaphore_mem>>)
    %dma_wait3A_1057 = arith.constant 1 : i32
    %dma_wait3A_1058 = tpu.memref_slice %arg18[%dma_wait3A_1057] : memref<8x!tpu.dma_semaphore, #tpu.memory_space<semaphore_mem>> -> memref<1x!tpu.dma_semaphore, #tpu.memory_space<semaphore_mem>>
    %dma_wait3A_1059 = tpu.memref_squeeze %dma_wait3A_1058 : memref<1x!tpu.dma_semaphore, #tpu.memory_space<semaphore_mem>> -> memref<!tpu.dma_semaphore, #tpu.memory_space<semaphore_mem>>
    %dma_wait3A_1060 = arith.constant 0 : i32
    %dma_wait3A_1061 = arith.constant 0 : i32
    %dma_wait3A_1062 = tpu.memref_slice %arg10[%dma_wait3A_1060, %dma_wait3A_1061] : memref<512x1024xf32, #tpu.memory_space<vmem>> -> memref<512x1024xf32, #tpu.memory_space<vmem>>
    %dma_wait3A_1063 = arith.constant 512 : i32
    %dma_wait3A_1064 = arith.constant 0 : i32
    %dma_wait3A_1065 = tpu.memref_slice %arg3[%dma_wait3A_1063, %dma_wait3A_1064] : memref<2560x1024xf32, #tpu.memory_space<hbm>> -> memref<512x1024xf32, #tpu.memory_space<hbm>>
    tpu.wait_dma2 semaphore(%dma_wait3A_1059 : memref<!tpu.dma_semaphore, #tpu.memory_space<semaphore_mem>>) src(%dma_wait3A_1065 : memref<512x1024xf32, #tpu.memory_space<hbm>>) dst(%dma_wait3A_1062 : memref<512x1024xf32, #tpu.memory_space<vmem>>)
    %dma_start3A_1066 = arith.constant 3 : i32
    %dma_start3A_1067 = arith.constant 1 : i32
    %dma_start3A_1068 = tpu.memref_slice %arg19[%dma_start3A_1067] : memref<8x!tpu.dma_semaphore, #tpu.memory_space<semaphore_mem>> -> memref<1x!tpu.dma_semaphore, #tpu.memory_space<semaphore_mem>>
    %dma_start3A_1069 = tpu.memref_squeeze %dma_start3A_1068 : memref<1x!tpu.dma_semaphore, #tpu.memory_space<semaphore_mem>> -> memref<!tpu.dma_semaphore, #tpu.memory_space<semaphore_mem>>
    %dma_start3A_1070 = arith.constant 512 : i32
    %dma_start3A_1071 = arith.constant 0 : i32
    %dma_start3A_1072 = tpu.memref_slice %arg8[%dma_start3A_1066, %dma_start3A_1070, %dma_start3A_1071] : memref<5x4096x1024xf32, #tpu.memory_space<hbm>> -> memref<1x512x1024xf32, #tpu.memory_space<hbm>>
    %dma_start3A_1073 = tpu.memref_squeeze %dma_start3A_1072 : memref<1x512x1024xf32, #tpu.memory_space<hbm>> -> memref<512x1024xf32, #tpu.memory_space<hbm>>
    %dma_start3A_1074 = arith.constant 0 : i32
    %dma_start3A_1075 = arith.constant 0 : i32
    %dma_start3A_1076 = tpu.memref_slice %arg10[%dma_start3A_1074, %dma_start3A_1075] : memref<512x1024xf32, #tpu.memory_space<vmem>> -> memref<512x1024xf32, #tpu.memory_space<vmem>>
    tpu.enqueue_dma source(%dma_start3A_1076 : memref<512x1024xf32, #tpu.memory_space<vmem>>) target(%dma_start3A_1073 : memref<512x1024xf32, #tpu.memory_space<hbm>>) target_semaphore(%dma_start3A_1069 : memref<!tpu.dma_semaphore, #tpu.memory_space<semaphore_mem>>)
    %dma_wait3A_1077 = arith.constant 2 : i32
    %dma_wait3A_1078 = arith.constant 6 : i32
    %dma_wait3A_1079 = tpu.memref_slice %arg19[%dma_wait3A_1078] : memref<8x!tpu.dma_semaphore, #tpu.memory_space<semaphore_mem>> -> memref<1x!tpu.dma_semaphore, #tpu.memory_space<semaphore_mem>>
    %dma_wait3A_1080 = tpu.memref_squeeze %dma_wait3A_1079 : memref<1x!tpu.dma_semaphore, #tpu.memory_space<semaphore_mem>> -> memref<!tpu.dma_semaphore, #tpu.memory_space<semaphore_mem>>
    %dma_wait3A_1081 = arith.constant 3072 : i32
    %dma_wait3A_1082 = arith.constant 0 : i32
    %dma_wait3A_1083 = tpu.memref_slice %arg8[%dma_wait3A_1077, %dma_wait3A_1081, %dma_wait3A_1082] : memref<5x4096x1024xf32, #tpu.memory_space<hbm>> -> memref<1x512x1024xf32, #tpu.memory_space<hbm>>
    %dma_wait3A_1084 = tpu.memref_squeeze %dma_wait3A_1083 : memref<1x512x1024xf32, #tpu.memory_space<hbm>> -> memref<512x1024xf32, #tpu.memory_space<hbm>>
    %dma_wait3A_1085 = arith.constant 0 : i32
    %dma_wait3A_1086 = arith.constant 0 : i32
    %dma_wait3A_1087 = tpu.memref_slice %arg15[%dma_wait3A_1085, %dma_wait3A_1086] : memref<512x1024xf32, #tpu.memory_space<vmem>> -> memref<512x1024xf32, #tpu.memory_space<vmem>>
    tpu.wait_dma2 semaphore(%dma_wait3A_1080 : memref<!tpu.dma_semaphore, #tpu.memory_space<semaphore_mem>>) src(%dma_wait3A_1087 : memref<512x1024xf32, #tpu.memory_space<vmem>>) dst(%dma_wait3A_1084 : memref<512x1024xf32, #tpu.memory_space<hbm>>)
    %dma_start3A_1088 = arith.constant 6 : i32
    %dma_start3A_1089 = tpu.memref_slice %arg18[%dma_start3A_1088] : memref<8x!tpu.dma_semaphore, #tpu.memory_space<semaphore_mem>> -> memref<1x!tpu.dma_semaphore, #tpu.memory_space<semaphore_mem>>
    %dma_start3A_1090 = tpu.memref_squeeze %dma_start3A_1089 : memref<1x!tpu.dma_semaphore, #tpu.memory_space<semaphore_mem>> -> memref<!tpu.dma_semaphore, #tpu.memory_space<semaphore_mem>>
    %dma_start3A_1091 = arith.constant 0 : i32
    %dma_start3A_1092 = arith.constant 0 : i32
    %dma_start3A_1093 = tpu.memref_slice %arg15[%dma_start3A_1091, %dma_start3A_1092] : memref<512x1024xf32, #tpu.memory_space<vmem>> -> memref<512x1024xf32, #tpu.memory_space<vmem>>
    %dma_start3A_1094 = arith.constant 512 : i32
    %dma_start3A_1095 = arith.constant 0 : i32
    %dma_start3A_1096 = tpu.memref_slice %arg5[%dma_start3A_1094, %dma_start3A_1095] : memref<1536x1024xf32, #tpu.memory_space<hbm>> -> memref<512x1024xf32, #tpu.memory_space<hbm>>
    tpu.enqueue_dma source(%dma_start3A_1096 : memref<512x1024xf32, #tpu.memory_space<hbm>>) target(%dma_start3A_1093 : memref<512x1024xf32, #tpu.memory_space<vmem>>) target_semaphore(%dma_start3A_1090 : memref<!tpu.dma_semaphore, #tpu.memory_space<semaphore_mem>>)
    %dma_wait3A_1097 = arith.constant 2 : i32
    %dma_wait3A_1098 = tpu.memref_slice %arg18[%dma_wait3A_1097] : memref<8x!tpu.dma_semaphore, #tpu.memory_space<semaphore_mem>> -> memref<1x!tpu.dma_semaphore, #tpu.memory_space<semaphore_mem>>
    %dma_wait3A_1099 = tpu.memref_squeeze %dma_wait3A_1098 : memref<1x!tpu.dma_semaphore, #tpu.memory_space<semaphore_mem>> -> memref<!tpu.dma_semaphore, #tpu.memory_space<semaphore_mem>>
    %dma_wait3A_1100 = arith.constant 0 : i32
    %dma_wait3A_1101 = arith.constant 0 : i32
    %dma_wait3A_1102 = tpu.memref_slice %arg11[%dma_wait3A_1100, %dma_wait3A_1101] : memref<512x1024xf32, #tpu.memory_space<vmem>> -> memref<512x1024xf32, #tpu.memory_space<vmem>>
    %dma_wait3A_1103 = arith.constant 1024 : i32
    %dma_wait3A_1104 = arith.constant 0 : i32
    %dma_wait3A_1105 = tpu.memref_slice %arg3[%dma_wait3A_1103, %dma_wait3A_1104] : memref<2560x1024xf32, #tpu.memory_space<hbm>> -> memref<512x1024xf32, #tpu.memory_space<hbm>>
    tpu.wait_dma2 semaphore(%dma_wait3A_1099 : memref<!tpu.dma_semaphore, #tpu.memory_space<semaphore_mem>>) src(%dma_wait3A_1105 : memref<512x1024xf32, #tpu.memory_space<hbm>>) dst(%dma_wait3A_1102 : memref<512x1024xf32, #tpu.memory_space<vmem>>)
    %dma_start3A_1106 = arith.constant 3 : i32
    %dma_start3A_1107 = arith.constant 2 : i32
    %dma_start3A_1108 = tpu.memref_slice %arg19[%dma_start3A_1107] : memref<8x!tpu.dma_semaphore, #tpu.memory_space<semaphore_mem>> -> memref<1x!tpu.dma_semaphore, #tpu.memory_space<semaphore_mem>>
    %dma_start3A_1109 = tpu.memref_squeeze %dma_start3A_1108 : memref<1x!tpu.dma_semaphore, #tpu.memory_space<semaphore_mem>> -> memref<!tpu.dma_semaphore, #tpu.memory_space<semaphore_mem>>
    %dma_start3A_1110 = arith.constant 1024 : i32
    %dma_start3A_1111 = arith.constant 0 : i32
    %dma_start3A_1112 = tpu.memref_slice %arg8[%dma_start3A_1106, %dma_start3A_1110, %dma_start3A_1111] : memref<5x4096x1024xf32, #tpu.memory_space<hbm>> -> memref<1x512x1024xf32, #tpu.memory_space<hbm>>
    %dma_start3A_1113 = tpu.memref_squeeze %dma_start3A_1112 : memref<1x512x1024xf32, #tpu.memory_space<hbm>> -> memref<512x1024xf32, #tpu.memory_space<hbm>>
    %dma_start3A_1114 = arith.constant 0 : i32
    %dma_start3A_1115 = arith.constant 0 : i32
    %dma_start3A_1116 = tpu.memref_slice %arg11[%dma_start3A_1114, %dma_start3A_1115] : memref<512x1024xf32, #tpu.memory_space<vmem>> -> memref<512x1024xf32, #tpu.memory_space<vmem>>
    tpu.enqueue_dma source(%dma_start3A_1116 : memref<512x1024xf32, #tpu.memory_space<vmem>>) target(%dma_start3A_1113 : memref<512x1024xf32, #tpu.memory_space<hbm>>) target_semaphore(%dma_start3A_1109 : memref<!tpu.dma_semaphore, #tpu.memory_space<semaphore_mem>>)
    %dma_wait3A_1117 = arith.constant 2 : i32
    %dma_wait3A_1118 = arith.constant 7 : i32
    %dma_wait3A_1119 = tpu.memref_slice %arg19[%dma_wait3A_1118] : memref<8x!tpu.dma_semaphore, #tpu.memory_space<semaphore_mem>> -> memref<1x!tpu.dma_semaphore, #tpu.memory_space<semaphore_mem>>
    %dma_wait3A_1120 = tpu.memref_squeeze %dma_wait3A_1119 : memref<1x!tpu.dma_semaphore, #tpu.memory_space<semaphore_mem>> -> memref<!tpu.dma_semaphore, #tpu.memory_space<semaphore_mem>>
    %dma_wait3A_1121 = arith.constant 3584 : i32
    %dma_wait3A_1122 = arith.constant 0 : i32
    %dma_wait3A_1123 = tpu.memref_slice %arg8[%dma_wait3A_1117, %dma_wait3A_1121, %dma_wait3A_1122] : memref<5x4096x1024xf32, #tpu.memory_space<hbm>> -> memref<1x512x1024xf32, #tpu.memory_space<hbm>>
    %dma_wait3A_1124 = tpu.memref_squeeze %dma_wait3A_1123 : memref<1x512x1024xf32, #tpu.memory_space<hbm>> -> memref<512x1024xf32, #tpu.memory_space<hbm>>
    %dma_wait3A_1125 = arith.constant 0 : i32
    %dma_wait3A_1126 = arith.constant 0 : i32
    %dma_wait3A_1127 = tpu.memref_slice %arg16[%dma_wait3A_1125, %dma_wait3A_1126] : memref<512x1024xf32, #tpu.memory_space<vmem>> -> memref<512x1024xf32, #tpu.memory_space<vmem>>
    tpu.wait_dma2 semaphore(%dma_wait3A_1120 : memref<!tpu.dma_semaphore, #tpu.memory_space<semaphore_mem>>) src(%dma_wait3A_1127 : memref<512x1024xf32, #tpu.memory_space<vmem>>) dst(%dma_wait3A_1124 : memref<512x1024xf32, #tpu.memory_space<hbm>>)
    %dma_start3A_1128 = arith.constant 7 : i32
    %dma_start3A_1129 = tpu.memref_slice %arg18[%dma_start3A_1128] : memref<8x!tpu.dma_semaphore, #tpu.memory_space<semaphore_mem>> -> memref<1x!tpu.dma_semaphore, #tpu.memory_space<semaphore_mem>>
    %dma_start3A_1130 = tpu.memref_squeeze %dma_start3A_1129 : memref<1x!tpu.dma_semaphore, #tpu.memory_space<semaphore_mem>> -> memref<!tpu.dma_semaphore, #tpu.memory_space<semaphore_mem>>
    %dma_start3A_1131 = arith.constant 0 : i32
    %dma_start3A_1132 = arith.constant 0 : i32
    %dma_start3A_1133 = tpu.memref_slice %arg16[%dma_start3A_1131, %dma_start3A_1132] : memref<512x1024xf32, #tpu.memory_space<vmem>> -> memref<512x1024xf32, #tpu.memory_space<vmem>>
    %dma_start3A_1134 = arith.constant 1024 : i32
    %dma_start3A_1135 = arith.constant 0 : i32
    %dma_start3A_1136 = tpu.memref_slice %arg5[%dma_start3A_1134, %dma_start3A_1135] : memref<1536x1024xf32, #tpu.memory_space<hbm>> -> memref<512x1024xf32, #tpu.memory_space<hbm>>
    tpu.enqueue_dma source(%dma_start3A_1136 : memref<512x1024xf32, #tpu.memory_space<hbm>>) target(%dma_start3A_1133 : memref<512x1024xf32, #tpu.memory_space<vmem>>) target_semaphore(%dma_start3A_1130 : memref<!tpu.dma_semaphore, #tpu.memory_space<semaphore_mem>>)
    %dma_wait3A_1137 = arith.constant 3 : i32
    %dma_wait3A_1138 = tpu.memref_slice %arg18[%dma_wait3A_1137] : memref<8x!tpu.dma_semaphore, #tpu.memory_space<semaphore_mem>> -> memref<1x!tpu.dma_semaphore, #tpu.memory_space<semaphore_mem>>
    %dma_wait3A_1139 = tpu.memref_squeeze %dma_wait3A_1138 : memref<1x!tpu.dma_semaphore, #tpu.memory_space<semaphore_mem>> -> memref<!tpu.dma_semaphore, #tpu.memory_space<semaphore_mem>>
    %dma_wait3A_1140 = arith.constant 0 : i32
    %dma_wait3A_1141 = arith.constant 0 : i32
    %dma_wait3A_1142 = tpu.memref_slice %arg12[%dma_wait3A_1140, %dma_wait3A_1141] : memref<512x1024xf32, #tpu.memory_space<vmem>> -> memref<512x1024xf32, #tpu.memory_space<vmem>>
    %dma_wait3A_1143 = arith.constant 1536 : i32
    %dma_wait3A_1144 = arith.constant 0 : i32
    %dma_wait3A_1145 = tpu.memref_slice %arg3[%dma_wait3A_1143, %dma_wait3A_1144] : memref<2560x1024xf32, #tpu.memory_space<hbm>> -> memref<512x1024xf32, #tpu.memory_space<hbm>>
    tpu.wait_dma2 semaphore(%dma_wait3A_1139 : memref<!tpu.dma_semaphore, #tpu.memory_space<semaphore_mem>>) src(%dma_wait3A_1145 : memref<512x1024xf32, #tpu.memory_space<hbm>>) dst(%dma_wait3A_1142 : memref<512x1024xf32, #tpu.memory_space<vmem>>)
    %dma_start3A_1146 = arith.constant 3 : i32
    %dma_start3A_1147 = arith.constant 3 : i32
    %dma_start3A_1148 = tpu.memref_slice %arg19[%dma_start3A_1147] : memref<8x!tpu.dma_semaphore, #tpu.memory_space<semaphore_mem>> -> memref<1x!tpu.dma_semaphore, #tpu.memory_space<semaphore_mem>>
    %dma_start3A_1149 = tpu.memref_squeeze %dma_start3A_1148 : memref<1x!tpu.dma_semaphore, #tpu.memory_space<semaphore_mem>> -> memref<!tpu.dma_semaphore, #tpu.memory_space<semaphore_mem>>
    %dma_start3A_1150 = arith.constant 1536 : i32
    %dma_start3A_1151 = arith.constant 0 : i32
    %dma_start3A_1152 = tpu.memref_slice %arg8[%dma_start3A_1146, %dma_start3A_1150, %dma_start3A_1151] : memref<5x4096x1024xf32, #tpu.memory_space<hbm>> -> memref<1x512x1024xf32, #tpu.memory_space<hbm>>
    %dma_start3A_1153 = tpu.memref_squeeze %dma_start3A_1152 : memref<1x512x1024xf32, #tpu.memory_space<hbm>> -> memref<512x1024xf32, #tpu.memory_space<hbm>>
    %dma_start3A_1154 = arith.constant 0 : i32
    %dma_start3A_1155 = arith.constant 0 : i32
    %dma_start3A_1156 = tpu.memref_slice %arg12[%dma_start3A_1154, %dma_start3A_1155] : memref<512x1024xf32, #tpu.memory_space<vmem>> -> memref<512x1024xf32, #tpu.memory_space<vmem>>
    tpu.enqueue_dma source(%dma_start3A_1156 : memref<512x1024xf32, #tpu.memory_space<vmem>>) target(%dma_start3A_1153 : memref<512x1024xf32, #tpu.memory_space<hbm>>) target_semaphore(%dma_start3A_1149 : memref<!tpu.dma_semaphore, #tpu.memory_space<semaphore_mem>>)
    %dma_wait3A_1157 = arith.constant 3 : i32
    %dma_wait3A_1158 = arith.constant 0 : i32
    %dma_wait3A_1159 = tpu.memref_slice %arg19[%dma_wait3A_1158] : memref<8x!tpu.dma_semaphore, #tpu.memory_space<semaphore_mem>> -> memref<1x!tpu.dma_semaphore, #tpu.memory_space<semaphore_mem>>
    %dma_wait3A_1160 = tpu.memref_squeeze %dma_wait3A_1159 : memref<1x!tpu.dma_semaphore, #tpu.memory_space<semaphore_mem>> -> memref<!tpu.dma_semaphore, #tpu.memory_space<semaphore_mem>>
    %dma_wait3A_1161 = arith.constant 0 : i32
    %dma_wait3A_1162 = arith.constant 0 : i32
    %dma_wait3A_1163 = tpu.memref_slice %arg8[%dma_wait3A_1157, %dma_wait3A_1161, %dma_wait3A_1162] : memref<5x4096x1024xf32, #tpu.memory_space<hbm>> -> memref<1x512x1024xf32, #tpu.memory_space<hbm>>
    %dma_wait3A_1164 = tpu.memref_squeeze %dma_wait3A_1163 : memref<1x512x1024xf32, #tpu.memory_space<hbm>> -> memref<512x1024xf32, #tpu.memory_space<hbm>>
    %dma_wait3A_1165 = arith.constant 0 : i32
    %dma_wait3A_1166 = arith.constant 0 : i32
    %dma_wait3A_1167 = tpu.memref_slice %arg9[%dma_wait3A_1165, %dma_wait3A_1166] : memref<512x1024xf32, #tpu.memory_space<vmem>> -> memref<512x1024xf32, #tpu.memory_space<vmem>>
    tpu.wait_dma2 semaphore(%dma_wait3A_1160 : memref<!tpu.dma_semaphore, #tpu.memory_space<semaphore_mem>>) src(%dma_wait3A_1167 : memref<512x1024xf32, #tpu.memory_space<vmem>>) dst(%dma_wait3A_1164 : memref<512x1024xf32, #tpu.memory_space<hbm>>)
    %dma_start3A_1168 = arith.constant 0 : i32
    %dma_start3A_1169 = tpu.memref_slice %arg18[%dma_start3A_1168] : memref<8x!tpu.dma_semaphore, #tpu.memory_space<semaphore_mem>> -> memref<1x!tpu.dma_semaphore, #tpu.memory_space<semaphore_mem>>
    %dma_start3A_1170 = tpu.memref_squeeze %dma_start3A_1169 : memref<1x!tpu.dma_semaphore, #tpu.memory_space<semaphore_mem>> -> memref<!tpu.dma_semaphore, #tpu.memory_space<semaphore_mem>>
    %dma_start3A_1171 = arith.constant 0 : i32
    %dma_start3A_1172 = arith.constant 0 : i32
    %dma_start3A_1173 = tpu.memref_slice %arg9[%dma_start3A_1171, %dma_start3A_1172] : memref<512x1024xf32, #tpu.memory_space<vmem>> -> memref<512x1024xf32, #tpu.memory_space<vmem>>
    %dma_start3A_1174 = arith.constant 0 : i32
    %dma_start3A_1175 = arith.constant 0 : i32
    %dma_start3A_1176 = tpu.memref_slice %arg4[%dma_start3A_1174, %dma_start3A_1175] : memref<2048x1024xf32, #tpu.memory_space<hbm>> -> memref<512x1024xf32, #tpu.memory_space<hbm>>
    tpu.enqueue_dma source(%dma_start3A_1176 : memref<512x1024xf32, #tpu.memory_space<hbm>>) target(%dma_start3A_1173 : memref<512x1024xf32, #tpu.memory_space<vmem>>) target_semaphore(%dma_start3A_1170 : memref<!tpu.dma_semaphore, #tpu.memory_space<semaphore_mem>>)
    %dma_wait3A_1177 = arith.constant 4 : i32
    %dma_wait3A_1178 = tpu.memref_slice %arg18[%dma_wait3A_1177] : memref<8x!tpu.dma_semaphore, #tpu.memory_space<semaphore_mem>> -> memref<1x!tpu.dma_semaphore, #tpu.memory_space<semaphore_mem>>
    %dma_wait3A_1179 = tpu.memref_squeeze %dma_wait3A_1178 : memref<1x!tpu.dma_semaphore, #tpu.memory_space<semaphore_mem>> -> memref<!tpu.dma_semaphore, #tpu.memory_space<semaphore_mem>>
    %dma_wait3A_1180 = arith.constant 0 : i32
    %dma_wait3A_1181 = arith.constant 0 : i32
    %dma_wait3A_1182 = tpu.memref_slice %arg13[%dma_wait3A_1180, %dma_wait3A_1181] : memref<512x1024xf32, #tpu.memory_space<vmem>> -> memref<512x1024xf32, #tpu.memory_space<vmem>>
    %dma_wait3A_1183 = arith.constant 2048 : i32
    %dma_wait3A_1184 = arith.constant 0 : i32
    %dma_wait3A_1185 = tpu.memref_slice %arg3[%dma_wait3A_1183, %dma_wait3A_1184] : memref<2560x1024xf32, #tpu.memory_space<hbm>> -> memref<512x1024xf32, #tpu.memory_space<hbm>>
    tpu.wait_dma2 semaphore(%dma_wait3A_1179 : memref<!tpu.dma_semaphore, #tpu.memory_space<semaphore_mem>>) src(%dma_wait3A_1185 : memref<512x1024xf32, #tpu.memory_space<hbm>>) dst(%dma_wait3A_1182 : memref<512x1024xf32, #tpu.memory_space<vmem>>)
    %dma_start3A_1186 = arith.constant 3 : i32
    %dma_start3A_1187 = arith.constant 4 : i32
    %dma_start3A_1188 = tpu.memref_slice %arg19[%dma_start3A_1187] : memref<8x!tpu.dma_semaphore, #tpu.memory_space<semaphore_mem>> -> memref<1x!tpu.dma_semaphore, #tpu.memory_space<semaphore_mem>>
    %dma_start3A_1189 = tpu.memref_squeeze %dma_start3A_1188 : memref<1x!tpu.dma_semaphore, #tpu.memory_space<semaphore_mem>> -> memref<!tpu.dma_semaphore, #tpu.memory_space<semaphore_mem>>
    %dma_start3A_1190 = arith.constant 2048 : i32
    %dma_start3A_1191 = arith.constant 0 : i32
    %dma_start3A_1192 = tpu.memref_slice %arg8[%dma_start3A_1186, %dma_start3A_1190, %dma_start3A_1191] : memref<5x4096x1024xf32, #tpu.memory_space<hbm>> -> memref<1x512x1024xf32, #tpu.memory_space<hbm>>
    %dma_start3A_1193 = tpu.memref_squeeze %dma_start3A_1192 : memref<1x512x1024xf32, #tpu.memory_space<hbm>> -> memref<512x1024xf32, #tpu.memory_space<hbm>>
    %dma_start3A_1194 = arith.constant 0 : i32
    %dma_start3A_1195 = arith.constant 0 : i32
    %dma_start3A_1196 = tpu.memref_slice %arg13[%dma_start3A_1194, %dma_start3A_1195] : memref<512x1024xf32, #tpu.memory_space<vmem>> -> memref<512x1024xf32, #tpu.memory_space<vmem>>
    tpu.enqueue_dma source(%dma_start3A_1196 : memref<512x1024xf32, #tpu.memory_space<vmem>>) target(%dma_start3A_1193 : memref<512x1024xf32, #tpu.memory_space<hbm>>) target_semaphore(%dma_start3A_1189 : memref<!tpu.dma_semaphore, #tpu.memory_space<semaphore_mem>>)
    %dma_wait3A_1197 = arith.constant 3 : i32
    %dma_wait3A_1198 = arith.constant 1 : i32
    %dma_wait3A_1199 = tpu.memref_slice %arg19[%dma_wait3A_1198] : memref<8x!tpu.dma_semaphore, #tpu.memory_space<semaphore_mem>> -> memref<1x!tpu.dma_semaphore, #tpu.memory_space<semaphore_mem>>
    %dma_wait3A_1200 = tpu.memref_squeeze %dma_wait3A_1199 : memref<1x!tpu.dma_semaphore, #tpu.memory_space<semaphore_mem>> -> memref<!tpu.dma_semaphore, #tpu.memory_space<semaphore_mem>>
    %dma_wait3A_1201 = arith.constant 512 : i32
    %dma_wait3A_1202 = arith.constant 0 : i32
    %dma_wait3A_1203 = tpu.memref_slice %arg8[%dma_wait3A_1197, %dma_wait3A_1201, %dma_wait3A_1202] : memref<5x4096x1024xf32, #tpu.memory_space<hbm>> -> memref<1x512x1024xf32, #tpu.memory_space<hbm>>
    %dma_wait3A_1204 = tpu.memref_squeeze %dma_wait3A_1203 : memref<1x512x1024xf32, #tpu.memory_space<hbm>> -> memref<512x1024xf32, #tpu.memory_space<hbm>>
    %dma_wait3A_1205 = arith.constant 0 : i32
    %dma_wait3A_1206 = arith.constant 0 : i32
    %dma_wait3A_1207 = tpu.memref_slice %arg10[%dma_wait3A_1205, %dma_wait3A_1206] : memref<512x1024xf32, #tpu.memory_space<vmem>> -> memref<512x1024xf32, #tpu.memory_space<vmem>>
    tpu.wait_dma2 semaphore(%dma_wait3A_1200 : memref<!tpu.dma_semaphore, #tpu.memory_space<semaphore_mem>>) src(%dma_wait3A_1207 : memref<512x1024xf32, #tpu.memory_space<vmem>>) dst(%dma_wait3A_1204 : memref<512x1024xf32, #tpu.memory_space<hbm>>)
    %dma_start3A_1208 = arith.constant 1 : i32
    %dma_start3A_1209 = tpu.memref_slice %arg18[%dma_start3A_1208] : memref<8x!tpu.dma_semaphore, #tpu.memory_space<semaphore_mem>> -> memref<1x!tpu.dma_semaphore, #tpu.memory_space<semaphore_mem>>
    %dma_start3A_1210 = tpu.memref_squeeze %dma_start3A_1209 : memref<1x!tpu.dma_semaphore, #tpu.memory_space<semaphore_mem>> -> memref<!tpu.dma_semaphore, #tpu.memory_space<semaphore_mem>>
    %dma_start3A_1211 = arith.constant 0 : i32
    %dma_start3A_1212 = arith.constant 0 : i32
    %dma_start3A_1213 = tpu.memref_slice %arg10[%dma_start3A_1211, %dma_start3A_1212] : memref<512x1024xf32, #tpu.memory_space<vmem>> -> memref<512x1024xf32, #tpu.memory_space<vmem>>
    %dma_start3A_1214 = arith.constant 512 : i32
    %dma_start3A_1215 = arith.constant 0 : i32
    %dma_start3A_1216 = tpu.memref_slice %arg4[%dma_start3A_1214, %dma_start3A_1215] : memref<2048x1024xf32, #tpu.memory_space<hbm>> -> memref<512x1024xf32, #tpu.memory_space<hbm>>
    tpu.enqueue_dma source(%dma_start3A_1216 : memref<512x1024xf32, #tpu.memory_space<hbm>>) target(%dma_start3A_1213 : memref<512x1024xf32, #tpu.memory_space<vmem>>) target_semaphore(%dma_start3A_1210 : memref<!tpu.dma_semaphore, #tpu.memory_space<semaphore_mem>>)
    %dma_wait3A_1217 = arith.constant 5 : i32
    %dma_wait3A_1218 = tpu.memref_slice %arg18[%dma_wait3A_1217] : memref<8x!tpu.dma_semaphore, #tpu.memory_space<semaphore_mem>> -> memref<1x!tpu.dma_semaphore, #tpu.memory_space<semaphore_mem>>
    %dma_wait3A_1219 = tpu.memref_squeeze %dma_wait3A_1218 : memref<1x!tpu.dma_semaphore, #tpu.memory_space<semaphore_mem>> -> memref<!tpu.dma_semaphore, #tpu.memory_space<semaphore_mem>>
    %dma_wait3A_1220 = arith.constant 0 : i32
    %dma_wait3A_1221 = arith.constant 0 : i32
    %dma_wait3A_1222 = tpu.memref_slice %arg14[%dma_wait3A_1220, %dma_wait3A_1221] : memref<512x1024xf32, #tpu.memory_space<vmem>> -> memref<512x1024xf32, #tpu.memory_space<vmem>>
    %dma_wait3A_1223 = arith.constant 0 : i32
    %dma_wait3A_1224 = arith.constant 0 : i32
    %dma_wait3A_1225 = tpu.memref_slice %arg5[%dma_wait3A_1223, %dma_wait3A_1224] : memref<1536x1024xf32, #tpu.memory_space<hbm>> -> memref<512x1024xf32, #tpu.memory_space<hbm>>
    tpu.wait_dma2 semaphore(%dma_wait3A_1219 : memref<!tpu.dma_semaphore, #tpu.memory_space<semaphore_mem>>) src(%dma_wait3A_1225 : memref<512x1024xf32, #tpu.memory_space<hbm>>) dst(%dma_wait3A_1222 : memref<512x1024xf32, #tpu.memory_space<vmem>>)
    %dma_start3A_1226 = arith.constant 3 : i32
    %dma_start3A_1227 = arith.constant 5 : i32
    %dma_start3A_1228 = tpu.memref_slice %arg19[%dma_start3A_1227] : memref<8x!tpu.dma_semaphore, #tpu.memory_space<semaphore_mem>> -> memref<1x!tpu.dma_semaphore, #tpu.memory_space<semaphore_mem>>
    %dma_start3A_1229 = tpu.memref_squeeze %dma_start3A_1228 : memref<1x!tpu.dma_semaphore, #tpu.memory_space<semaphore_mem>> -> memref<!tpu.dma_semaphore, #tpu.memory_space<semaphore_mem>>
    %dma_start3A_1230 = arith.constant 2560 : i32
    %dma_start3A_1231 = arith.constant 0 : i32
    %dma_start3A_1232 = tpu.memref_slice %arg8[%dma_start3A_1226, %dma_start3A_1230, %dma_start3A_1231] : memref<5x4096x1024xf32, #tpu.memory_space<hbm>> -> memref<1x512x1024xf32, #tpu.memory_space<hbm>>
    %dma_start3A_1233 = tpu.memref_squeeze %dma_start3A_1232 : memref<1x512x1024xf32, #tpu.memory_space<hbm>> -> memref<512x1024xf32, #tpu.memory_space<hbm>>
    %dma_start3A_1234 = arith.constant 0 : i32
    %dma_start3A_1235 = arith.constant 0 : i32
    %dma_start3A_1236 = tpu.memref_slice %arg14[%dma_start3A_1234, %dma_start3A_1235] : memref<512x1024xf32, #tpu.memory_space<vmem>> -> memref<512x1024xf32, #tpu.memory_space<vmem>>
    tpu.enqueue_dma source(%dma_start3A_1236 : memref<512x1024xf32, #tpu.memory_space<vmem>>) target(%dma_start3A_1233 : memref<512x1024xf32, #tpu.memory_space<hbm>>) target_semaphore(%dma_start3A_1229 : memref<!tpu.dma_semaphore, #tpu.memory_space<semaphore_mem>>)
    %dma_wait3A_1237 = arith.constant 3 : i32
    %dma_wait3A_1238 = arith.constant 2 : i32
    %dma_wait3A_1239 = tpu.memref_slice %arg19[%dma_wait3A_1238] : memref<8x!tpu.dma_semaphore, #tpu.memory_space<semaphore_mem>> -> memref<1x!tpu.dma_semaphore, #tpu.memory_space<semaphore_mem>>
    %dma_wait3A_1240 = tpu.memref_squeeze %dma_wait3A_1239 : memref<1x!tpu.dma_semaphore, #tpu.memory_space<semaphore_mem>> -> memref<!tpu.dma_semaphore, #tpu.memory_space<semaphore_mem>>
    %dma_wait3A_1241 = arith.constant 1024 : i32
    %dma_wait3A_1242 = arith.constant 0 : i32
    %dma_wait3A_1243 = tpu.memref_slice %arg8[%dma_wait3A_1237, %dma_wait3A_1241, %dma_wait3A_1242] : memref<5x4096x1024xf32, #tpu.memory_space<hbm>> -> memref<1x512x1024xf32, #tpu.memory_space<hbm>>
    %dma_wait3A_1244 = tpu.memref_squeeze %dma_wait3A_1243 : memref<1x512x1024xf32, #tpu.memory_space<hbm>> -> memref<512x1024xf32, #tpu.memory_space<hbm>>
    %dma_wait3A_1245 = arith.constant 0 : i32
    %dma_wait3A_1246 = arith.constant 0 : i32
    %dma_wait3A_1247 = tpu.memref_slice %arg11[%dma_wait3A_1245, %dma_wait3A_1246] : memref<512x1024xf32, #tpu.memory_space<vmem>> -> memref<512x1024xf32, #tpu.memory_space<vmem>>
    tpu.wait_dma2 semaphore(%dma_wait3A_1240 : memref<!tpu.dma_semaphore, #tpu.memory_space<semaphore_mem>>) src(%dma_wait3A_1247 : memref<512x1024xf32, #tpu.memory_space<vmem>>) dst(%dma_wait3A_1244 : memref<512x1024xf32, #tpu.memory_space<hbm>>)
    %dma_start3A_1248 = arith.constant 2 : i32
    %dma_start3A_1249 = tpu.memref_slice %arg18[%dma_start3A_1248] : memref<8x!tpu.dma_semaphore, #tpu.memory_space<semaphore_mem>> -> memref<1x!tpu.dma_semaphore, #tpu.memory_space<semaphore_mem>>
    %dma_start3A_1250 = tpu.memref_squeeze %dma_start3A_1249 : memref<1x!tpu.dma_semaphore, #tpu.memory_space<semaphore_mem>> -> memref<!tpu.dma_semaphore, #tpu.memory_space<semaphore_mem>>
    %dma_start3A_1251 = arith.constant 0 : i32
    %dma_start3A_1252 = arith.constant 0 : i32
    %dma_start3A_1253 = tpu.memref_slice %arg11[%dma_start3A_1251, %dma_start3A_1252] : memref<512x1024xf32, #tpu.memory_space<vmem>> -> memref<512x1024xf32, #tpu.memory_space<vmem>>
    %dma_start3A_1254 = arith.constant 1024 : i32
    %dma_start3A_1255 = arith.constant 0 : i32
    %dma_start3A_1256 = tpu.memref_slice %arg4[%dma_start3A_1254, %dma_start3A_1255] : memref<2048x1024xf32, #tpu.memory_space<hbm>> -> memref<512x1024xf32, #tpu.memory_space<hbm>>
    tpu.enqueue_dma source(%dma_start3A_1256 : memref<512x1024xf32, #tpu.memory_space<hbm>>) target(%dma_start3A_1253 : memref<512x1024xf32, #tpu.memory_space<vmem>>) target_semaphore(%dma_start3A_1250 : memref<!tpu.dma_semaphore, #tpu.memory_space<semaphore_mem>>)
    %dma_wait3A_1257 = arith.constant 6 : i32
    %dma_wait3A_1258 = tpu.memref_slice %arg18[%dma_wait3A_1257] : memref<8x!tpu.dma_semaphore, #tpu.memory_space<semaphore_mem>> -> memref<1x!tpu.dma_semaphore, #tpu.memory_space<semaphore_mem>>
    %dma_wait3A_1259 = tpu.memref_squeeze %dma_wait3A_1258 : memref<1x!tpu.dma_semaphore, #tpu.memory_space<semaphore_mem>> -> memref<!tpu.dma_semaphore, #tpu.memory_space<semaphore_mem>>
    %dma_wait3A_1260 = arith.constant 0 : i32
    %dma_wait3A_1261 = arith.constant 0 : i32
    %dma_wait3A_1262 = tpu.memref_slice %arg15[%dma_wait3A_1260, %dma_wait3A_1261] : memref<512x1024xf32, #tpu.memory_space<vmem>> -> memref<512x1024xf32, #tpu.memory_space<vmem>>
    %dma_wait3A_1263 = arith.constant 512 : i32
    %dma_wait3A_1264 = arith.constant 0 : i32
    %dma_wait3A_1265 = tpu.memref_slice %arg5[%dma_wait3A_1263, %dma_wait3A_1264] : memref<1536x1024xf32, #tpu.memory_space<hbm>> -> memref<512x1024xf32, #tpu.memory_space<hbm>>
    tpu.wait_dma2 semaphore(%dma_wait3A_1259 : memref<!tpu.dma_semaphore, #tpu.memory_space<semaphore_mem>>) src(%dma_wait3A_1265 : memref<512x1024xf32, #tpu.memory_space<hbm>>) dst(%dma_wait3A_1262 : memref<512x1024xf32, #tpu.memory_space<vmem>>)
    %dma_start3A_1266 = arith.constant 3 : i32
    %dma_start3A_1267 = arith.constant 6 : i32
    %dma_start3A_1268 = tpu.memref_slice %arg19[%dma_start3A_1267] : memref<8x!tpu.dma_semaphore, #tpu.memory_space<semaphore_mem>> -> memref<1x!tpu.dma_semaphore, #tpu.memory_space<semaphore_mem>>
    %dma_start3A_1269 = tpu.memref_squeeze %dma_start3A_1268 : memref<1x!tpu.dma_semaphore, #tpu.memory_space<semaphore_mem>> -> memref<!tpu.dma_semaphore, #tpu.memory_space<semaphore_mem>>
    %dma_start3A_1270 = arith.constant 3072 : i32
    %dma_start3A_1271 = arith.constant 0 : i32
    %dma_start3A_1272 = tpu.memref_slice %arg8[%dma_start3A_1266, %dma_start3A_1270, %dma_start3A_1271] : memref<5x4096x1024xf32, #tpu.memory_space<hbm>> -> memref<1x512x1024xf32, #tpu.memory_space<hbm>>
    %dma_start3A_1273 = tpu.memref_squeeze %dma_start3A_1272 : memref<1x512x1024xf32, #tpu.memory_space<hbm>> -> memref<512x1024xf32, #tpu.memory_space<hbm>>
    %dma_start3A_1274 = arith.constant 0 : i32
    %dma_start3A_1275 = arith.constant 0 : i32
    %dma_start3A_1276 = tpu.memref_slice %arg15[%dma_start3A_1274, %dma_start3A_1275] : memref<512x1024xf32, #tpu.memory_space<vmem>> -> memref<512x1024xf32, #tpu.memory_space<vmem>>
    tpu.enqueue_dma source(%dma_start3A_1276 : memref<512x1024xf32, #tpu.memory_space<vmem>>) target(%dma_start3A_1273 : memref<512x1024xf32, #tpu.memory_space<hbm>>) target_semaphore(%dma_start3A_1269 : memref<!tpu.dma_semaphore, #tpu.memory_space<semaphore_mem>>)
    %dma_wait3A_1277 = arith.constant 3 : i32
    %dma_wait3A_1278 = arith.constant 3 : i32
    %dma_wait3A_1279 = tpu.memref_slice %arg19[%dma_wait3A_1278] : memref<8x!tpu.dma_semaphore, #tpu.memory_space<semaphore_mem>> -> memref<1x!tpu.dma_semaphore, #tpu.memory_space<semaphore_mem>>
    %dma_wait3A_1280 = tpu.memref_squeeze %dma_wait3A_1279 : memref<1x!tpu.dma_semaphore, #tpu.memory_space<semaphore_mem>> -> memref<!tpu.dma_semaphore, #tpu.memory_space<semaphore_mem>>
    %dma_wait3A_1281 = arith.constant 1536 : i32
    %dma_wait3A_1282 = arith.constant 0 : i32
    %dma_wait3A_1283 = tpu.memref_slice %arg8[%dma_wait3A_1277, %dma_wait3A_1281, %dma_wait3A_1282] : memref<5x4096x1024xf32, #tpu.memory_space<hbm>> -> memref<1x512x1024xf32, #tpu.memory_space<hbm>>
    %dma_wait3A_1284 = tpu.memref_squeeze %dma_wait3A_1283 : memref<1x512x1024xf32, #tpu.memory_space<hbm>> -> memref<512x1024xf32, #tpu.memory_space<hbm>>
    %dma_wait3A_1285 = arith.constant 0 : i32
    %dma_wait3A_1286 = arith.constant 0 : i32
    %dma_wait3A_1287 = tpu.memref_slice %arg12[%dma_wait3A_1285, %dma_wait3A_1286] : memref<512x1024xf32, #tpu.memory_space<vmem>> -> memref<512x1024xf32, #tpu.memory_space<vmem>>
    tpu.wait_dma2 semaphore(%dma_wait3A_1280 : memref<!tpu.dma_semaphore, #tpu.memory_space<semaphore_mem>>) src(%dma_wait3A_1287 : memref<512x1024xf32, #tpu.memory_space<vmem>>) dst(%dma_wait3A_1284 : memref<512x1024xf32, #tpu.memory_space<hbm>>)
    %dma_start3A_1288 = arith.constant 3 : i32
    %dma_start3A_1289 = tpu.memref_slice %arg18[%dma_start3A_1288] : memref<8x!tpu.dma_semaphore, #tpu.memory_space<semaphore_mem>> -> memref<1x!tpu.dma_semaphore, #tpu.memory_space<semaphore_mem>>
    %dma_start3A_1290 = tpu.memref_squeeze %dma_start3A_1289 : memref<1x!tpu.dma_semaphore, #tpu.memory_space<semaphore_mem>> -> memref<!tpu.dma_semaphore, #tpu.memory_space<semaphore_mem>>
    %dma_start3A_1291 = arith.constant 0 : i32
    %dma_start3A_1292 = arith.constant 0 : i32
    %dma_start3A_1293 = tpu.memref_slice %arg12[%dma_start3A_1291, %dma_start3A_1292] : memref<512x1024xf32, #tpu.memory_space<vmem>> -> memref<512x1024xf32, #tpu.memory_space<vmem>>
    %dma_start3A_1294 = arith.constant 1536 : i32
    %dma_start3A_1295 = arith.constant 0 : i32
    %dma_start3A_1296 = tpu.memref_slice %arg4[%dma_start3A_1294, %dma_start3A_1295] : memref<2048x1024xf32, #tpu.memory_space<hbm>> -> memref<512x1024xf32, #tpu.memory_space<hbm>>
    tpu.enqueue_dma source(%dma_start3A_1296 : memref<512x1024xf32, #tpu.memory_space<hbm>>) target(%dma_start3A_1293 : memref<512x1024xf32, #tpu.memory_space<vmem>>) target_semaphore(%dma_start3A_1290 : memref<!tpu.dma_semaphore, #tpu.memory_space<semaphore_mem>>)
    %dma_wait3A_1297 = arith.constant 7 : i32
    %dma_wait3A_1298 = tpu.memref_slice %arg18[%dma_wait3A_1297] : memref<8x!tpu.dma_semaphore, #tpu.memory_space<semaphore_mem>> -> memref<1x!tpu.dma_semaphore, #tpu.memory_space<semaphore_mem>>
    %dma_wait3A_1299 = tpu.memref_squeeze %dma_wait3A_1298 : memref<1x!tpu.dma_semaphore, #tpu.memory_space<semaphore_mem>> -> memref<!tpu.dma_semaphore, #tpu.memory_space<semaphore_mem>>
    %dma_wait3A_1300 = arith.constant 0 : i32
    %dma_wait3A_1301 = arith.constant 0 : i32
    %dma_wait3A_1302 = tpu.memref_slice %arg16[%dma_wait3A_1300, %dma_wait3A_1301] : memref<512x1024xf32, #tpu.memory_space<vmem>> -> memref<512x1024xf32, #tpu.memory_space<vmem>>
    %dma_wait3A_1303 = arith.constant 1024 : i32
    %dma_wait3A_1304 = arith.constant 0 : i32
    %dma_wait3A_1305 = tpu.memref_slice %arg5[%dma_wait3A_1303, %dma_wait3A_1304] : memref<1536x1024xf32, #tpu.memory_space<hbm>> -> memref<512x1024xf32, #tpu.memory_space<hbm>>
    tpu.wait_dma2 semaphore(%dma_wait3A_1299 : memref<!tpu.dma_semaphore, #tpu.memory_space<semaphore_mem>>) src(%dma_wait3A_1305 : memref<512x1024xf32, #tpu.memory_space<hbm>>) dst(%dma_wait3A_1302 : memref<512x1024xf32, #tpu.memory_space<vmem>>)
    %dma_start3A_1306 = arith.constant 3 : i32
    %dma_start3A_1307 = arith.constant 7 : i32
    %dma_start3A_1308 = tpu.memref_slice %arg19[%dma_start3A_1307] : memref<8x!tpu.dma_semaphore, #tpu.memory_space<semaphore_mem>> -> memref<1x!tpu.dma_semaphore, #tpu.memory_space<semaphore_mem>>
    %dma_start3A_1309 = tpu.memref_squeeze %dma_start3A_1308 : memref<1x!tpu.dma_semaphore, #tpu.memory_space<semaphore_mem>> -> memref<!tpu.dma_semaphore, #tpu.memory_space<semaphore_mem>>
    %dma_start3A_1310 = arith.constant 3584 : i32
    %dma_start3A_1311 = arith.constant 0 : i32
    %dma_start3A_1312 = tpu.memref_slice %arg8[%dma_start3A_1306, %dma_start3A_1310, %dma_start3A_1311] : memref<5x4096x1024xf32, #tpu.memory_space<hbm>> -> memref<1x512x1024xf32, #tpu.memory_space<hbm>>
    %dma_start3A_1313 = tpu.memref_squeeze %dma_start3A_1312 : memref<1x512x1024xf32, #tpu.memory_space<hbm>> -> memref<512x1024xf32, #tpu.memory_space<hbm>>
    %dma_start3A_1314 = arith.constant 0 : i32
    %dma_start3A_1315 = arith.constant 0 : i32
    %dma_start3A_1316 = tpu.memref_slice %arg16[%dma_start3A_1314, %dma_start3A_1315] : memref<512x1024xf32, #tpu.memory_space<vmem>> -> memref<512x1024xf32, #tpu.memory_space<vmem>>
    tpu.enqueue_dma source(%dma_start3A_1316 : memref<512x1024xf32, #tpu.memory_space<vmem>>) target(%dma_start3A_1313 : memref<512x1024xf32, #tpu.memory_space<hbm>>) target_semaphore(%dma_start3A_1309 : memref<!tpu.dma_semaphore, #tpu.memory_space<semaphore_mem>>)
    %dma_wait3A_1317 = arith.constant 0 : i32
    %dma_wait3A_1318 = tpu.memref_slice %arg18[%dma_wait3A_1317] : memref<8x!tpu.dma_semaphore, #tpu.memory_space<semaphore_mem>> -> memref<1x!tpu.dma_semaphore, #tpu.memory_space<semaphore_mem>>
    %dma_wait3A_1319 = tpu.memref_squeeze %dma_wait3A_1318 : memref<1x!tpu.dma_semaphore, #tpu.memory_space<semaphore_mem>> -> memref<!tpu.dma_semaphore, #tpu.memory_space<semaphore_mem>>
    %dma_wait3A_1320 = arith.constant 0 : i32
    %dma_wait3A_1321 = arith.constant 0 : i32
    %dma_wait3A_1322 = tpu.memref_slice %arg9[%dma_wait3A_1320, %dma_wait3A_1321] : memref<512x1024xf32, #tpu.memory_space<vmem>> -> memref<512x1024xf32, #tpu.memory_space<vmem>>
    %dma_wait3A_1323 = arith.constant 0 : i32
    %dma_wait3A_1324 = arith.constant 0 : i32
    %dma_wait3A_1325 = tpu.memref_slice %arg4[%dma_wait3A_1323, %dma_wait3A_1324] : memref<2048x1024xf32, #tpu.memory_space<hbm>> -> memref<512x1024xf32, #tpu.memory_space<hbm>>
    tpu.wait_dma2 semaphore(%dma_wait3A_1319 : memref<!tpu.dma_semaphore, #tpu.memory_space<semaphore_mem>>) src(%dma_wait3A_1325 : memref<512x1024xf32, #tpu.memory_space<hbm>>) dst(%dma_wait3A_1322 : memref<512x1024xf32, #tpu.memory_space<vmem>>)
    %dma_start3A_1326 = arith.constant 4 : i32
    %dma_start3A_1327 = arith.constant 0 : i32
    %dma_start3A_1328 = tpu.memref_slice %arg19[%dma_start3A_1327] : memref<8x!tpu.dma_semaphore, #tpu.memory_space<semaphore_mem>> -> memref<1x!tpu.dma_semaphore, #tpu.memory_space<semaphore_mem>>
    %dma_start3A_1329 = tpu.memref_squeeze %dma_start3A_1328 : memref<1x!tpu.dma_semaphore, #tpu.memory_space<semaphore_mem>> -> memref<!tpu.dma_semaphore, #tpu.memory_space<semaphore_mem>>
    %dma_start3A_1330 = arith.constant 0 : i32
    %dma_start3A_1331 = arith.constant 0 : i32
    %dma_start3A_1332 = tpu.memref_slice %arg8[%dma_start3A_1326, %dma_start3A_1330, %dma_start3A_1331] : memref<5x4096x1024xf32, #tpu.memory_space<hbm>> -> memref<1x512x1024xf32, #tpu.memory_space<hbm>>
    %dma_start3A_1333 = tpu.memref_squeeze %dma_start3A_1332 : memref<1x512x1024xf32, #tpu.memory_space<hbm>> -> memref<512x1024xf32, #tpu.memory_space<hbm>>
    %dma_start3A_1334 = arith.constant 0 : i32
    %dma_start3A_1335 = arith.constant 0 : i32
    %dma_start3A_1336 = tpu.memref_slice %arg9[%dma_start3A_1334, %dma_start3A_1335] : memref<512x1024xf32, #tpu.memory_space<vmem>> -> memref<512x1024xf32, #tpu.memory_space<vmem>>
    tpu.enqueue_dma source(%dma_start3A_1336 : memref<512x1024xf32, #tpu.memory_space<vmem>>) target(%dma_start3A_1333 : memref<512x1024xf32, #tpu.memory_space<hbm>>) target_semaphore(%dma_start3A_1329 : memref<!tpu.dma_semaphore, #tpu.memory_space<semaphore_mem>>)
    %dma_wait3A_1337 = arith.constant 1 : i32
    %dma_wait3A_1338 = tpu.memref_slice %arg18[%dma_wait3A_1337] : memref<8x!tpu.dma_semaphore, #tpu.memory_space<semaphore_mem>> -> memref<1x!tpu.dma_semaphore, #tpu.memory_space<semaphore_mem>>
    %dma_wait3A_1339 = tpu.memref_squeeze %dma_wait3A_1338 : memref<1x!tpu.dma_semaphore, #tpu.memory_space<semaphore_mem>> -> memref<!tpu.dma_semaphore, #tpu.memory_space<semaphore_mem>>
    %dma_wait3A_1340 = arith.constant 0 : i32
    %dma_wait3A_1341 = arith.constant 0 : i32
    %dma_wait3A_1342 = tpu.memref_slice %arg10[%dma_wait3A_1340, %dma_wait3A_1341] : memref<512x1024xf32, #tpu.memory_space<vmem>> -> memref<512x1024xf32, #tpu.memory_space<vmem>>
    %dma_wait3A_1343 = arith.constant 512 : i32
    %dma_wait3A_1344 = arith.constant 0 : i32
    %dma_wait3A_1345 = tpu.memref_slice %arg4[%dma_wait3A_1343, %dma_wait3A_1344] : memref<2048x1024xf32, #tpu.memory_space<hbm>> -> memref<512x1024xf32, #tpu.memory_space<hbm>>
    tpu.wait_dma2 semaphore(%dma_wait3A_1339 : memref<!tpu.dma_semaphore, #tpu.memory_space<semaphore_mem>>) src(%dma_wait3A_1345 : memref<512x1024xf32, #tpu.memory_space<hbm>>) dst(%dma_wait3A_1342 : memref<512x1024xf32, #tpu.memory_space<vmem>>)
    %dma_start3A_1346 = arith.constant 4 : i32
    %dma_start3A_1347 = arith.constant 1 : i32
    %dma_start3A_1348 = tpu.memref_slice %arg19[%dma_start3A_1347] : memref<8x!tpu.dma_semaphore, #tpu.memory_space<semaphore_mem>> -> memref<1x!tpu.dma_semaphore, #tpu.memory_space<semaphore_mem>>
    %dma_start3A_1349 = tpu.memref_squeeze %dma_start3A_1348 : memref<1x!tpu.dma_semaphore, #tpu.memory_space<semaphore_mem>> -> memref<!tpu.dma_semaphore, #tpu.memory_space<semaphore_mem>>
    %dma_start3A_1350 = arith.constant 512 : i32
    %dma_start3A_1351 = arith.constant 0 : i32
    %dma_start3A_1352 = tpu.memref_slice %arg8[%dma_start3A_1346, %dma_start3A_1350, %dma_start3A_1351] : memref<5x4096x1024xf32, #tpu.memory_space<hbm>> -> memref<1x512x1024xf32, #tpu.memory_space<hbm>>
    %dma_start3A_1353 = tpu.memref_squeeze %dma_start3A_1352 : memref<1x512x1024xf32, #tpu.memory_space<hbm>> -> memref<512x1024xf32, #tpu.memory_space<hbm>>
    %dma_start3A_1354 = arith.constant 0 : i32
    %dma_start3A_1355 = arith.constant 0 : i32
    %dma_start3A_1356 = tpu.memref_slice %arg10[%dma_start3A_1354, %dma_start3A_1355] : memref<512x1024xf32, #tpu.memory_space<vmem>> -> memref<512x1024xf32, #tpu.memory_space<vmem>>
    tpu.enqueue_dma source(%dma_start3A_1356 : memref<512x1024xf32, #tpu.memory_space<vmem>>) target(%dma_start3A_1353 : memref<512x1024xf32, #tpu.memory_space<hbm>>) target_semaphore(%dma_start3A_1349 : memref<!tpu.dma_semaphore, #tpu.memory_space<semaphore_mem>>)
    %dma_wait3A_1357 = arith.constant 2 : i32
    %dma_wait3A_1358 = tpu.memref_slice %arg18[%dma_wait3A_1357] : memref<8x!tpu.dma_semaphore, #tpu.memory_space<semaphore_mem>> -> memref<1x!tpu.dma_semaphore, #tpu.memory_space<semaphore_mem>>
    %dma_wait3A_1359 = tpu.memref_squeeze %dma_wait3A_1358 : memref<1x!tpu.dma_semaphore, #tpu.memory_space<semaphore_mem>> -> memref<!tpu.dma_semaphore, #tpu.memory_space<semaphore_mem>>
    %dma_wait3A_1360 = arith.constant 0 : i32
    %dma_wait3A_1361 = arith.constant 0 : i32
    %dma_wait3A_1362 = tpu.memref_slice %arg11[%dma_wait3A_1360, %dma_wait3A_1361] : memref<512x1024xf32, #tpu.memory_space<vmem>> -> memref<512x1024xf32, #tpu.memory_space<vmem>>
    %dma_wait3A_1363 = arith.constant 1024 : i32
    %dma_wait3A_1364 = arith.constant 0 : i32
    %dma_wait3A_1365 = tpu.memref_slice %arg4[%dma_wait3A_1363, %dma_wait3A_1364] : memref<2048x1024xf32, #tpu.memory_space<hbm>> -> memref<512x1024xf32, #tpu.memory_space<hbm>>
    tpu.wait_dma2 semaphore(%dma_wait3A_1359 : memref<!tpu.dma_semaphore, #tpu.memory_space<semaphore_mem>>) src(%dma_wait3A_1365 : memref<512x1024xf32, #tpu.memory_space<hbm>>) dst(%dma_wait3A_1362 : memref<512x1024xf32, #tpu.memory_space<vmem>>)
    %dma_start3A_1366 = arith.constant 4 : i32
    %dma_start3A_1367 = arith.constant 2 : i32
    %dma_start3A_1368 = tpu.memref_slice %arg19[%dma_start3A_1367] : memref<8x!tpu.dma_semaphore, #tpu.memory_space<semaphore_mem>> -> memref<1x!tpu.dma_semaphore, #tpu.memory_space<semaphore_mem>>
    %dma_start3A_1369 = tpu.memref_squeeze %dma_start3A_1368 : memref<1x!tpu.dma_semaphore, #tpu.memory_space<semaphore_mem>> -> memref<!tpu.dma_semaphore, #tpu.memory_space<semaphore_mem>>
    %dma_start3A_1370 = arith.constant 1024 : i32
    %dma_start3A_1371 = arith.constant 0 : i32
    %dma_start3A_1372 = tpu.memref_slice %arg8[%dma_start3A_1366, %dma_start3A_1370, %dma_start3A_1371] : memref<5x4096x1024xf32, #tpu.memory_space<hbm>> -> memref<1x512x1024xf32, #tpu.memory_space<hbm>>
    %dma_start3A_1373 = tpu.memref_squeeze %dma_start3A_1372 : memref<1x512x1024xf32, #tpu.memory_space<hbm>> -> memref<512x1024xf32, #tpu.memory_space<hbm>>
    %dma_start3A_1374 = arith.constant 0 : i32
    %dma_start3A_1375 = arith.constant 0 : i32
    %dma_start3A_1376 = tpu.memref_slice %arg11[%dma_start3A_1374, %dma_start3A_1375] : memref<512x1024xf32, #tpu.memory_space<vmem>> -> memref<512x1024xf32, #tpu.memory_space<vmem>>
    tpu.enqueue_dma source(%dma_start3A_1376 : memref<512x1024xf32, #tpu.memory_space<vmem>>) target(%dma_start3A_1373 : memref<512x1024xf32, #tpu.memory_space<hbm>>) target_semaphore(%dma_start3A_1369 : memref<!tpu.dma_semaphore, #tpu.memory_space<semaphore_mem>>)
    %dma_wait3A_1377 = arith.constant 3 : i32
    %dma_wait3A_1378 = tpu.memref_slice %arg18[%dma_wait3A_1377] : memref<8x!tpu.dma_semaphore, #tpu.memory_space<semaphore_mem>> -> memref<1x!tpu.dma_semaphore, #tpu.memory_space<semaphore_mem>>
    %dma_wait3A_1379 = tpu.memref_squeeze %dma_wait3A_1378 : memref<1x!tpu.dma_semaphore, #tpu.memory_space<semaphore_mem>> -> memref<!tpu.dma_semaphore, #tpu.memory_space<semaphore_mem>>
    %dma_wait3A_1380 = arith.constant 0 : i32
    %dma_wait3A_1381 = arith.constant 0 : i32
    %dma_wait3A_1382 = tpu.memref_slice %arg12[%dma_wait3A_1380, %dma_wait3A_1381] : memref<512x1024xf32, #tpu.memory_space<vmem>> -> memref<512x1024xf32, #tpu.memory_space<vmem>>
    %dma_wait3A_1383 = arith.constant 1536 : i32
    %dma_wait3A_1384 = arith.constant 0 : i32
    %dma_wait3A_1385 = tpu.memref_slice %arg4[%dma_wait3A_1383, %dma_wait3A_1384] : memref<2048x1024xf32, #tpu.memory_space<hbm>> -> memref<512x1024xf32, #tpu.memory_space<hbm>>
    tpu.wait_dma2 semaphore(%dma_wait3A_1379 : memref<!tpu.dma_semaphore, #tpu.memory_space<semaphore_mem>>) src(%dma_wait3A_1385 : memref<512x1024xf32, #tpu.memory_space<hbm>>) dst(%dma_wait3A_1382 : memref<512x1024xf32, #tpu.memory_space<vmem>>)
    %dma_start3A_1386 = arith.constant 4 : i32
    %dma_start3A_1387 = arith.constant 3 : i32
    %dma_start3A_1388 = tpu.memref_slice %arg19[%dma_start3A_1387] : memref<8x!tpu.dma_semaphore, #tpu.memory_space<semaphore_mem>> -> memref<1x!tpu.dma_semaphore, #tpu.memory_space<semaphore_mem>>
    %dma_start3A_1389 = tpu.memref_squeeze %dma_start3A_1388 : memref<1x!tpu.dma_semaphore, #tpu.memory_space<semaphore_mem>> -> memref<!tpu.dma_semaphore, #tpu.memory_space<semaphore_mem>>
    %dma_start3A_1390 = arith.constant 1536 : i32
    %dma_start3A_1391 = arith.constant 0 : i32
    %dma_start3A_1392 = tpu.memref_slice %arg8[%dma_start3A_1386, %dma_start3A_1390, %dma_start3A_1391] : memref<5x4096x1024xf32, #tpu.memory_space<hbm>> -> memref<1x512x1024xf32, #tpu.memory_space<hbm>>
    %dma_start3A_1393 = tpu.memref_squeeze %dma_start3A_1392 : memref<1x512x1024xf32, #tpu.memory_space<hbm>> -> memref<512x1024xf32, #tpu.memory_space<hbm>>
    %dma_start3A_1394 = arith.constant 0 : i32
    %dma_start3A_1395 = arith.constant 0 : i32
    %dma_start3A_1396 = tpu.memref_slice %arg12[%dma_start3A_1394, %dma_start3A_1395] : memref<512x1024xf32, #tpu.memory_space<vmem>> -> memref<512x1024xf32, #tpu.memory_space<vmem>>
    tpu.enqueue_dma source(%dma_start3A_1396 : memref<512x1024xf32, #tpu.memory_space<vmem>>) target(%dma_start3A_1393 : memref<512x1024xf32, #tpu.memory_space<hbm>>) target_semaphore(%dma_start3A_1389 : memref<!tpu.dma_semaphore, #tpu.memory_space<semaphore_mem>>)
    %dma_wait3A_1397 = arith.constant 3 : i32
    %dma_wait3A_1398 = arith.constant 4 : i32
    %dma_wait3A_1399 = tpu.memref_slice %arg19[%dma_wait3A_1398] : memref<8x!tpu.dma_semaphore, #tpu.memory_space<semaphore_mem>> -> memref<1x!tpu.dma_semaphore, #tpu.memory_space<semaphore_mem>>
    %dma_wait3A_1400 = tpu.memref_squeeze %dma_wait3A_1399 : memref<1x!tpu.dma_semaphore, #tpu.memory_space<semaphore_mem>> -> memref<!tpu.dma_semaphore, #tpu.memory_space<semaphore_mem>>
    %dma_wait3A_1401 = arith.constant 2048 : i32
    %dma_wait3A_1402 = arith.constant 0 : i32
    %dma_wait3A_1403 = tpu.memref_slice %arg8[%dma_wait3A_1397, %dma_wait3A_1401, %dma_wait3A_1402] : memref<5x4096x1024xf32, #tpu.memory_space<hbm>> -> memref<1x512x1024xf32, #tpu.memory_space<hbm>>
    %dma_wait3A_1404 = tpu.memref_squeeze %dma_wait3A_1403 : memref<1x512x1024xf32, #tpu.memory_space<hbm>> -> memref<512x1024xf32, #tpu.memory_space<hbm>>
    %dma_wait3A_1405 = arith.constant 0 : i32
    %dma_wait3A_1406 = arith.constant 0 : i32
    %dma_wait3A_1407 = tpu.memref_slice %arg13[%dma_wait3A_1405, %dma_wait3A_1406] : memref<512x1024xf32, #tpu.memory_space<vmem>> -> memref<512x1024xf32, #tpu.memory_space<vmem>>
    tpu.wait_dma2 semaphore(%dma_wait3A_1400 : memref<!tpu.dma_semaphore, #tpu.memory_space<semaphore_mem>>) src(%dma_wait3A_1407 : memref<512x1024xf32, #tpu.memory_space<vmem>>) dst(%dma_wait3A_1404 : memref<512x1024xf32, #tpu.memory_space<hbm>>)
    %dma_wait3A_1408 = arith.constant 3 : i32
    %dma_wait3A_1409 = arith.constant 5 : i32
    %dma_wait3A_1410 = tpu.memref_slice %arg19[%dma_wait3A_1409] : memref<8x!tpu.dma_semaphore, #tpu.memory_space<semaphore_mem>> -> memref<1x!tpu.dma_semaphore, #tpu.memory_space<semaphore_mem>>
    %dma_wait3A_1411 = tpu.memref_squeeze %dma_wait3A_1410 : memref<1x!tpu.dma_semaphore, #tpu.memory_space<semaphore_mem>> -> memref<!tpu.dma_semaphore, #tpu.memory_space<semaphore_mem>>
    %dma_wait3A_1412 = arith.constant 2560 : i32
    %dma_wait3A_1413 = arith.constant 0 : i32
    %dma_wait3A_1414 = tpu.memref_slice %arg8[%dma_wait3A_1408, %dma_wait3A_1412, %dma_wait3A_1413] : memref<5x4096x1024xf32, #tpu.memory_space<hbm>> -> memref<1x512x1024xf32, #tpu.memory_space<hbm>>
    %dma_wait3A_1415 = tpu.memref_squeeze %dma_wait3A_1414 : memref<1x512x1024xf32, #tpu.memory_space<hbm>> -> memref<512x1024xf32, #tpu.memory_space<hbm>>
    %dma_wait3A_1416 = arith.constant 0 : i32
    %dma_wait3A_1417 = arith.constant 0 : i32
    %dma_wait3A_1418 = tpu.memref_slice %arg14[%dma_wait3A_1416, %dma_wait3A_1417] : memref<512x1024xf32, #tpu.memory_space<vmem>> -> memref<512x1024xf32, #tpu.memory_space<vmem>>
    tpu.wait_dma2 semaphore(%dma_wait3A_1411 : memref<!tpu.dma_semaphore, #tpu.memory_space<semaphore_mem>>) src(%dma_wait3A_1418 : memref<512x1024xf32, #tpu.memory_space<vmem>>) dst(%dma_wait3A_1415 : memref<512x1024xf32, #tpu.memory_space<hbm>>)
    %dma_wait3A_1419 = arith.constant 3 : i32
    %dma_wait3A_1420 = arith.constant 6 : i32
    %dma_wait3A_1421 = tpu.memref_slice %arg19[%dma_wait3A_1420] : memref<8x!tpu.dma_semaphore, #tpu.memory_space<semaphore_mem>> -> memref<1x!tpu.dma_semaphore, #tpu.memory_space<semaphore_mem>>
    %dma_wait3A_1422 = tpu.memref_squeeze %dma_wait3A_1421 : memref<1x!tpu.dma_semaphore, #tpu.memory_space<semaphore_mem>> -> memref<!tpu.dma_semaphore, #tpu.memory_space<semaphore_mem>>
    %dma_wait3A_1423 = arith.constant 3072 : i32
    %dma_wait3A_1424 = arith.constant 0 : i32
    %dma_wait3A_1425 = tpu.memref_slice %arg8[%dma_wait3A_1419, %dma_wait3A_1423, %dma_wait3A_1424] : memref<5x4096x1024xf32, #tpu.memory_space<hbm>> -> memref<1x512x1024xf32, #tpu.memory_space<hbm>>
    %dma_wait3A_1426 = tpu.memref_squeeze %dma_wait3A_1425 : memref<1x512x1024xf32, #tpu.memory_space<hbm>> -> memref<512x1024xf32, #tpu.memory_space<hbm>>
    %dma_wait3A_1427 = arith.constant 0 : i32
    %dma_wait3A_1428 = arith.constant 0 : i32
    %dma_wait3A_1429 = tpu.memref_slice %arg15[%dma_wait3A_1427, %dma_wait3A_1428] : memref<512x1024xf32, #tpu.memory_space<vmem>> -> memref<512x1024xf32, #tpu.memory_space<vmem>>
    tpu.wait_dma2 semaphore(%dma_wait3A_1422 : memref<!tpu.dma_semaphore, #tpu.memory_space<semaphore_mem>>) src(%dma_wait3A_1429 : memref<512x1024xf32, #tpu.memory_space<vmem>>) dst(%dma_wait3A_1426 : memref<512x1024xf32, #tpu.memory_space<hbm>>)
    %dma_wait3A_1430 = arith.constant 3 : i32
    %dma_wait3A_1431 = arith.constant 7 : i32
    %dma_wait3A_1432 = tpu.memref_slice %arg19[%dma_wait3A_1431] : memref<8x!tpu.dma_semaphore, #tpu.memory_space<semaphore_mem>> -> memref<1x!tpu.dma_semaphore, #tpu.memory_space<semaphore_mem>>
    %dma_wait3A_1433 = tpu.memref_squeeze %dma_wait3A_1432 : memref<1x!tpu.dma_semaphore, #tpu.memory_space<semaphore_mem>> -> memref<!tpu.dma_semaphore, #tpu.memory_space<semaphore_mem>>
    %dma_wait3A_1434 = arith.constant 3584 : i32
    %dma_wait3A_1435 = arith.constant 0 : i32
    %dma_wait3A_1436 = tpu.memref_slice %arg8[%dma_wait3A_1430, %dma_wait3A_1434, %dma_wait3A_1435] : memref<5x4096x1024xf32, #tpu.memory_space<hbm>> -> memref<1x512x1024xf32, #tpu.memory_space<hbm>>
    %dma_wait3A_1437 = tpu.memref_squeeze %dma_wait3A_1436 : memref<1x512x1024xf32, #tpu.memory_space<hbm>> -> memref<512x1024xf32, #tpu.memory_space<hbm>>
    %dma_wait3A_1438 = arith.constant 0 : i32
    %dma_wait3A_1439 = arith.constant 0 : i32
    %dma_wait3A_1440 = tpu.memref_slice %arg16[%dma_wait3A_1438, %dma_wait3A_1439] : memref<512x1024xf32, #tpu.memory_space<vmem>> -> memref<512x1024xf32, #tpu.memory_space<vmem>>
    tpu.wait_dma2 semaphore(%dma_wait3A_1433 : memref<!tpu.dma_semaphore, #tpu.memory_space<semaphore_mem>>) src(%dma_wait3A_1440 : memref<512x1024xf32, #tpu.memory_space<vmem>>) dst(%dma_wait3A_1437 : memref<512x1024xf32, #tpu.memory_space<hbm>>)
    %dma_wait3A_1441 = arith.constant 4 : i32
    %dma_wait3A_1442 = arith.constant 0 : i32
    %dma_wait3A_1443 = tpu.memref_slice %arg19[%dma_wait3A_1442] : memref<8x!tpu.dma_semaphore, #tpu.memory_space<semaphore_mem>> -> memref<1x!tpu.dma_semaphore, #tpu.memory_space<semaphore_mem>>
    %dma_wait3A_1444 = tpu.memref_squeeze %dma_wait3A_1443 : memref<1x!tpu.dma_semaphore, #tpu.memory_space<semaphore_mem>> -> memref<!tpu.dma_semaphore, #tpu.memory_space<semaphore_mem>>
    %dma_wait3A_1445 = arith.constant 0 : i32
    %dma_wait3A_1446 = arith.constant 0 : i32
    %dma_wait3A_1447 = tpu.memref_slice %arg8[%dma_wait3A_1441, %dma_wait3A_1445, %dma_wait3A_1446] : memref<5x4096x1024xf32, #tpu.memory_space<hbm>> -> memref<1x512x1024xf32, #tpu.memory_space<hbm>>
    %dma_wait3A_1448 = tpu.memref_squeeze %dma_wait3A_1447 : memref<1x512x1024xf32, #tpu.memory_space<hbm>> -> memref<512x1024xf32, #tpu.memory_space<hbm>>
    %dma_wait3A_1449 = arith.constant 0 : i32
    %dma_wait3A_1450 = arith.constant 0 : i32
    %dma_wait3A_1451 = tpu.memref_slice %arg9[%dma_wait3A_1449, %dma_wait3A_1450] : memref<512x1024xf32, #tpu.memory_space<vmem>> -> memref<512x1024xf32, #tpu.memory_space<vmem>>
    tpu.wait_dma2 semaphore(%dma_wait3A_1444 : memref<!tpu.dma_semaphore, #tpu.memory_space<semaphore_mem>>) src(%dma_wait3A_1451 : memref<512x1024xf32, #tpu.memory_space<vmem>>) dst(%dma_wait3A_1448 : memref<512x1024xf32, #tpu.memory_space<hbm>>)
    %dma_wait3A_1452 = arith.constant 4 : i32
    %dma_wait3A_1453 = arith.constant 1 : i32
    %dma_wait3A_1454 = tpu.memref_slice %arg19[%dma_wait3A_1453] : memref<8x!tpu.dma_semaphore, #tpu.memory_space<semaphore_mem>> -> memref<1x!tpu.dma_semaphore, #tpu.memory_space<semaphore_mem>>
    %dma_wait3A_1455 = tpu.memref_squeeze %dma_wait3A_1454 : memref<1x!tpu.dma_semaphore, #tpu.memory_space<semaphore_mem>> -> memref<!tpu.dma_semaphore, #tpu.memory_space<semaphore_mem>>
    %dma_wait3A_1456 = arith.constant 512 : i32
    %dma_wait3A_1457 = arith.constant 0 : i32
    %dma_wait3A_1458 = tpu.memref_slice %arg8[%dma_wait3A_1452, %dma_wait3A_1456, %dma_wait3A_1457] : memref<5x4096x1024xf32, #tpu.memory_space<hbm>> -> memref<1x512x1024xf32, #tpu.memory_space<hbm>>
    %dma_wait3A_1459 = tpu.memref_squeeze %dma_wait3A_1458 : memref<1x512x1024xf32, #tpu.memory_space<hbm>> -> memref<512x1024xf32, #tpu.memory_space<hbm>>
    %dma_wait3A_1460 = arith.constant 0 : i32
    %dma_wait3A_1461 = arith.constant 0 : i32
    %dma_wait3A_1462 = tpu.memref_slice %arg10[%dma_wait3A_1460, %dma_wait3A_1461] : memref<512x1024xf32, #tpu.memory_space<vmem>> -> memref<512x1024xf32, #tpu.memory_space<vmem>>
    tpu.wait_dma2 semaphore(%dma_wait3A_1455 : memref<!tpu.dma_semaphore, #tpu.memory_space<semaphore_mem>>) src(%dma_wait3A_1462 : memref<512x1024xf32, #tpu.memory_space<vmem>>) dst(%dma_wait3A_1459 : memref<512x1024xf32, #tpu.memory_space<hbm>>)
    %dma_wait3A_1463 = arith.constant 4 : i32
    %dma_wait3A_1464 = arith.constant 2 : i32
    %dma_wait3A_1465 = tpu.memref_slice %arg19[%dma_wait3A_1464] : memref<8x!tpu.dma_semaphore, #tpu.memory_space<semaphore_mem>> -> memref<1x!tpu.dma_semaphore, #tpu.memory_space<semaphore_mem>>
    %dma_wait3A_1466 = tpu.memref_squeeze %dma_wait3A_1465 : memref<1x!tpu.dma_semaphore, #tpu.memory_space<semaphore_mem>> -> memref<!tpu.dma_semaphore, #tpu.memory_space<semaphore_mem>>
    %dma_wait3A_1467 = arith.constant 1024 : i32
    %dma_wait3A_1468 = arith.constant 0 : i32
    %dma_wait3A_1469 = tpu.memref_slice %arg8[%dma_wait3A_1463, %dma_wait3A_1467, %dma_wait3A_1468] : memref<5x4096x1024xf32, #tpu.memory_space<hbm>> -> memref<1x512x1024xf32, #tpu.memory_space<hbm>>
    %dma_wait3A_1470 = tpu.memref_squeeze %dma_wait3A_1469 : memref<1x512x1024xf32, #tpu.memory_space<hbm>> -> memref<512x1024xf32, #tpu.memory_space<hbm>>
    %dma_wait3A_1471 = arith.constant 0 : i32
    %dma_wait3A_1472 = arith.constant 0 : i32
    %dma_wait3A_1473 = tpu.memref_slice %arg11[%dma_wait3A_1471, %dma_wait3A_1472] : memref<512x1024xf32, #tpu.memory_space<vmem>> -> memref<512x1024xf32, #tpu.memory_space<vmem>>
    tpu.wait_dma2 semaphore(%dma_wait3A_1466 : memref<!tpu.dma_semaphore, #tpu.memory_space<semaphore_mem>>) src(%dma_wait3A_1473 : memref<512x1024xf32, #tpu.memory_space<vmem>>) dst(%dma_wait3A_1470 : memref<512x1024xf32, #tpu.memory_space<hbm>>)
    %dma_wait3A_1474 = arith.constant 4 : i32
    %dma_wait3A_1475 = arith.constant 3 : i32
    %dma_wait3A_1476 = tpu.memref_slice %arg19[%dma_wait3A_1475] : memref<8x!tpu.dma_semaphore, #tpu.memory_space<semaphore_mem>> -> memref<1x!tpu.dma_semaphore, #tpu.memory_space<semaphore_mem>>
    %dma_wait3A_1477 = tpu.memref_squeeze %dma_wait3A_1476 : memref<1x!tpu.dma_semaphore, #tpu.memory_space<semaphore_mem>> -> memref<!tpu.dma_semaphore, #tpu.memory_space<semaphore_mem>>
    %dma_wait3A_1478 = arith.constant 1536 : i32
    %dma_wait3A_1479 = arith.constant 0 : i32
    %dma_wait3A_1480 = tpu.memref_slice %arg8[%dma_wait3A_1474, %dma_wait3A_1478, %dma_wait3A_1479] : memref<5x4096x1024xf32, #tpu.memory_space<hbm>> -> memref<1x512x1024xf32, #tpu.memory_space<hbm>>
    %dma_wait3A_1481 = tpu.memref_squeeze %dma_wait3A_1480 : memref<1x512x1024xf32, #tpu.memory_space<hbm>> -> memref<512x1024xf32, #tpu.memory_space<hbm>>
    %dma_wait3A_1482 = arith.constant 0 : i32
    %dma_wait3A_1483 = arith.constant 0 : i32
    %dma_wait3A_1484 = tpu.memref_slice %arg12[%dma_wait3A_1482, %dma_wait3A_1483] : memref<512x1024xf32, #tpu.memory_space<vmem>> -> memref<512x1024xf32, #tpu.memory_space<vmem>>
    tpu.wait_dma2 semaphore(%dma_wait3A_1477 : memref<!tpu.dma_semaphore, #tpu.memory_space<semaphore_mem>>) src(%dma_wait3A_1484 : memref<512x1024xf32, #tpu.memory_space<vmem>>) dst(%dma_wait3A_1481 : memref<512x1024xf32, #tpu.memory_space<hbm>>)
    %dma_wait3A_1485 = arith.constant 4 : i32
    %dma_wait3A_1486 = arith.constant 0 : i32
    %dma_wait3A_1487 = tpu.memref_slice %arg20[%dma_wait3A_1486] : memref<4x!tpu.dma_semaphore, #tpu.memory_space<semaphore_mem>> -> memref<1x!tpu.dma_semaphore, #tpu.memory_space<semaphore_mem>>
    %dma_wait3A_1488 = tpu.memref_squeeze %dma_wait3A_1487 : memref<1x!tpu.dma_semaphore, #tpu.memory_space<semaphore_mem>> -> memref<!tpu.dma_semaphore, #tpu.memory_space<semaphore_mem>>
    %dma_wait3A_1489 = arith.constant 2048 : i32
    %dma_wait3A_1490 = arith.constant 0 : i32
    %dma_wait3A_1491 = tpu.memref_slice %arg8[%dma_wait3A_1485, %dma_wait3A_1489, %dma_wait3A_1490] : memref<5x4096x1024xf32, #tpu.memory_space<hbm>> -> memref<1x512x1024xf32, #tpu.memory_space<hbm>>
    %dma_wait3A_1492 = tpu.memref_squeeze %dma_wait3A_1491 : memref<1x512x1024xf32, #tpu.memory_space<hbm>> -> memref<512x1024xf32, #tpu.memory_space<hbm>>
    %dma_wait3A_1493 = arith.constant 0 : i32
    %dma_wait3A_1494 = arith.constant 0 : i32
    %dma_wait3A_1495 = tpu.memref_slice %arg17[%dma_wait3A_1493, %dma_wait3A_1494] : memref<512x1024xf32, #tpu.memory_space<vmem>> -> memref<512x1024xf32, #tpu.memory_space<vmem>>
    tpu.wait_dma2 semaphore(%dma_wait3A_1488 : memref<!tpu.dma_semaphore, #tpu.memory_space<semaphore_mem>>) src(%dma_wait3A_1495 : memref<512x1024xf32, #tpu.memory_space<vmem>>) dst(%dma_wait3A_1492 : memref<512x1024xf32, #tpu.memory_space<hbm>>)
    %dma_wait3A_1496 = arith.constant 4 : i32
    %dma_wait3A_1497 = arith.constant 1 : i32
    %dma_wait3A_1498 = tpu.memref_slice %arg20[%dma_wait3A_1497] : memref<4x!tpu.dma_semaphore, #tpu.memory_space<semaphore_mem>> -> memref<1x!tpu.dma_semaphore, #tpu.memory_space<semaphore_mem>>
    %dma_wait3A_1499 = tpu.memref_squeeze %dma_wait3A_1498 : memref<1x!tpu.dma_semaphore, #tpu.memory_space<semaphore_mem>> -> memref<!tpu.dma_semaphore, #tpu.memory_space<semaphore_mem>>
    %dma_wait3A_1500 = arith.constant 2560 : i32
    %dma_wait3A_1501 = arith.constant 0 : i32
    %dma_wait3A_1502 = tpu.memref_slice %arg8[%dma_wait3A_1496, %dma_wait3A_1500, %dma_wait3A_1501] : memref<5x4096x1024xf32, #tpu.memory_space<hbm>> -> memref<1x512x1024xf32, #tpu.memory_space<hbm>>
    %dma_wait3A_1503 = tpu.memref_squeeze %dma_wait3A_1502 : memref<1x512x1024xf32, #tpu.memory_space<hbm>> -> memref<512x1024xf32, #tpu.memory_space<hbm>>
    %dma_wait3A_1504 = arith.constant 0 : i32
    %dma_wait3A_1505 = arith.constant 0 : i32
    %dma_wait3A_1506 = tpu.memref_slice %arg17[%dma_wait3A_1504, %dma_wait3A_1505] : memref<512x1024xf32, #tpu.memory_space<vmem>> -> memref<512x1024xf32, #tpu.memory_space<vmem>>
    tpu.wait_dma2 semaphore(%dma_wait3A_1499 : memref<!tpu.dma_semaphore, #tpu.memory_space<semaphore_mem>>) src(%dma_wait3A_1506 : memref<512x1024xf32, #tpu.memory_space<vmem>>) dst(%dma_wait3A_1503 : memref<512x1024xf32, #tpu.memory_space<hbm>>)
    %dma_wait3A_1507 = arith.constant 4 : i32
    %dma_wait3A_1508 = arith.constant 2 : i32
    %dma_wait3A_1509 = tpu.memref_slice %arg20[%dma_wait3A_1508] : memref<4x!tpu.dma_semaphore, #tpu.memory_space<semaphore_mem>> -> memref<1x!tpu.dma_semaphore, #tpu.memory_space<semaphore_mem>>
    %dma_wait3A_1510 = tpu.memref_squeeze %dma_wait3A_1509 : memref<1x!tpu.dma_semaphore, #tpu.memory_space<semaphore_mem>> -> memref<!tpu.dma_semaphore, #tpu.memory_space<semaphore_mem>>
    %dma_wait3A_1511 = arith.constant 3072 : i32
    %dma_wait3A_1512 = arith.constant 0 : i32
    %dma_wait3A_1513 = tpu.memref_slice %arg8[%dma_wait3A_1507, %dma_wait3A_1511, %dma_wait3A_1512] : memref<5x4096x1024xf32, #tpu.memory_space<hbm>> -> memref<1x512x1024xf32, #tpu.memory_space<hbm>>
    %dma_wait3A_1514 = tpu.memref_squeeze %dma_wait3A_1513 : memref<1x512x1024xf32, #tpu.memory_space<hbm>> -> memref<512x1024xf32, #tpu.memory_space<hbm>>
    %dma_wait3A_1515 = arith.constant 0 : i32
    %dma_wait3A_1516 = arith.constant 0 : i32
    %dma_wait3A_1517 = tpu.memref_slice %arg17[%dma_wait3A_1515, %dma_wait3A_1516] : memref<512x1024xf32, #tpu.memory_space<vmem>> -> memref<512x1024xf32, #tpu.memory_space<vmem>>
    tpu.wait_dma2 semaphore(%dma_wait3A_1510 : memref<!tpu.dma_semaphore, #tpu.memory_space<semaphore_mem>>) src(%dma_wait3A_1517 : memref<512x1024xf32, #tpu.memory_space<vmem>>) dst(%dma_wait3A_1514 : memref<512x1024xf32, #tpu.memory_space<hbm>>)
    %dma_wait3A_1518 = arith.constant 4 : i32
    %dma_wait3A_1519 = arith.constant 3 : i32
    %dma_wait3A_1520 = tpu.memref_slice %arg20[%dma_wait3A_1519] : memref<4x!tpu.dma_semaphore, #tpu.memory_space<semaphore_mem>> -> memref<1x!tpu.dma_semaphore, #tpu.memory_space<semaphore_mem>>
    %dma_wait3A_1521 = tpu.memref_squeeze %dma_wait3A_1520 : memref<1x!tpu.dma_semaphore, #tpu.memory_space<semaphore_mem>> -> memref<!tpu.dma_semaphore, #tpu.memory_space<semaphore_mem>>
    %dma_wait3A_1522 = arith.constant 3584 : i32
    %dma_wait3A_1523 = arith.constant 0 : i32
    %dma_wait3A_1524 = tpu.memref_slice %arg8[%dma_wait3A_1518, %dma_wait3A_1522, %dma_wait3A_1523] : memref<5x4096x1024xf32, #tpu.memory_space<hbm>> -> memref<1x512x1024xf32, #tpu.memory_space<hbm>>
    %dma_wait3A_1525 = tpu.memref_squeeze %dma_wait3A_1524 : memref<1x512x1024xf32, #tpu.memory_space<hbm>> -> memref<512x1024xf32, #tpu.memory_space<hbm>>
    %dma_wait3A_1526 = arith.constant 0 : i32
    %dma_wait3A_1527 = arith.constant 0 : i32
    %dma_wait3A_1528 = tpu.memref_slice %arg17[%dma_wait3A_1526, %dma_wait3A_1527] : memref<512x1024xf32, #tpu.memory_space<vmem>> -> memref<512x1024xf32, #tpu.memory_space<vmem>>
    tpu.wait_dma2 semaphore(%dma_wait3A_1521 : memref<!tpu.dma_semaphore, #tpu.memory_space<semaphore_mem>>) src(%dma_wait3A_1528 : memref<512x1024xf32, #tpu.memory_space<vmem>>) dst(%dma_wait3A_1525 : memref<512x1024xf32, #tpu.memory_space<hbm>>)
    return
  }
}

</mosaic_0001>

<sc_bundles>
// kernel: kernel.4.cloned.1.call-start
scs
__scs_entry_jumppad:
0x0: {  	(pc) =	sbr.rel $0x88, $3  }
0x1: {  	(tag) =	ssettag $0x0;
	lr =	simm.s32 $0x1  }
0x2: {  	[smem:$0x3F99] =	sst lr;
	_ =	strace $0xD0000000  }
0x3: {  	_ = 	snop  }
0x4: {  	_ = 	snop  }
0x5: {  	_ = 	snop  }
0x6: {  	_ = 	snop  }
0x7: {  	_ = 	snop  }
__scs_overlays_trampoline_lowered:
0x8: {  	[smem:$0x3FA8] =	sst s0  }
0x9: {  	[smem:$0x3FA9] =	sst s1  }
0xa: {  	[smem:$0x3FAA] =	sst s2  }
0xb: {  	[smem:$0x3FAB] =	sst s3  }
0xc: {  	[smem:$0x3FAC] =	sst s4  }
0xd: {  	[smem:$0x3FAD] =	sst s5  }
0xe: {  	[smem:$0x3FAE] =	sst s6  }
0xf: {  	[smem:$0x3FAF] =	sst s7  }
0x10: {  	[smem:$0x3FB0] =	sst s8  }
0x11: {  	[smem:$0x3FB1] =	sst s9;
	s0 =	simm.s32 @!p0 $0x0  }
0x12: {  	s1 =	sld [smem:$0x3F97];
	s0 =	simm.s32 @p0 $0x1  }
0x13: {  	[smem:$0x3FB2] =	sst s0;
	s0 =	simm.s32 @!p1 $0x0  }
0x14: {  	s2 =	sld [smem:$0x3F96];
	s0 =	simm.s32 @p1 $0x1  }
0x15: {  	[smem:$0x3FB3] =	sst s0;
	s0 =	simm.s32 @!p2 $0x0  }
0x16: {  	s3 =	sld [smem:$0x3FDB];
	s0 =	simm.s32 @p2 $0x1  }
0x17: {  	s4 =	simm.s32 $0x1BF5;
	[smem:$0x3FB5] =	sst s0  }
0x18: {  	s0 =	sld [smem:$0x3F98];
	_ =	swait.ge [sflag:s4], $0x0  }
0x19: {  	s7 =	sld [smem:$0x3F99]  }
0x1a: {  	s8 =	sadd.s32 $0xFFFFE003, lr  }
0x1b: {  	s9 =	sadd.s32 $0xFFFFFEF7, lr;
	s5 =	simm.s32 $0xFFFFFFFF;
	p2 =	slt.u32 s8, $0xFFFFF086  }
0x1c: {  	p1 =	slt.u32 s9, $0xF7A;
	s5 =	simm.s32 @!p2 $0x0  }
0x1d: {  	s5 =	simm.s32 @p1 $0x1;
	p0 =	seq.s32 s7, s2  }
0x1e: {  	s7 =	smul.u32 @!p0 $0xF7A, s2;
	p2 =	seq.s32 @!p0 s5, $0x0  }
0x1f: {  	s9 =	smul.u32 $0xF7A, s1;
	s8 =	simm.s32 @!p0 $0x1BF5;
	p2 =	por !p2, p0  }
0x20: {  	[sflag:s8] =	ssyncset.s32 @!p0 $0xFFFFF086;
	s6 =	sadd.s32 @!p0 s3, s7;
	s7 =	simm.s32 @!p0 $0x108  }
0x21: {  	s3 =	sadd.s32 s3, s9;
	s6 =	sadd.s32 @!p0 $0x88, s6;
	s7 =	simm.s32 @p2 $0x1082  }
0x22: {  	[simem:s7], [sflag:s8] =	dma.local @!p0 [hbm:s6], $0xF7A  }
0x23: {  	s9 =	sor.u32 $0xD0000000, s2;
	s6 =	simm.s32 $0x108;
	_ =	swait.ge @!p0 [sflag:s8], $0x0  }
0x24: {  	s3 =	sadd.s32 $0x88, s3;
	s6 =	simm.s32 @!p1 $0x1082;
	[sflag:s4] =	ssyncset.s32 $0xFFFFF086  }
0x25: {  	[simem:s6], [sflag:s4] =	dma.local [hbm:s3], $0xF7A  }
0x26: {  	[smem:$0x3F99] =	sst s1;
	(tag) =	ssettag s2;
	_ =	strace s9  }
0x27: {  	s1 =	sld [smem:$0x3FA9]  }
0x28: {  	s2 =	sld [smem:$0x3FAA]  }
0x29: {  	s4 =	sld [smem:$0x3FAC]  }
0x2a: {  	p0 =	seq.s32 s5, $0x0;
	s5 =	sld [smem:$0x3FAD]  }
0x2b: {  	s6 =	sld [smem:$0x3FAE]  }
0x2c: {  	s7 =	sld [smem:$0x3FAF]  }
0x2d: {  	s3 =	simm.s32 $0x108;
	s8 =	sld [smem:$0x3FB0]  }
0x2e: {  	s3 =	simm.s32 @!p0 $0x1082;
	s9 =	sld [smem:$0x3FB1]  }
0x2f: {  	lr =	sadd.s32 s0, s3;
	s0 =	sld [smem:$0x3FA8]  }
0x30: {  	s3 =	sld [smem:$0x3FAB]  }
0x31: {  	[smem:$0x3FB4] =	sst s10  }
0x32: {  	s10 =	sld [smem:$0x3FB2];
	_ =	sdelay $0x3  }
0x33: {  	p0 =	seq.s32 s10, $0x1;
	s10 =	sld [smem:$0x3FB4];
	_ =	sdelay $0x3  }
0x34: {  	[smem:$0x3FB4] =	sst s10  }
0x35: {  	s10 =	sld [smem:$0x3FB3];
	_ =	sdelay $0x3  }
0x36: {  	p1 =	seq.s32 s10, $0x1;
	s10 =	sld [smem:$0x3FB4];
	_ =	sdelay $0x3  }
0x37: {  	[smem:$0x3FB4] =	sst s10  }
0x38: {  	s10 =	sld [smem:$0x3FB5]  }
0x39: {  	_ = 	snop;
	(pc) =	sbr.ind lr, $3  }
0x3a: {  	_ = 	snop  }
0x3b: {  	_ = 	snop  }
0x3c: {  	p2 =	seq.s32 s10, $0x1;
	s10 =	sld [smem:$0x3FB4]  }
0x3d: {  	_ =	shalt  }
0x3e: {  	_ =	shalt  }
0x3f: {  	_ =	shalt  }
0x40: {  	_ =	shalt  }
0x41: {  	_ =	shalt  }
0x42: {  	_ =	shalt  }
0x43: {  	_ =	shalt  }
0x44: {  	_ =	shalt  }
0x45: {  	_ =	shalt  }
0x46: {  	_ =	shalt  }
0x47: {  	_ =	shalt  }
0x48: {  	_ =	shalt  }
0x49: {  	_ =	shalt  }
0x4a: {  	_ =	shalt  }
0x4b: {  	_ =	shalt  }
0x4c: {  	_ =	shalt  }
0x4d: {  	_ =	shalt  }
0x4e: {  	_ =	shalt  }
0x4f: {  	_ =	shalt  }
0x50: {  	_ =	shalt  }
0x51: {  	_ =	shalt  }
0x52: {  	_ =	shalt  }
0x53: {  	_ =	shalt  }
0x54: {  	_ =	shalt  }
0x55: {  	_ =	shalt  }
0x56: {  	_ =	shalt  }
0x57: {  	_ =	shalt  }
0x58: {  	_ =	shalt  }
0x59: {  	_ =	shalt  }
0x5a: {  	_ =	shalt  }
0x5b: {  	_ =	shalt  }
0x5c: {  	_ =	shalt  }
0x5d: {  	_ =	shalt  }
0x5e: {  	_ =	shalt  }
0x5f: {  	_ =	shalt  }
0x60: {  	_ =	shalt  }
0x61: {  	_ =	shalt  }
0x62: {  	_ =	shalt  }
0x63: {  	_ =	shalt  }
0x64: {  	_ =	shalt  }
0x65: {  	_ =	shalt  }
0x66: {  	_ =	shalt  }
0x67: {  	_ =	shalt  }
0x68: {  	_ =	shalt  }
0x69: {  	_ =	shalt  }
0x6a: {  	_ =	shalt  }
0x6b: {  	_ =	shalt  }
0x6c: {  	_ =	shalt  }
0x6d: {  	_ =	shalt  }
0x6e: {  	_ =	shalt  }
0x6f: {  	_ =	shalt  }
0x70: {  	_ =	shalt  }
0x71: {  	_ =	shalt  }
0x72: {  	_ =	shalt  }
0x73: {  	_ =	shalt  }
0x74: {  	_ =	shalt  }
0x75: {  	_ =	shalt  }
0x76: {  	_ =	shalt  }
0x77: {  	_ =	shalt  }
0x78: {  	_ =	shalt  }
0x79: {  	_ =	shalt  }
0x7a: {  	_ =	shalt  }
0x7b: {  	_ =	shalt  }
0x7c: {  	_ =	shalt  }
0x7d: {  	_ =	shalt  }
0x7e: {  	_ =	shalt  }
0x7f: {  	_ =	shalt  }
0x80: {  	_ =	shalt  }
0x81: {  	_ =	shalt  }
0x82: {  	_ =	shalt  }
0x83: {  	_ =	shalt  }
0x84: {  	_ =	shalt  }
0x85: {  	_ =	shalt  }
0x86: {  	_ =	shalt  }
0x87: {  	_ =	shalt  }
.Lfunc_end0:
.L_simem_size_0:
called_computation_lowered:
.L_overlay_start_0:
0x88: {  	s2 =	sld [smem:$0x3FD9]  }
0x89: {  	s3 =	sld [smem:$0x3FFE];
	_ =	sdelay $0x1  }
0x8a: {  	s1 =	srdreg.scid  }
0x8b: {  	s0 =	sand.u32 $0x1, s1  }
0x8c: {  	s15 =	sshll.u32 s0, $0xA;
	s2 =	sadd.s32 s3, s2  }
0x8d: {  	s2 =	sadd.s32 s2, s15  }
0x8e: {  	[smem:$0x3FC0] =	sst s2  }
0x8f: {  	_ = 	snop  }
0x90: {  	s2 =	sld [smem:$0x3FD0];
	_ =	sdelay $0x2  }
0x91: {  	s16 =	simm.s32 $0xA;
	s4 =	simm.s32 $0x10  }
0x92: {  	[smem:s4], [sflag:s16] =	dma.local [hbm:s2], $0x1  }
0x93: {  	_ =	swait.eq [sflag:s16], $0x1  }
0x94: {  	[sflag:s16] =	ssyncset.done $0x0  }
0x95: {  	[sflag:s16] =	ssyncadd.s32 $0xFFFFFFFF  }
0x96: {  	s17 =	sld [smem:$0x11];
	(tm) =	ssettm $0x1  }
0x97: {  	s18 =	sld [smem:$0x3FFB];
	_ =	sdelay $0x3  }
0x98: {  	_ =	strace s18  }
0x99: {  	s3 =	sld [smem:$0x3FFC];
	_ =	sdelay $0x3  }
0x9a: {  	_ =	strace s3  }
0x9b: {  	s3 =	sld [smem:$0x3FFD];
	_ =	sdelay $0x3  }
0x9c: {  	_ =	strace s3  }
0x9d: {  	_ =	strace $0x8FFFFFFF  }
0x9e: {  	s19 =	sld [smem:$0x3FDB];
	_ =	sdelay $0x1  }
0x9f: {  	s20 =	simm.s32 $_scs_section_size  }
0xa0: {  	s5 =	simm.s32 $_size__tile_overlayer_lowered;
	s6 =	simm.s32 $_tile_overlayer_lowered  }
0xa1: {  	s23 =	simm.s32 $0x1BFF;
	s22 =	sshll.u32 s6, $0x1;
	s3 =	sadd.s32 s20, s19  }
0xa2: {  	s7 =	simm.s32 $0x0;
	s21 =	sshll.u32 s5, $0x1;
	s5 =	sadd.s32 s22, s3  }
0xa3: {  	[timem:s7], [sflag:s23] =	dma.local [hbm:s5], s21  }
0xa4: {  	_ =	swait.ge [sflag:s23], s21  }
0xa5: {  	s4 =	ssub.s32 $0x0, s21;
	[sflag:s23] =	ssyncset.done $0x0  }
0xa6: {  	[sflag:s23] =	ssyncadd.s32 s4;
	_ =	sdelay $0x1  }
0xa7: {  	s24 =	simm.s32 $0x1B8B  }
0xa8: {  	_ =	swait.ge [sflag:s24], $0x1  }
0xa9: {  	[sflag:s24] =	ssyncset.done $0x0  }
0xaa: {  	s25 =	simm.s32 $0x1B8E;
	[sflag:s24] =	ssyncadd.s32 $0xFFFFFFFF  }
0xab: {  	s26 =	simm.s32 $execute0_lowered;
	[smem:$0x3FD2] =	sst s25  }
0xac: {  	s4 =	sshll.u32 s26, $0x1;
	_ =	strace $0x80000046;
	[dreg:$0x1] =	wrdreg $0xFFFFFFFF  }
0xad: {  	s28 =	simm.s32 $_size_execute0_lowered;
	s3 =	sadd.s32 s3, s4;
	[dreg:$0x0] =	wrdreg $0x0  }
0xae: {  	s4 =	sshll.u32 s28, $0x1;
	[dreg:$0x2] =	wrdreg s3  }
0xaf: {  	[dreg:$0x3] =	wrdreg s4  }
0xb0: {  	[dreg:$0x4] =	wrdreg $0xC0  }
0xb1: {  	_ =	task [dreg:s7], $0x5FFFF  }
0xb2: {  	[dreg:$0x1] =	wrdreg $0xFFFFFFFF  }
0xb3: {  	[dreg:$0x0] =	wrdreg $0x60  }
0xb4: {  	[dreg:$0x2] =	wrdreg s17  }
0xb5: {  	[dreg:$0x3] =	wrdreg $0x9  }
0xb6: {  	_ =	task.clear_ibuf [dreg:s7], $0x4FFFF;
	_ =	strace $0x90000046  }
0xb7: {  	s29 =	simm.s32 $0x9;
	_ =	strace $0x80000048  }
0xb8: {  	_ =	swait.ge [sflag:s29], $0x1  }
0xb9: {  	[sflag:s29] =	ssyncadd.s32 $0xFFFFFFFF  }
0xba: {  	_ =	strace $0x90000048  }
0xbb: {  	_ =	sfence  }
0xbc: {  	s30 =	sld [smem:$0x0];
	_ =	sdelay $0x2  }
0xbd: {  	s31 =	sshll.u32 s1, $0xD;
	s1 =	sshrl.u32 s1, $0x2  }
0xbe: {  	s3 =	sand.u32 $0x4000, s31;
	s1 =	sadd.s32 s1, s30  }
0xbf: {  	s0 =	sor.u32 s3, s0;
	s1 =	sshll.u32 s1, $0x11  }
0xc0: {  	s0 =	sor.u32 s1, s0  }
0xc1: {  	s0 =	sadd.s32 $0x8F2B, s0  }
0xc2: {  	[sflag:s0] =	ssyncadd.remote.s32 $0x1  }
0xc3: {  	_ =	sfence.sel $0xFFFF  }
0xc4: {  	[dreg:$0x0] =	wrdreg $0xFFFFFFFF;
	(pc) =	sbr.abs _section_cstart, $3  }
0xc5: {  	[dreg:$0x1] =	wrdreg $0xFFFFFFFF  }
0xc6: {  	_ =	task.clear_ibuf [dreg:s7], $0x2FFFF;
	_ =	strace $0x9FFFFFFF  }
0xc7: {  	(tm) =	ssettm $0x7FFFFFFF  }
tec
execute0_lowered:
.L_overlay_start_1:
0x0: {  	(tag) =	ssettag $0x1  }
0x1: {  	s3 =	rddreg [dreg:$0x0];
	s2 =	simm.s32 $0x0  }
0x2: {  	v0 =	vimm.f32 $1.000000000e+00;
	[smem:$0x7FF] =	sst s2  }
0x3: {  	s0 =	rddreg [dreg:$0x1];
	_ =	strace $0x80000047;
	[tilespmem:$0x0] =	vst v0  }
0x4: {  	[tilespmem:$0x10] =	vst v0  }
0x5: {  	[tilespmem:$0x20] =	vst v0  }
0x6: {  	s4 =	srdreg.scid;
	[tilespmem:$0x30] =	vst v0  }
0x7: {  	s1 =	stileid.u32;
	s4 =	sand.u32 $0x1, s4;
	[tilespmem:$0x40] =	vst v0  }
0x8: {  	s5 =	sshll.u32 s1, $0x8;
	s6 =	sshll.u32 s4, $0x7;
	[tilespmem:$0x50] =	vst v0  }
0x9: {  	[tilespmem:$0x60] =	vst v0;
	s6 =	sor.u32 s6, s5  }
0xa: {  	[tilespmem:$0x70] =	vst v0;
	s3 =	sadd.s32 s3, s6  }
0xb: {  	[hbm4b:s3+s2] =	stream.linear.scatter [tilespmem:s2], [sflag:$0x1], $0x80, $0x38;
	[tilespmem:$0x400] =	vst v63  }
0xc: {  	[tilespmem:$0x80] =	vst v0  }
0xd: {  	[tilespmem:$0xE0] =	vst v0  }
0xe: {  	[tilespmem:$0xC0] =	vst v0  }
0xf: {  	[tilespmem:$0xB0] =	vst v0  }
0x10: {  	[tilespmem:$0xD0] =	vst v0  }
0x11: {  	s7 =	ssub.s32 $0x2, s4;
	[tilespmem:$0xA0] =	vst v0  }
0x12: {  	s5 =	simm.s32 $0x80;
	s8 =	sshrl.u32 s7, $0x1;
	[tilespmem:$0xF0] =	vst v0  }
0x13: {  	s7 =	ssub.s32 s7, s8;
	s9 =	sor.u32 $0x10, s6;
	s4 =	sadd.s32 $0x10, s3;
	[tilespmem:$0x90] =	vst v0  }
0x14: {  	[hbm4b:s4+s2] =	stream.linear.scatter [tilespmem:s5], [sflag:$0x1], $0x80, $0x38;
	[tilespmem:$0x400] =	vst v63  }
0x15: {  	s10 =	sor.u32 $0x20, s6;
	s11 =	sor.u32 $0x30, s6;
	s12 =	sor.u32 $0x40, s6;
	[tilespmem:$0x100] =	vst v0  }
0x16: {  	s13 =	sor.u32 $0x50, s6;
	s14 =	sor.u32 $0x60, s6;
	s15 =	sor.u32 $0x70, s6;
	[tilespmem:$0x150] =	vst v0  }
0x17: {  	p2 =	slt.u32 s6, $0x800;
	s8 =	sadd.s32 $0x20, s3;
	p0 =	slt.u32 s13, $0x800;
	[tilespmem:$0x110] =	vst v0  }
0x18: {  	s6 =	sadd.s32 $0x30, s3;
	p3 =	slt.u32 s9, $0x800;
	s9 =	simm.s32 @!p0 $0x0;
	[tilespmem:$0x120] =	vst v0  }
0x19: {  	p4 =	slt.u32 s10, $0x800;
	s30 =	smax.u32 s7, $0x1;
	s9 =	simm.s32 @p0 $0x1;
	[tilespmem:$0x140] =	vst v0  }
0x1a: {  	p5 =	slt.u32 s11, $0x800;
	v2 =	vpsel !p2, $0x0, v0;
	p2 =	sne.s32 s30, $0x1;
	[tilespmem:$0x160] =	vst v0;
	[smem:$0x7FD] =	sst s9  }
.Ltmp0:
0x1b: {  	p6 =	slt.u32 s12, $0x800;
	[tilespmem:$0x170] =	vst v0;
	s31 =	sld [smem:$0x7FD];
	(pc) =	sbr.rel @!p2 .LBB2_2-.Ltmp0, $4  }
0x1c: {  	p1 =	slt.u32 s14, $0x800;
	s11 =	simm.s32 $0x100;
	s12 =	simm.s32 $0x180;
	[tilespmem:$0x130] =	vst v0  }
0x1d: {  	v3 =	vpsel !p3, $0x0, v0;
	[hbm4b:s8+s2] =	stream.linear.scatter [tilespmem:s11], [sflag:$0x1], $0x80, $0x38;
	[tilespmem:$0x400] =	vst v63  }
0x1e: {  	s10 =	simm.s32 $0x200;
	v4 =	vpsel !p4, $0x0, v0;
	v5 =	vpsel !p5, $0x0, v0;
	v1 =	vpsel !p6, $0x0, v0;
	p0 =	slt.u32 s15, $0x800;
	[tilespmem:$0x1F0] =	vst v0;
	p6 =	seq.s32 s31, $0x1  }
0x1f: {  	s7 =	simm.s32 $0x1;
	v7 =	vpsel !p1, $0x0, v0;
	s13 =	sadd.s32 $0xFFFFFFFF, s30;
	s9 =	sadd.s32 $0x40, s3;
	v8 =	vpsel !p0, $0x0, v0;
	[tilespmem:$0x1E0] =	vst v0;
	v6 =	vpsel !p6, $0x0, v0  }
.LBB2_1:
0x20: {  	p0 =	sne.s32 s13, $0x1;
	s13 =	sadd.s32 $0xFFFFFFFF, s13;
	[tilespmem:$0x190] =	vst v0  }
0x21: {  	[tilespmem:$0x1A0] =	vst v0  }
0x22: {  	[tilespmem:$0x180] =	vst v0  }
0x23: {  	[tilespmem:$0x1B0] =	vst v0  }
0x24: {  	[tilespmem:$0x1D0] =	vst v0  }
0x25: {  	[tilespmem:$0x1C0] =	vst v0  }
0x26: {  	[hbm4b:s6+s2] =	stream.linear.scatter [tilespmem:s12], [sflag:$0x1], $0x80, $0x38;
	[tilespmem:$0x400] =	vst v63  }
0x27: {  	[tilespmem:$0x200] =	vst v2  }
0x28: {  	[tilespmem:$0x210] =	vst v3  }
0x29: {  	[tilespmem:$0x220] =	vst v4  }
0x2a: {  	[tilespmem:$0x230] =	vst v5  }
0x2b: {  	[tilespmem:$0x250] =	vst v6  }
0x2c: {  	[tilespmem:$0x260] =	vst v7  }
0x2d: {  	[tilespmem:$0x270] =	vst v8  }
0x2e: {  	[tilespmem:$0x240] =	vst v1  }
0x2f: {  	[hbm4b:s9+s2] =	stream.linear.scatter [tilespmem:s10], [sflag:$0x1], $0x80, $0x38;
	[tilespmem:$0x400] =	vst v63  }
0x30: {  	_ =	swait.ge [sflag:s7], $0x80  }
0x31: {  	[sflag:s7] =	ssyncset.done $0x0  }
0x32: {  	[sflag:s7] =	ssyncadd.s32 $0xFFFFFF80  }
0x33: {  	_ =	swait.ge [sflag:s7], $0x80  }
0x34: {  	[sflag:s7] =	ssyncset.done $0x0  }
0x35: {  	[sflag:s7] =	ssyncadd.s32 $0xFFFFFF80  }
0x36: {  	_ =	swait.ge [sflag:s7], $0x80  }
0x37: {  	[sflag:s7] =	ssyncset.done $0x0  }
0x38: {  	[sflag:s7] =	ssyncadd.s32 $0xFFFFFF80  }
0x39: {  	_ =	swait.ge [sflag:s7], $0x80  }
0x3a: {  	[sflag:s7] =	ssyncset.done $0x0  }
0x3b: {  	[sflag:s7] =	ssyncadd.s32 $0xFFFFFF80  }
0x3c: {  	_ =	swait.ge [sflag:s7], $0x80  }
0x3d: {  	[sflag:s7] =	ssyncset.done $0x0  }
0x3e: {  	[sflag:s7] =	ssyncadd.s32 $0xFFFFFF80;
	_ =	sdelay $0x1  }
0x3f: {  	[tilespmem:$0x0] =	vst v0  }
0x40: {  	[tilespmem:$0x10] =	vst v0  }
0x41: {  	[tilespmem:$0x20] =	vst v0  }
0x42: {  	[tilespmem:$0x30] =	vst v0  }
0x43: {  	[tilespmem:$0x40] =	vst v0  }
0x44: {  	[tilespmem:$0x50] =	vst v0  }
0x45: {  	[tilespmem:$0x60] =	vst v0  }
0x46: {  	[tilespmem:$0x70] =	vst v0  }
0x47: {  	[hbm4b:s3+s2] =	stream.linear.scatter [tilespmem:s2], [sflag:$0x1], $0x80, $0x38;
	[tilespmem:$0x400] =	vst v63  }
0x48: {  	[tilespmem:$0x80] =	vst v0  }
0x49: {  	[tilespmem:$0xE0] =	vst v0  }
0x4a: {  	[tilespmem:$0xC0] =	vst v0  }
0x4b: {  	[tilespmem:$0xB0] =	vst v0  }
0x4c: {  	[tilespmem:$0xD0] =	vst v0  }
0x4d: {  	[tilespmem:$0xA0] =	vst v0  }
0x4e: {  	[tilespmem:$0xF0] =	vst v0  }
0x4f: {  	[tilespmem:$0x90] =	vst v0  }
0x50: {  	[hbm4b:s4+s2] =	stream.linear.scatter [tilespmem:s5], [sflag:$0x1], $0x80, $0x38;
	[tilespmem:$0x400] =	vst v63  }
0x51: {  	[tilespmem:$0x100] =	vst v0  }
0x52: {  	[tilespmem:$0x150] =	vst v0  }
0x53: {  	[tilespmem:$0x110] =	vst v0  }
0x54: {  	[tilespmem:$0x120] =	vst v0  }
0x55: {  	[tilespmem:$0x140] =	vst v0  }
0x56: {  	[tilespmem:$0x160] =	vst v0  }
.Ltmp1:
0x57: {  	[tilespmem:$0x170] =	vst v0;
	(pc) =	sbr.rel @p0 .LBB2_1-.Ltmp1, $4  }
0x58: {  	[tilespmem:$0x130] =	vst v0  }
0x59: {  	[hbm4b:s8+s2] =	stream.linear.scatter [tilespmem:s11], [sflag:$0x1], $0x80, $0x38;
	[tilespmem:$0x400] =	vst v63  }
0x5a: {  	[tilespmem:$0x1F0] =	vst v0  }
0x5b: {  	[tilespmem:$0x1E0] =	vst v0  }
.LBB2_2:
0x5c: {  	[tilespmem:$0x190] =	vst v0  }
0x5d: {  	[tilespmem:$0x1A0] =	vst v0  }
0x5e: {  	[tilespmem:$0x180] =	vst v0  }
0x5f: {  	[tilespmem:$0x1B0] =	vst v0  }
0x60: {  	[tilespmem:$0x1D0] =	vst v0  }
0x61: {  	[tilespmem:$0x1C0] =	vst v0  }
0x62: {  	[hbm4b:s6+s2] =	stream.linear.scatter [tilespmem:s12], [sflag:$0x1], $0x80, $0x38;
	[tilespmem:$0x400] =	vst v63  }
0x63: {  	[tilespmem:$0x200] =	vst v2  }
0x64: {  	[tilespmem:$0x210] =	vst v3  }
0x65: {  	[tilespmem:$0x220] =	vst v4  }
0x66: {  	[tilespmem:$0x230] =	vst v5  }
0x67: {  	[tilespmem:$0x250] =	vst v6  }
0x68: {  	[tilespmem:$0x260] =	vst v7  }
0x69: {  	[tilespmem:$0x270] =	vst v8  }
0x6a: {  	[tilespmem:$0x240] =	vst v1  }
0x6b: {  	[hbm4b:s9+s2] =	stream.linear.scatter [tilespmem:s10], [sflag:$0x1], $0x80, $0x38;
	[tilespmem:$0x400] =	vst v63  }
0x6c: {  	_ =	swait.ge [sflag:s7], $0x80  }
0x6d: {  	[sflag:s7] =	ssyncset.done $0x0  }
0x6e: {  	[sflag:s7] =	ssyncadd.s32 $0xFFFFFF80  }
0x6f: {  	_ =	swait.ge [sflag:s7], $0x80  }
0x70: {  	[sflag:s7] =	ssyncset.done $0x0  }
0x71: {  	[sflag:s7] =	ssyncadd.s32 $0xFFFFFF80  }
0x72: {  	_ =	swait.ge [sflag:s7], $0x80  }
0x73: {  	[sflag:s7] =	ssyncset.done $0x0  }
0x74: {  	[sflag:s7] =	ssyncadd.s32 $0xFFFFFF80  }
0x75: {  	_ =	swait.ge [sflag:s7], $0x80  }
0x76: {  	[sflag:s7] =	ssyncset.done $0x0  }
0x77: {  	[sflag:s7] =	ssyncadd.s32 $0xFFFFFF80  }
0x78: {  	_ =	swait.ge [sflag:s7], $0x80  }
0x79: {  	[sflag:s7] =	ssyncset.done $0x0  }
0x7a: {  	[sflag:s7] =	ssyncadd.s32 $0xFFFFFF80  }
0x7b: {  	_ =	sfence.sel $0x180000  }
0x7c: {  	[bflag:$0x0] =	sbarrier.arrive $0xFFFF  }
0x7d: {  	p0 =	sne.s32 s1, $0x0;
	_ =	strace $0x90000047  }
0x7e: {  	s0 =	sadd.s32 @!p0 $0x100000, s0;
	[bflag:$0x2] =	sbarrier.arrive $0xFFFF  }
0x7f: {  	[sflag:s0] =	ssyncadd.tile.s32 @!p0 $0x1;
	_ =	shalt  }
.Lfunc_end2:
_tile_overlayer_lowered:
.L_overlay_start_2:
0x80: {  	(tag) =	ssettag $0x2  }
0x81: {  	s0 =	rddreg [dreg:$0x0];
	s2 =	stileid.u32  }
0x82: {  	s1 =	rddreg [dreg:$0x1];
	p0 =	sne.s32 s2, $0x0  }
0x83: {  	s3 =	rddreg [dreg:$0x2];
	[bflag:$0x3] =	sbarrier.arrive $0xFFFF;
	s2 =	simm.s32 @!p0 $0x1C02  }
0x84: {  	[timem:s3], [sflag:s2] =	dma.local @!p0 [hbm:s0], s1  }
0x85: {  	s0 =	simm.s32 @!p0 $0x2  }
0x86: {  	_ =	swait.ge @!p0 [sflag:s0], s1  }
0x87: {  	s1 =	ssub.s32 @!p0 $0x0, s1;
	[sflag:s0] =	ssyncset.done @!p0 $0x0  }
0x88: {  	[sflag:s0] =	ssyncadd.s32 @!p0 s1  }
0x89: {  	[bflag:$0x3] =	sbarrier.arrive $0xFFFF  }
0x8a: {  	_ =	shalt  }

</sc_bundles>
